<compile_context>
chip_gen: v7x
topology: tpu7x:2x2x1
jax: 0.10.2.dev20260603
libtpu: 0.0.44.dev20260713+nightly
codegen_flags: <defaults>
</compile_context>

<pallas_src>
import jax
import jax.numpy as jnp
from jax import lax
from jax.experimental import pallas as pl
from jax.experimental.pallas import tpu as pltpu
from jax.experimental.pallas import tpu_sc as plsc

NUM_SEQ = 4096
NUM_CLS = 1024
BLANK = 0
_BIG = 1 << 30
_NEG_INF = float("-inf")

_SC_ROWS = 1536
_TC_ROWS = NUM_SEQ - _SC_ROWS
_S = _TC_ROWS

_NC = 2
_NS = 16
_NW = _NC * _NS
_ROWS_PER_W = _SC_ROWS // _NW
_BLK = 16
_NBLK = _ROWS_PER_W // _BLK
_NBUF = min(4, _NBLK)
_RIF = 8
_NCHUNK = NUM_CLS // 16

_TC_R = 512


def _take16(x, idx):
    dn = lax.GatherDimensionNumbers(
        offset_dims=(), collapsed_slice_dims=(0,), start_index_map=(0,))
    return lax.gather(x, idx[:, None], dn, slice_sizes=(1,),
                      mode=lax.GatherScatterMode.PROMISE_IN_BOUNDS)


def _scan_rows(rows, iota):
    init = tuple(
        (jnp.full((16,), _NEG_INF, jnp.float32), jnp.zeros((16,), jnp.int32))
        for _ in rows
    )

    def body(j, accs):
        jb = j * 16
        jvec = jnp.full((16,), jb, jnp.int32)
        out = []
        for r, (buf, row) in enumerate(rows):
            m, ix = accs[r]
            v = buf[row, pl.ds(jb, 16)]
            upd = v > m
            out.append((jnp.where(upd, v, m), jnp.where(upd, jvec, ix)))
        return tuple(out)

    accs = lax.fori_loop(0, _NCHUNK, body, init)

    results = []
    for m, ix in accs:
        mx = jnp.max(m)
        cand = jnp.where(m == mx, ix + iota, _BIG)
        results.append(jnp.min(cand))
    return results


def _sc_body(em_hbm, out_hbm, b0, b1, b2, b3, pbuf, outv, s0, s1, s2, s3):
    bufs = (b0, b1, b2, b3)
    sems = (s0, s1, s2, s3)
    cid = lax.axis_index("c")
    sid = lax.axis_index("s")
    wid = sid * _NC + cid
    row0 = _S + wid * _ROWS_PER_W

    def start(b):
        return pltpu.async_copy(
            em_hbm.at[pl.ds(row0 + b * _BLK, _BLK), :],
            bufs[b % _NBUF], sems[b % _NBUF])

    handles = [start(b) for b in range(_NBUF)]

    riota = lax.iota(jnp.int32, 16)
    shift_idx = jnp.maximum(riota - 1, 0)

    pcopy = pltpu.async_copy(em_hbm.at[pl.ds(row0 - 1, 1), :], pbuf, sems[0])

    prev_last = jnp.int32(-1)
    for b in range(_NBLK):
        if b == 0:
            pcopy.wait()
        handles[b % _NBUF].wait()
        buf = bufs[b % _NBUF]
        cs = []
        for r0 in range(0, _BLK, _RIF):
            rows = [(buf, r0 + r) for r in range(_RIF)]
            if b == 0 and r0 == 0:
                rows.append((pbuf, 0))
                res = _scan_rows(rows, riota)
                prev_last = res[_RIF]
                cs.extend(res[:_RIF])
            else:
                cs.extend(_scan_rows(rows, riota))
        idxv = jnp.full((16,), -1, jnp.int32)
        for r, c in enumerate(cs):
            idxv = jnp.where(riota == r, c, idxv)
        shifted = _take16(idxv, shift_idx)
        prevv = jnp.where(riota == 0, prev_last, shifted)
        keep = (idxv != prevv) & (idxv != BLANK)
        outv[pl.ds(b * _BLK, _BLK)] = jnp.where(keep, idxv, -1)
        prev_last = cs[_BLK - 1]
        if b + _NBUF < _NBLK:
            handles[b % _NBUF] = start(b + _NBUF)

    pltpu.sync_copy(outv, out_hbm.at[pl.ds(wid * _ROWS_PER_W, _ROWS_PER_W)])


_sc_decode = pl.kernel(
    _sc_body,
    out_type=jax.ShapeDtypeStruct((_SC_ROWS,), jnp.int32),
    mesh=plsc.VectorSubcoreMesh(core_axis_name="c", subcore_axis_name="s"),
    compiler_params=pltpu.CompilerParams(
        needs_layout_passes=False, disable_bounds_checks=True),
    scratch_types=[
        pltpu.VMEM((_BLK, NUM_CLS), jnp.float32),
        pltpu.VMEM((_BLK, NUM_CLS), jnp.float32),
        pltpu.VMEM((_BLK, NUM_CLS), jnp.float32),
        pltpu.VMEM((_BLK, NUM_CLS), jnp.float32),
        pltpu.VMEM((1, NUM_CLS), jnp.float32),
        pltpu.VMEM((_ROWS_PER_W,), jnp.int32),
        pltpu.SemaphoreType.DMA,
        pltpu.SemaphoreType.DMA,
        pltpu.SemaphoreType.DMA,
        pltpu.SemaphoreType.DMA,
    ],
)


def _tc_body(em_ref, out_ref, prev_ref):
    @pl.when(pl.program_id(0) == 0)
    def _init():
        prev_ref[0] = jnp.int32(-1)

    x = em_ref[...]
    m = jnp.max(x, axis=1, keepdims=True)
    colio = lax.broadcasted_iota(jnp.int32, x.shape, 1)
    cand = jnp.where(x == m, colio, _BIG)
    idx = jnp.min(cand, axis=1)
    ps = prev_ref[0]
    shifted = jnp.concatenate([jnp.full((1,), ps, jnp.int32), idx[:-1]])
    keep = (idx != shifted) & (idx != BLANK)
    out_ref[...] = jnp.where(keep, idx, -1)
    prev_ref[0] = idx[_TC_R - 1]


_tc_decode = pl.pallas_call(
    _tc_body,
    grid=(_TC_ROWS // _TC_R,),
    in_specs=[pl.BlockSpec((_TC_R, NUM_CLS), lambda i: (i, 0))],
    out_specs=pl.BlockSpec((_TC_R,), lambda i: (i,)),
    out_shape=jax.ShapeDtypeStruct((_TC_ROWS,), jnp.int32),
    scratch_shapes=[pltpu.SMEM((1,), jnp.int32)],
)


@jax.jit
def kernel(emission):
    sc_out = _sc_decode(emission)
    tc_out = _tc_decode(emission)
    return jnp.concatenate([tc_out, sc_out])

# --- scband reference (transcript-rebuilt; emitter-appended) ---
"""Pipeline reference for scband-greedy-ctcdecoder-2465311228160 (READ-ONLY COPY).

The authoritative reference and input builder live on the scoring server;
editing this copy changes nothing except your own understanding.
"""

import jax, jax.numpy as jnp
import numpy as np

BLANK = 0

def setup_inputs(seed: int = 0) -> dict:
    key = jax.random.key(seed)
    emission = jax.random.normal(key, (4096, 1024), dtype=jnp.float32)
    return {"emission": emission}

def reference(emission):
    # Greedy CTC decode, expressed with fixed shapes (jit-friendly):
    # 1) best label per frame
    indices = jnp.argmax(emission, axis=-1)
    # 2) collapse consecutive repeats (torch.unique_consecutive equivalent via mask)
    prev = jnp.concatenate([jnp.full((1,), -1, dtype=indices.dtype), indices[:-1]])
    keep = (indices != prev) & (indices != BLANK)
    # 3) blank / repeated positions are marked -1 instead of being removed,
    #    so the output has a static shape [num_seq]
    decoded = jnp.where(keep, indices, -1)
    return decoded

if __name__ == "__main__":
    import jax
    _d = setup_inputs()
    print(jax.jit(kernel)(*tuple(_d.values())))

</pallas_src>

<mosaic_0001>
#map = affine_map<(d0, d1) -> (0, 0)>
#map1 = affine_map<(d0, d1) -> (0)>
module attributes {stable_mosaic.version = 14 : i64} {
  func.func @_sc_body(%arg0: i32, %arg1: i32, %arg2: memref<4096x1024xf32, #tpu.memory_space<hbm>>, %arg3: memref<1536xi32, #tpu.memory_space<hbm>>, %arg4: memref<16x1024xf32, #tpu.memory_space<vmem>>, %arg5: memref<16x1024xf32, #tpu.memory_space<vmem>>, %arg6: memref<16x1024xf32, #tpu.memory_space<vmem>>, %arg7: memref<16x1024xf32, #tpu.memory_space<vmem>>, %arg8: memref<1x1024xf32, #tpu.memory_space<vmem>>, %arg9: memref<48xi32, #tpu.memory_space<vmem>>, %arg10: memref<!tpu.dma_semaphore, #tpu.memory_space<semaphore_mem>>, %arg11: memref<!tpu.dma_semaphore, #tpu.memory_space<semaphore_mem>>, %arg12: memref<!tpu.dma_semaphore, #tpu.memory_space<semaphore_mem>>, %arg13: memref<!tpu.dma_semaphore, #tpu.memory_space<semaphore_mem>>) attributes {dimension_semantics = [#tpu.dimension_semantics<core_parallel>, #tpu.dimension_semantics<subcore_parallel>], iteration_bounds = array<i64: 2, 16>, scalar_prefetch = 0 : i64, scratch_operands = 10 : i64, tpu.core_type = #tpu.core_type<sc_vector_subcore>, window_params = [{transform_indices = #map}, {transform_indices = #map1}]} {
    %mul3A = arith.constant 2 : i32
    %mul3A_0 = arith.muli %arg1, %mul3A : i32
    %add3A = arith.addi %mul3A_0, %arg0 : i32
    %mul3A_1 = arith.constant 48 : i32
    %mul3A_2 = arith.muli %add3A, %mul3A_1 : i32
    %add3A_3 = arith.constant 2560 : i32
    %add3A_4 = arith.addi %add3A_3, %mul3A_2 : i32
    %add3A_5 = arith.constant 0 : i32
    %add3A_6 = arith.addi %add3A_4, %add3A_5 : i32
    %dma_start3A = arith.constant 0 : i32
    %dma_start3A_7 = tpu.memref_slice %arg2[%add3A_6, %dma_start3A] : memref<4096x1024xf32, #tpu.memory_space<hbm>> -> memref<16x1024xf32, #tpu.memory_space<hbm>>
    %dma_start3A_8 = arith.constant 0 : i32
    %dma_start3A_9 = tpu.memref_slice %arg2[%add3A_6, %dma_start3A_8] : memref<4096x1024xf32, #tpu.memory_space<hbm>> -> memref<16x1024xf32, #tpu.memory_space<hbm>>
    tpu.enqueue_dma source(%dma_start3A_9 : memref<16x1024xf32, #tpu.memory_space<hbm>>) target(%arg4 : memref<16x1024xf32, #tpu.memory_space<vmem>>) target_semaphore(%arg10 : memref<!tpu.dma_semaphore, #tpu.memory_space<semaphore_mem>>)
    %add3A_10 = arith.constant 16 : i32
    %add3A_11 = arith.addi %add3A_4, %add3A_10 : i32
    %dma_start3A_12 = arith.constant 0 : i32
    %dma_start3A_13 = tpu.memref_slice %arg2[%add3A_11, %dma_start3A_12] : memref<4096x1024xf32, #tpu.memory_space<hbm>> -> memref<16x1024xf32, #tpu.memory_space<hbm>>
    %dma_start3A_14 = arith.constant 0 : i32
    %dma_start3A_15 = tpu.memref_slice %arg2[%add3A_11, %dma_start3A_14] : memref<4096x1024xf32, #tpu.memory_space<hbm>> -> memref<16x1024xf32, #tpu.memory_space<hbm>>
    tpu.enqueue_dma source(%dma_start3A_15 : memref<16x1024xf32, #tpu.memory_space<hbm>>) target(%arg5 : memref<16x1024xf32, #tpu.memory_space<vmem>>) target_semaphore(%arg11 : memref<!tpu.dma_semaphore, #tpu.memory_space<semaphore_mem>>)
    %add3A_16 = arith.constant 32 : i32
    %add3A_17 = arith.addi %add3A_4, %add3A_16 : i32
    %dma_start3A_18 = arith.constant 0 : i32
    %dma_start3A_19 = tpu.memref_slice %arg2[%add3A_17, %dma_start3A_18] : memref<4096x1024xf32, #tpu.memory_space<hbm>> -> memref<16x1024xf32, #tpu.memory_space<hbm>>
    %dma_start3A_20 = arith.constant 0 : i32
    %dma_start3A_21 = tpu.memref_slice %arg2[%add3A_17, %dma_start3A_20] : memref<4096x1024xf32, #tpu.memory_space<hbm>> -> memref<16x1024xf32, #tpu.memory_space<hbm>>
    tpu.enqueue_dma source(%dma_start3A_21 : memref<16x1024xf32, #tpu.memory_space<hbm>>) target(%arg6 : memref<16x1024xf32, #tpu.memory_space<vmem>>) target_semaphore(%arg12 : memref<!tpu.dma_semaphore, #tpu.memory_space<semaphore_mem>>)
    %iota3A = tpu.iota {dimensions = array<i32: 0>} : vector<16xi32>
    %sub3A = arith.constant 1 : i32
    %sub3A_22 = vector.broadcast %sub3A : i32 to vector<16xi32>
    %sub3A_23 = arith.subi %iota3A, %sub3A_22 : vector<16xi32>
    %max3A = arith.constant 0 : i32
    %max3A_24 = vector.broadcast %max3A : i32 to vector<16xi32>
    %max3A_25 = arith.maxsi %sub3A_23, %max3A_24 : vector<16xi32>
    %sub3A_26 = arith.constant 1 : i32
    %sub3A_27 = arith.subi %add3A_4, %sub3A_26 : i32
    %dma_start3A_28 = arith.constant 0 : i32
    %dma_start3A_29 = tpu.memref_slice %arg2[%sub3A_27, %dma_start3A_28] : memref<4096x1024xf32, #tpu.memory_space<hbm>> -> memref<1x1024xf32, #tpu.memory_space<hbm>>
    %dma_start3A_30 = arith.constant 0 : i32
    %dma_start3A_31 = tpu.memref_slice %arg2[%sub3A_27, %dma_start3A_30] : memref<4096x1024xf32, #tpu.memory_space<hbm>> -> memref<1x1024xf32, #tpu.memory_space<hbm>>
    tpu.enqueue_dma source(%dma_start3A_31 : memref<1x1024xf32, #tpu.memory_space<hbm>>) target(%arg8 : memref<1x1024xf32, #tpu.memory_space<vmem>>) target_semaphore(%arg10 : memref<!tpu.dma_semaphore, #tpu.memory_space<semaphore_mem>>)
    %dma_wait3A = arith.constant 0 : i32
    %dma_wait3A_32 = tpu.memref_slice %arg2[%sub3A_27, %dma_wait3A] : memref<4096x1024xf32, #tpu.memory_space<hbm>> -> memref<1x1024xf32, #tpu.memory_space<hbm>>
    %dma_wait3A_33 = arith.constant 0 : i32
    %dma_wait3A_34 = tpu.memref_slice %arg2[%sub3A_27, %dma_wait3A_33] : memref<4096x1024xf32, #tpu.memory_space<hbm>> -> memref<1x1024xf32, #tpu.memory_space<hbm>>
    tpu.wait_dma2 semaphore(%arg10 : memref<!tpu.dma_semaphore, #tpu.memory_space<semaphore_mem>>) src(%dma_wait3A_34 : memref<1x1024xf32, #tpu.memory_space<hbm>>) dst(%arg8 : memref<1x1024xf32, #tpu.memory_space<vmem>>)
    %dma_wait3A_35 = arith.constant 0 : i32
    %dma_wait3A_36 = tpu.memref_slice %arg2[%add3A_6, %dma_wait3A_35] : memref<4096x1024xf32, #tpu.memory_space<hbm>> -> memref<16x1024xf32, #tpu.memory_space<hbm>>
    %dma_wait3A_37 = arith.constant 0 : i32
    %dma_wait3A_38 = tpu.memref_slice %arg2[%add3A_6, %dma_wait3A_37] : memref<4096x1024xf32, #tpu.memory_space<hbm>> -> memref<16x1024xf32, #tpu.memory_space<hbm>>
    tpu.wait_dma2 semaphore(%arg10 : memref<!tpu.dma_semaphore, #tpu.memory_space<semaphore_mem>>) src(%dma_wait3A_38 : memref<16x1024xf32, #tpu.memory_space<hbm>>) dst(%arg4 : memref<16x1024xf32, #tpu.memory_space<vmem>>)
    %broadcast_in_dim3A = arith.constant 0xFF800000 : f32
    %broadcast_in_dim3A_39 = vector.broadcast %broadcast_in_dim3A : f32 to vector<16xf32>
    %broadcast_in_dim3A_40 = arith.constant 0 : i32
    %broadcast_in_dim3A_41 = vector.broadcast %broadcast_in_dim3A_40 : i32 to vector<16xi32>
    %broadcast_in_dim3A_42 = arith.constant 0xFF800000 : f32
    %broadcast_in_dim3A_43 = vector.broadcast %broadcast_in_dim3A_42 : f32 to vector<16xf32>
    %broadcast_in_dim3A_44 = arith.constant 0 : i32
    %broadcast_in_dim3A_45 = vector.broadcast %broadcast_in_dim3A_44 : i32 to vector<16xi32>
    %broadcast_in_dim3A_46 = arith.constant 0xFF800000 : f32
    %broadcast_in_dim3A_47 = vector.broadcast %broadcast_in_dim3A_46 : f32 to vector<16xf32>
    %broadcast_in_dim3A_48 = arith.constant 0 : i32
    %broadcast_in_dim3A_49 = vector.broadcast %broadcast_in_dim3A_48 : i32 to vector<16xi32>
    %broadcast_in_dim3A_50 = arith.constant 0xFF800000 : f32
    %broadcast_in_dim3A_51 = vector.broadcast %broadcast_in_dim3A_50 : f32 to vector<16xf32>
    %broadcast_in_dim3A_52 = arith.constant 0 : i32
    %broadcast_in_dim3A_53 = vector.broadcast %broadcast_in_dim3A_52 : i32 to vector<16xi32>
    %broadcast_in_dim3A_54 = arith.constant 0xFF800000 : f32
    %broadcast_in_dim3A_55 = vector.broadcast %broadcast_in_dim3A_54 : f32 to vector<16xf32>
    %broadcast_in_dim3A_56 = arith.constant 0 : i32
    %broadcast_in_dim3A_57 = vector.broadcast %broadcast_in_dim3A_56 : i32 to vector<16xi32>
    %broadcast_in_dim3A_58 = arith.constant 0xFF800000 : f32
    %broadcast_in_dim3A_59 = vector.broadcast %broadcast_in_dim3A_58 : f32 to vector<16xf32>
    %broadcast_in_dim3A_60 = arith.constant 0 : i32
    %broadcast_in_dim3A_61 = vector.broadcast %broadcast_in_dim3A_60 : i32 to vector<16xi32>
    %broadcast_in_dim3A_62 = arith.constant 0xFF800000 : f32
    %broadcast_in_dim3A_63 = vector.broadcast %broadcast_in_dim3A_62 : f32 to vector<16xf32>
    %broadcast_in_dim3A_64 = arith.constant 0 : i32
    %broadcast_in_dim3A_65 = vector.broadcast %broadcast_in_dim3A_64 : i32 to vector<16xi32>
    %broadcast_in_dim3A_66 = arith.constant 0xFF800000 : f32
    %broadcast_in_dim3A_67 = vector.broadcast %broadcast_in_dim3A_66 : f32 to vector<16xf32>
    %broadcast_in_dim3A_68 = arith.constant 0 : i32
    %broadcast_in_dim3A_69 = vector.broadcast %broadcast_in_dim3A_68 : i32 to vector<16xi32>
    %broadcast_in_dim3A_70 = arith.constant 0xFF800000 : f32
    %broadcast_in_dim3A_71 = vector.broadcast %broadcast_in_dim3A_70 : f32 to vector<16xf32>
    %broadcast_in_dim3A_72 = arith.constant 0 : i32
    %broadcast_in_dim3A_73 = vector.broadcast %broadcast_in_dim3A_72 : i32 to vector<16xi32>
    %scan3A = arith.constant 0 : i32
    %scan3A_74 = arith.constant 64 : i32
    %scan3A_75 = arith.addi %scan3A, %scan3A_74 : i32
    %scan3A_76 = arith.constant 1 : i32
    %scan3A_77:18 = scf.for %scan3A_1452 = %scan3A to %scan3A_75 step %scan3A_76 iter_args(%scan3A_1453 = %broadcast_in_dim3A_39, %scan3A_1454 = %broadcast_in_dim3A_41, %scan3A_1455 = %broadcast_in_dim3A_43, %scan3A_1456 = %broadcast_in_dim3A_45, %scan3A_1457 = %broadcast_in_dim3A_47, %scan3A_1458 = %broadcast_in_dim3A_49, %scan3A_1459 = %broadcast_in_dim3A_51, %scan3A_1460 = %broadcast_in_dim3A_53, %scan3A_1461 = %broadcast_in_dim3A_55, %scan3A_1462 = %broadcast_in_dim3A_57, %scan3A_1463 = %broadcast_in_dim3A_59, %scan3A_1464 = %broadcast_in_dim3A_61, %scan3A_1465 = %broadcast_in_dim3A_63, %scan3A_1466 = %broadcast_in_dim3A_65, %scan3A_1467 = %broadcast_in_dim3A_67, %scan3A_1468 = %broadcast_in_dim3A_69, %scan3A_1469 = %broadcast_in_dim3A_71, %scan3A_1470 = %broadcast_in_dim3A_73) -> (vector<16xf32>, vector<16xi32>, vector<16xf32>, vector<16xi32>, vector<16xf32>, vector<16xi32>, vector<16xf32>, vector<16xi32>, vector<16xf32>, vector<16xi32>, vector<16xf32>, vector<16xi32>, vector<16xf32>, vector<16xi32>, vector<16xf32>, vector<16xi32>, vector<16xf32>, vector<16xi32>)  : i32 {
      %mul3A_1471 = arith.constant 16 : i32
      %mul3A_1472 = arith.muli %scan3A_1452, %mul3A_1471 : i32
      %broadcast_in_dim3A_1473 = vector.broadcast %mul3A_1472 : i32 to vector<16xi32>
      %get3A = arith.constant 0 : i32
      %get3A_1474 = arith.index_cast %get3A : i32 to index
      %get3A_1475 = arith.index_cast %mul3A_1472 : i32 to index
      %get3A_1476 = tpu.vector_load %arg4[%get3A_1474, %get3A_1475] {strides = array<i32>} : memref<16x1024xf32, #tpu.memory_space<vmem>>, vector<16xf32>,
      %gt3A = arith.cmpf ogt, %get3A_1476, %scan3A_1453 : vector<16xf32>
      %select_n3A_1477 = arith.select %gt3A, %get3A_1476, %scan3A_1453 : vector<16xi1>, vector<16xf32>
      %select_n3A_1478 = arith.select %gt3A, %broadcast_in_dim3A_1473, %scan3A_1454 : vector<16xi1>, vector<16xi32>
      %get3A_1479 = arith.constant 1 : i32
      %get3A_1480 = arith.index_cast %get3A_1479 : i32 to index
      %get3A_1481 = arith.index_cast %mul3A_1472 : i32 to index
      %get3A_1482 = tpu.vector_load %arg4[%get3A_1480, %get3A_1481] {strides = array<i32>} : memref<16x1024xf32, #tpu.memory_space<vmem>>, vector<16xf32>,
      %gt3A_1483 = arith.cmpf ogt, %get3A_1482, %scan3A_1455 : vector<16xf32>
      %select_n3A_1484 = arith.select %gt3A_1483, %get3A_1482, %scan3A_1455 : vector<16xi1>, vector<16xf32>
      %select_n3A_1485 = arith.select %gt3A_1483, %broadcast_in_dim3A_1473, %scan3A_1456 : vector<16xi1>, vector<16xi32>
      %get3A_1486 = arith.constant 2 : i32
      %get3A_1487 = arith.index_cast %get3A_1486 : i32 to index
      %get3A_1488 = arith.index_cast %mul3A_1472 : i32 to index
      %get3A_1489 = tpu.vector_load %arg4[%get3A_1487, %get3A_1488] {strides = array<i32>} : memref<16x1024xf32, #tpu.memory_space<vmem>>, vector<16xf32>,
      %gt3A_1490 = arith.cmpf ogt, %get3A_1489, %scan3A_1457 : vector<16xf32>
      %select_n3A_1491 = arith.select %gt3A_1490, %get3A_1489, %scan3A_1457 : vector<16xi1>, vector<16xf32>
      %select_n3A_1492 = arith.select %gt3A_1490, %broadcast_in_dim3A_1473, %scan3A_1458 : vector<16xi1>, vector<16xi32>
      %get3A_1493 = arith.constant 3 : i32
      %get3A_1494 = arith.index_cast %get3A_1493 : i32 to index
      %get3A_1495 = arith.index_cast %mul3A_1472 : i32 to index
      %get3A_1496 = tpu.vector_load %arg4[%get3A_1494, %get3A_1495] {strides = array<i32>} : memref<16x1024xf32, #tpu.memory_space<vmem>>, vector<16xf32>,
      %gt3A_1497 = arith.cmpf ogt, %get3A_1496, %scan3A_1459 : vector<16xf32>
      %select_n3A_1498 = arith.select %gt3A_1497, %get3A_1496, %scan3A_1459 : vector<16xi1>, vector<16xf32>
      %select_n3A_1499 = arith.select %gt3A_1497, %broadcast_in_dim3A_1473, %scan3A_1460 : vector<16xi1>, vector<16xi32>
      %get3A_1500 = arith.constant 4 : i32
      %get3A_1501 = arith.index_cast %get3A_1500 : i32 to index
      %get3A_1502 = arith.index_cast %mul3A_1472 : i32 to index
      %get3A_1503 = tpu.vector_load %arg4[%get3A_1501, %get3A_1502] {strides = array<i32>} : memref<16x1024xf32, #tpu.memory_space<vmem>>, vector<16xf32>,
      %gt3A_1504 = arith.cmpf ogt, %get3A_1503, %scan3A_1461 : vector<16xf32>
      %select_n3A_1505 = arith.select %gt3A_1504, %get3A_1503, %scan3A_1461 : vector<16xi1>, vector<16xf32>
      %select_n3A_1506 = arith.select %gt3A_1504, %broadcast_in_dim3A_1473, %scan3A_1462 : vector<16xi1>, vector<16xi32>
      %get3A_1507 = arith.constant 5 : i32
      %get3A_1508 = arith.index_cast %get3A_1507 : i32 to index
      %get3A_1509 = arith.index_cast %mul3A_1472 : i32 to index
      %get3A_1510 = tpu.vector_load %arg4[%get3A_1508, %get3A_1509] {strides = array<i32>} : memref<16x1024xf32, #tpu.memory_space<vmem>>, vector<16xf32>,
      %gt3A_1511 = arith.cmpf ogt, %get3A_1510, %scan3A_1463 : vector<16xf32>
      %select_n3A_1512 = arith.select %gt3A_1511, %get3A_1510, %scan3A_1463 : vector<16xi1>, vector<16xf32>
      %select_n3A_1513 = arith.select %gt3A_1511, %broadcast_in_dim3A_1473, %scan3A_1464 : vector<16xi1>, vector<16xi32>
      %get3A_1514 = arith.constant 6 : i32
      %get3A_1515 = arith.index_cast %get3A_1514 : i32 to index
      %get3A_1516 = arith.index_cast %mul3A_1472 : i32 to index
      %get3A_1517 = tpu.vector_load %arg4[%get3A_1515, %get3A_1516] {strides = array<i32>} : memref<16x1024xf32, #tpu.memory_space<vmem>>, vector<16xf32>,
      %gt3A_1518 = arith.cmpf ogt, %get3A_1517, %scan3A_1465 : vector<16xf32>
      %select_n3A_1519 = arith.select %gt3A_1518, %get3A_1517, %scan3A_1465 : vector<16xi1>, vector<16xf32>
      %select_n3A_1520 = arith.select %gt3A_1518, %broadcast_in_dim3A_1473, %scan3A_1466 : vector<16xi1>, vector<16xi32>
      %get3A_1521 = arith.constant 7 : i32
      %get3A_1522 = arith.index_cast %get3A_1521 : i32 to index
      %get3A_1523 = arith.index_cast %mul3A_1472 : i32 to index
      %get3A_1524 = tpu.vector_load %arg4[%get3A_1522, %get3A_1523] {strides = array<i32>} : memref<16x1024xf32, #tpu.memory_space<vmem>>, vector<16xf32>,
      %gt3A_1525 = arith.cmpf ogt, %get3A_1524, %scan3A_1467 : vector<16xf32>
      %select_n3A_1526 = arith.select %gt3A_1525, %get3A_1524, %scan3A_1467 : vector<16xi1>, vector<16xf32>
      %select_n3A_1527 = arith.select %gt3A_1525, %broadcast_in_dim3A_1473, %scan3A_1468 : vector<16xi1>, vector<16xi32>
      %get3A_1528 = arith.constant 0 : i32
      %get3A_1529 = arith.index_cast %get3A_1528 : i32 to index
      %get3A_1530 = arith.index_cast %mul3A_1472 : i32 to index
      %get3A_1531 = tpu.vector_load %arg8[%get3A_1529, %get3A_1530] {strides = array<i32>} : memref<1x1024xf32, #tpu.memory_space<vmem>>, vector<16xf32>,
      %gt3A_1532 = arith.cmpf ogt, %get3A_1531, %scan3A_1469 : vector<16xf32>
      %select_n3A_1533 = arith.select %gt3A_1532, %get3A_1531, %scan3A_1469 : vector<16xi1>, vector<16xf32>
      %select_n3A_1534 = arith.select %gt3A_1532, %broadcast_in_dim3A_1473, %scan3A_1470 : vector<16xi1>, vector<16xi32>
      scf.yield %select_n3A_1477, %select_n3A_1478, %select_n3A_1484, %select_n3A_1485, %select_n3A_1491, %select_n3A_1492, %select_n3A_1498, %select_n3A_1499, %select_n3A_1505, %select_n3A_1506, %select_n3A_1512, %select_n3A_1513, %select_n3A_1519, %select_n3A_1520, %select_n3A_1526, %select_n3A_1527, %select_n3A_1533, %select_n3A_1534 : vector<16xf32>, vector<16xi32>, vector<16xf32>, vector<16xi32>, vector<16xf32>, vector<16xi32>, vector<16xf32>, vector<16xi32>, vector<16xf32>, vector<16xi32>, vector<16xf32>, vector<16xi32>, vector<16xf32>, vector<16xi32>, vector<16xf32>, vector<16xi32>, vector<16xf32>, vector<16xi32>
    }
    %scan3A_78 = arith.constant 64 : i32
    %reduce_max3A = arith.constant true
    %reduce_max3A_79 = vector.broadcast %reduce_max3A : i1 to vector<16xi1>
    %reduce_max3A_80 = tpu.scan <max>, %scan3A_77#0 masked %reduce_max3A_79 : vector<16xf32>, vector<16xi1> -> vector<16xf32>
    %reduce_max3A_81 = vector.extract %reduce_max3A_80[15] : f32 from vector<16xf32>
    %eq3A = vector.broadcast %reduce_max3A_81 : f32 to vector<16xf32>
    %eq3A_82 = arith.cmpf oeq, %scan3A_77#0, %eq3A : vector<16xf32>
    %add3A_83 = arith.addi %scan3A_77#1, %iota3A : vector<16xi32>
    %jit3A = arith.constant 1073741824 : i32
    %broadcast_in_dim3A_84 = vector.broadcast %jit3A : i32 to vector<16xi32>
    %select_n3A = arith.select %eq3A_82, %add3A_83, %broadcast_in_dim3A_84 : vector<16xi1>, vector<16xi32>
    %reduce_min3A = arith.constant true
    %reduce_min3A_85 = vector.broadcast %reduce_min3A : i1 to vector<16xi1>
    %reduce_min3A_86 = arith.constant -2147483648 : i32
    %reduce_min3A_87 = vector.broadcast %reduce_min3A_86 : i32 to vector<16xi32>
    %reduce_min3A_88 = arith.xori %select_n3A, %reduce_min3A_87 : vector<16xi32>
    %reduce_min3A_89 = tpu.scan <min>, %reduce_min3A_88 masked %reduce_min3A_85 : vector<16xi32>, vector<16xi1> -> vector<16xi32>
    %reduce_min3A_90 = arith.xori %reduce_min3A_89, %reduce_min3A_87 : vector<16xi32>
    %reduce_min3A_91 = vector.extract %reduce_min3A_90[15] : i32 from vector<16xi32>
    %reduce_max3A_92 = arith.constant true
    %reduce_max3A_93 = vector.broadcast %reduce_max3A_92 : i1 to vector<16xi1>
    %reduce_max3A_94 = tpu.scan <max>, %scan3A_77#2 masked %reduce_max3A_93 : vector<16xf32>, vector<16xi1> -> vector<16xf32>
    %reduce_max3A_95 = vector.extract %reduce_max3A_94[15] : f32 from vector<16xf32>
    %eq3A_96 = vector.broadcast %reduce_max3A_95 : f32 to vector<16xf32>
    %eq3A_97 = arith.cmpf oeq, %scan3A_77#2, %eq3A_96 : vector<16xf32>
    %add3A_98 = arith.addi %scan3A_77#3, %iota3A : vector<16xi32>
    %jit3A_99 = arith.constant 1073741824 : i32
    %broadcast_in_dim3A_100 = vector.broadcast %jit3A_99 : i32 to vector<16xi32>
    %select_n3A_101 = arith.select %eq3A_97, %add3A_98, %broadcast_in_dim3A_100 : vector<16xi1>, vector<16xi32>
    %reduce_min3A_102 = arith.constant true
    %reduce_min3A_103 = vector.broadcast %reduce_min3A_102 : i1 to vector<16xi1>
    %reduce_min3A_104 = arith.constant -2147483648 : i32
    %reduce_min3A_105 = vector.broadcast %reduce_min3A_104 : i32 to vector<16xi32>
    %reduce_min3A_106 = arith.xori %select_n3A_101, %reduce_min3A_105 : vector<16xi32>
    %reduce_min3A_107 = tpu.scan <min>, %reduce_min3A_106 masked %reduce_min3A_103 : vector<16xi32>, vector<16xi1> -> vector<16xi32>
    %reduce_min3A_108 = arith.xori %reduce_min3A_107, %reduce_min3A_105 : vector<16xi32>
    %reduce_min3A_109 = vector.extract %reduce_min3A_108[15] : i32 from vector<16xi32>
    %reduce_max3A_110 = arith.constant true
    %reduce_max3A_111 = vector.broadcast %reduce_max3A_110 : i1 to vector<16xi1>
    %reduce_max3A_112 = tpu.scan <max>, %scan3A_77#4 masked %reduce_max3A_111 : vector<16xf32>, vector<16xi1> -> vector<16xf32>
    %reduce_max3A_113 = vector.extract %reduce_max3A_112[15] : f32 from vector<16xf32>
    %eq3A_114 = vector.broadcast %reduce_max3A_113 : f32 to vector<16xf32>
    %eq3A_115 = arith.cmpf oeq, %scan3A_77#4, %eq3A_114 : vector<16xf32>
    %add3A_116 = arith.addi %scan3A_77#5, %iota3A : vector<16xi32>
    %jit3A_117 = arith.constant 1073741824 : i32
    %broadcast_in_dim3A_118 = vector.broadcast %jit3A_117 : i32 to vector<16xi32>
    %select_n3A_119 = arith.select %eq3A_115, %add3A_116, %broadcast_in_dim3A_118 : vector<16xi1>, vector<16xi32>
    %reduce_min3A_120 = arith.constant true
    %reduce_min3A_121 = vector.broadcast %reduce_min3A_120 : i1 to vector<16xi1>
    %reduce_min3A_122 = arith.constant -2147483648 : i32
    %reduce_min3A_123 = vector.broadcast %reduce_min3A_122 : i32 to vector<16xi32>
    %reduce_min3A_124 = arith.xori %select_n3A_119, %reduce_min3A_123 : vector<16xi32>
    %reduce_min3A_125 = tpu.scan <min>, %reduce_min3A_124 masked %reduce_min3A_121 : vector<16xi32>, vector<16xi1> -> vector<16xi32>
    %reduce_min3A_126 = arith.xori %reduce_min3A_125, %reduce_min3A_123 : vector<16xi32>
    %reduce_min3A_127 = vector.extract %reduce_min3A_126[15] : i32 from vector<16xi32>
    %reduce_max3A_128 = arith.constant true
    %reduce_max3A_129 = vector.broadcast %reduce_max3A_128 : i1 to vector<16xi1>
    %reduce_max3A_130 = tpu.scan <max>, %scan3A_77#6 masked %reduce_max3A_129 : vector<16xf32>, vector<16xi1> -> vector<16xf32>
    %reduce_max3A_131 = vector.extract %reduce_max3A_130[15] : f32 from vector<16xf32>
    %eq3A_132 = vector.broadcast %reduce_max3A_131 : f32 to vector<16xf32>
    %eq3A_133 = arith.cmpf oeq, %scan3A_77#6, %eq3A_132 : vector<16xf32>
    %add3A_134 = arith.addi %scan3A_77#7, %iota3A : vector<16xi32>
    %jit3A_135 = arith.constant 1073741824 : i32
    %broadcast_in_dim3A_136 = vector.broadcast %jit3A_135 : i32 to vector<16xi32>
    %select_n3A_137 = arith.select %eq3A_133, %add3A_134, %broadcast_in_dim3A_136 : vector<16xi1>, vector<16xi32>
    %reduce_min3A_138 = arith.constant true
    %reduce_min3A_139 = vector.broadcast %reduce_min3A_138 : i1 to vector<16xi1>
    %reduce_min3A_140 = arith.constant -2147483648 : i32
    %reduce_min3A_141 = vector.broadcast %reduce_min3A_140 : i32 to vector<16xi32>
    %reduce_min3A_142 = arith.xori %select_n3A_137, %reduce_min3A_141 : vector<16xi32>
    %reduce_min3A_143 = tpu.scan <min>, %reduce_min3A_142 masked %reduce_min3A_139 : vector<16xi32>, vector<16xi1> -> vector<16xi32>
    %reduce_min3A_144 = arith.xori %reduce_min3A_143, %reduce_min3A_141 : vector<16xi32>
    %reduce_min3A_145 = vector.extract %reduce_min3A_144[15] : i32 from vector<16xi32>
    %reduce_max3A_146 = arith.constant true
    %reduce_max3A_147 = vector.broadcast %reduce_max3A_146 : i1 to vector<16xi1>
    %reduce_max3A_148 = tpu.scan <max>, %scan3A_77#8 masked %reduce_max3A_147 : vector<16xf32>, vector<16xi1> -> vector<16xf32>
    %reduce_max3A_149 = vector.extract %reduce_max3A_148[15] : f32 from vector<16xf32>
    %eq3A_150 = vector.broadcast %reduce_max3A_149 : f32 to vector<16xf32>
    %eq3A_151 = arith.cmpf oeq, %scan3A_77#8, %eq3A_150 : vector<16xf32>
    %add3A_152 = arith.addi %scan3A_77#9, %iota3A : vector<16xi32>
    %jit3A_153 = arith.constant 1073741824 : i32
    %broadcast_in_dim3A_154 = vector.broadcast %jit3A_153 : i32 to vector<16xi32>
    %select_n3A_155 = arith.select %eq3A_151, %add3A_152, %broadcast_in_dim3A_154 : vector<16xi1>, vector<16xi32>
    %reduce_min3A_156 = arith.constant true
    %reduce_min3A_157 = vector.broadcast %reduce_min3A_156 : i1 to vector<16xi1>
    %reduce_min3A_158 = arith.constant -2147483648 : i32
    %reduce_min3A_159 = vector.broadcast %reduce_min3A_158 : i32 to vector<16xi32>
    %reduce_min3A_160 = arith.xori %select_n3A_155, %reduce_min3A_159 : vector<16xi32>
    %reduce_min3A_161 = tpu.scan <min>, %reduce_min3A_160 masked %reduce_min3A_157 : vector<16xi32>, vector<16xi1> -> vector<16xi32>
    %reduce_min3A_162 = arith.xori %reduce_min3A_161, %reduce_min3A_159 : vector<16xi32>
    %reduce_min3A_163 = vector.extract %reduce_min3A_162[15] : i32 from vector<16xi32>
    %reduce_max3A_164 = arith.constant true
    %reduce_max3A_165 = vector.broadcast %reduce_max3A_164 : i1 to vector<16xi1>
    %reduce_max3A_166 = tpu.scan <max>, %scan3A_77#10 masked %reduce_max3A_165 : vector<16xf32>, vector<16xi1> -> vector<16xf32>
    %reduce_max3A_167 = vector.extract %reduce_max3A_166[15] : f32 from vector<16xf32>
    %eq3A_168 = vector.broadcast %reduce_max3A_167 : f32 to vector<16xf32>
    %eq3A_169 = arith.cmpf oeq, %scan3A_77#10, %eq3A_168 : vector<16xf32>
    %add3A_170 = arith.addi %scan3A_77#11, %iota3A : vector<16xi32>
    %jit3A_171 = arith.constant 1073741824 : i32
    %broadcast_in_dim3A_172 = vector.broadcast %jit3A_171 : i32 to vector<16xi32>
    %select_n3A_173 = arith.select %eq3A_169, %add3A_170, %broadcast_in_dim3A_172 : vector<16xi1>, vector<16xi32>
    %reduce_min3A_174 = arith.constant true
    %reduce_min3A_175 = vector.broadcast %reduce_min3A_174 : i1 to vector<16xi1>
    %reduce_min3A_176 = arith.constant -2147483648 : i32
    %reduce_min3A_177 = vector.broadcast %reduce_min3A_176 : i32 to vector<16xi32>
    %reduce_min3A_178 = arith.xori %select_n3A_173, %reduce_min3A_177 : vector<16xi32>
    %reduce_min3A_179 = tpu.scan <min>, %reduce_min3A_178 masked %reduce_min3A_175 : vector<16xi32>, vector<16xi1> -> vector<16xi32>
    %reduce_min3A_180 = arith.xori %reduce_min3A_179, %reduce_min3A_177 : vector<16xi32>
    %reduce_min3A_181 = vector.extract %reduce_min3A_180[15] : i32 from vector<16xi32>
    %reduce_max3A_182 = arith.constant true
    %reduce_max3A_183 = vector.broadcast %reduce_max3A_182 : i1 to vector<16xi1>
    %reduce_max3A_184 = tpu.scan <max>, %scan3A_77#12 masked %reduce_max3A_183 : vector<16xf32>, vector<16xi1> -> vector<16xf32>
    %reduce_max3A_185 = vector.extract %reduce_max3A_184[15] : f32 from vector<16xf32>
    %eq3A_186 = vector.broadcast %reduce_max3A_185 : f32 to vector<16xf32>
    %eq3A_187 = arith.cmpf oeq, %scan3A_77#12, %eq3A_186 : vector<16xf32>
    %add3A_188 = arith.addi %scan3A_77#13, %iota3A : vector<16xi32>
    %jit3A_189 = arith.constant 1073741824 : i32
    %broadcast_in_dim3A_190 = vector.broadcast %jit3A_189 : i32 to vector<16xi32>
    %select_n3A_191 = arith.select %eq3A_187, %add3A_188, %broadcast_in_dim3A_190 : vector<16xi1>, vector<16xi32>
    %reduce_min3A_192 = arith.constant true
    %reduce_min3A_193 = vector.broadcast %reduce_min3A_192 : i1 to vector<16xi1>
    %reduce_min3A_194 = arith.constant -2147483648 : i32
    %reduce_min3A_195 = vector.broadcast %reduce_min3A_194 : i32 to vector<16xi32>
    %reduce_min3A_196 = arith.xori %select_n3A_191, %reduce_min3A_195 : vector<16xi32>
    %reduce_min3A_197 = tpu.scan <min>, %reduce_min3A_196 masked %reduce_min3A_193 : vector<16xi32>, vector<16xi1> -> vector<16xi32>
    %reduce_min3A_198 = arith.xori %reduce_min3A_197, %reduce_min3A_195 : vector<16xi32>
    %reduce_min3A_199 = vector.extract %reduce_min3A_198[15] : i32 from vector<16xi32>
    %reduce_max3A_200 = arith.constant true
    %reduce_max3A_201 = vector.broadcast %reduce_max3A_200 : i1 to vector<16xi1>
    %reduce_max3A_202 = tpu.scan <max>, %scan3A_77#14 masked %reduce_max3A_201 : vector<16xf32>, vector<16xi1> -> vector<16xf32>
    %reduce_max3A_203 = vector.extract %reduce_max3A_202[15] : f32 from vector<16xf32>
    %eq3A_204 = vector.broadcast %reduce_max3A_203 : f32 to vector<16xf32>
    %eq3A_205 = arith.cmpf oeq, %scan3A_77#14, %eq3A_204 : vector<16xf32>
    %add3A_206 = arith.addi %scan3A_77#15, %iota3A : vector<16xi32>
    %jit3A_207 = arith.constant 1073741824 : i32
    %broadcast_in_dim3A_208 = vector.broadcast %jit3A_207 : i32 to vector<16xi32>
    %select_n3A_209 = arith.select %eq3A_205, %add3A_206, %broadcast_in_dim3A_208 : vector<16xi1>, vector<16xi32>
    %reduce_min3A_210 = arith.constant true
    %reduce_min3A_211 = vector.broadcast %reduce_min3A_210 : i1 to vector<16xi1>
    %reduce_min3A_212 = arith.constant -2147483648 : i32
    %reduce_min3A_213 = vector.broadcast %reduce_min3A_212 : i32 to vector<16xi32>
    %reduce_min3A_214 = arith.xori %select_n3A_209, %reduce_min3A_213 : vector<16xi32>
    %reduce_min3A_215 = tpu.scan <min>, %reduce_min3A_214 masked %reduce_min3A_211 : vector<16xi32>, vector<16xi1> -> vector<16xi32>
    %reduce_min3A_216 = arith.xori %reduce_min3A_215, %reduce_min3A_213 : vector<16xi32>
    %reduce_min3A_217 = vector.extract %reduce_min3A_216[15] : i32 from vector<16xi32>
    %reduce_max3A_218 = arith.constant true
    %reduce_max3A_219 = vector.broadcast %reduce_max3A_218 : i1 to vector<16xi1>
    %reduce_max3A_220 = tpu.scan <max>, %scan3A_77#16 masked %reduce_max3A_219 : vector<16xf32>, vector<16xi1> -> vector<16xf32>
    %reduce_max3A_221 = vector.extract %reduce_max3A_220[15] : f32 from vector<16xf32>
    %eq3A_222 = vector.broadcast %reduce_max3A_221 : f32 to vector<16xf32>
    %eq3A_223 = arith.cmpf oeq, %scan3A_77#16, %eq3A_222 : vector<16xf32>
    %add3A_224 = arith.addi %scan3A_77#17, %iota3A : vector<16xi32>
    %jit3A_225 = arith.constant 1073741824 : i32
    %broadcast_in_dim3A_226 = vector.broadcast %jit3A_225 : i32 to vector<16xi32>
    %select_n3A_227 = arith.select %eq3A_223, %add3A_224, %broadcast_in_dim3A_226 : vector<16xi1>, vector<16xi32>
    %reduce_min3A_228 = arith.constant true
    %reduce_min3A_229 = vector.broadcast %reduce_min3A_228 : i1 to vector<16xi1>
    %reduce_min3A_230 = arith.constant -2147483648 : i32
    %reduce_min3A_231 = vector.broadcast %reduce_min3A_230 : i32 to vector<16xi32>
    %reduce_min3A_232 = arith.xori %select_n3A_227, %reduce_min3A_231 : vector<16xi32>
    %reduce_min3A_233 = tpu.scan <min>, %reduce_min3A_232 masked %reduce_min3A_229 : vector<16xi32>, vector<16xi1> -> vector<16xi32>
    %reduce_min3A_234 = arith.xori %reduce_min3A_233, %reduce_min3A_231 : vector<16xi32>
    %reduce_min3A_235 = vector.extract %reduce_min3A_234[15] : i32 from vector<16xi32>
    %broadcast_in_dim3A_236 = arith.constant 0xFF800000 : f32
    %broadcast_in_dim3A_237 = vector.broadcast %broadcast_in_dim3A_236 : f32 to vector<16xf32>
    %broadcast_in_dim3A_238 = arith.constant 0 : i32
    %broadcast_in_dim3A_239 = vector.broadcast %broadcast_in_dim3A_238 : i32 to vector<16xi32>
    %broadcast_in_dim3A_240 = arith.constant 0xFF800000 : f32
    %broadcast_in_dim3A_241 = vector.broadcast %broadcast_in_dim3A_240 : f32 to vector<16xf32>
    %broadcast_in_dim3A_242 = arith.constant 0 : i32
    %broadcast_in_dim3A_243 = vector.broadcast %broadcast_in_dim3A_242 : i32 to vector<16xi32>
    %broadcast_in_dim3A_244 = arith.constant 0xFF800000 : f32
    %broadcast_in_dim3A_245 = vector.broadcast %broadcast_in_dim3A_244 : f32 to vector<16xf32>
    %broadcast_in_dim3A_246 = arith.constant 0 : i32
    %broadcast_in_dim3A_247 = vector.broadcast %broadcast_in_dim3A_246 : i32 to vector<16xi32>
    %broadcast_in_dim3A_248 = arith.constant 0xFF800000 : f32
    %broadcast_in_dim3A_249 = vector.broadcast %broadcast_in_dim3A_248 : f32 to vector<16xf32>
    %broadcast_in_dim3A_250 = arith.constant 0 : i32
    %broadcast_in_dim3A_251 = vector.broadcast %broadcast_in_dim3A_250 : i32 to vector<16xi32>
    %broadcast_in_dim3A_252 = arith.constant 0xFF800000 : f32
    %broadcast_in_dim3A_253 = vector.broadcast %broadcast_in_dim3A_252 : f32 to vector<16xf32>
    %broadcast_in_dim3A_254 = arith.constant 0 : i32
    %broadcast_in_dim3A_255 = vector.broadcast %broadcast_in_dim3A_254 : i32 to vector<16xi32>
    %broadcast_in_dim3A_256 = arith.constant 0xFF800000 : f32
    %broadcast_in_dim3A_257 = vector.broadcast %broadcast_in_dim3A_256 : f32 to vector<16xf32>
    %broadcast_in_dim3A_258 = arith.constant 0 : i32
    %broadcast_in_dim3A_259 = vector.broadcast %broadcast_in_dim3A_258 : i32 to vector<16xi32>
    %broadcast_in_dim3A_260 = arith.constant 0xFF800000 : f32
    %broadcast_in_dim3A_261 = vector.broadcast %broadcast_in_dim3A_260 : f32 to vector<16xf32>
    %broadcast_in_dim3A_262 = arith.constant 0 : i32
    %broadcast_in_dim3A_263 = vector.broadcast %broadcast_in_dim3A_262 : i32 to vector<16xi32>
    %broadcast_in_dim3A_264 = arith.constant 0xFF800000 : f32
    %broadcast_in_dim3A_265 = vector.broadcast %broadcast_in_dim3A_264 : f32 to vector<16xf32>
    %broadcast_in_dim3A_266 = arith.constant 0 : i32
    %broadcast_in_dim3A_267 = vector.broadcast %broadcast_in_dim3A_266 : i32 to vector<16xi32>
    %scan3A_268 = arith.constant 0 : i32
    %scan3A_269 = arith.constant 64 : i32
    %scan3A_270 = arith.addi %scan3A_268, %scan3A_269 : i32
    %scan3A_271 = arith.constant 1 : i32
    %scan3A_272:16 = scf.for %scan3A_1452 = %scan3A_268 to %scan3A_270 step %scan3A_271 iter_args(%scan3A_1453 = %broadcast_in_dim3A_237, %scan3A_1454 = %broadcast_in_dim3A_239, %scan3A_1455 = %broadcast_in_dim3A_241, %scan3A_1456 = %broadcast_in_dim3A_243, %scan3A_1457 = %broadcast_in_dim3A_245, %scan3A_1458 = %broadcast_in_dim3A_247, %scan3A_1459 = %broadcast_in_dim3A_249, %scan3A_1460 = %broadcast_in_dim3A_251, %scan3A_1461 = %broadcast_in_dim3A_253, %scan3A_1462 = %broadcast_in_dim3A_255, %scan3A_1463 = %broadcast_in_dim3A_257, %scan3A_1464 = %broadcast_in_dim3A_259, %scan3A_1465 = %broadcast_in_dim3A_261, %scan3A_1466 = %broadcast_in_dim3A_263, %scan3A_1467 = %broadcast_in_dim3A_265, %scan3A_1468 = %broadcast_in_dim3A_267) -> (vector<16xf32>, vector<16xi32>, vector<16xf32>, vector<16xi32>, vector<16xf32>, vector<16xi32>, vector<16xf32>, vector<16xi32>, vector<16xf32>, vector<16xi32>, vector<16xf32>, vector<16xi32>, vector<16xf32>, vector<16xi32>, vector<16xf32>, vector<16xi32>)  : i32 {
      %mul3A_1469 = arith.constant 16 : i32
      %mul3A_1470 = arith.muli %scan3A_1452, %mul3A_1469 : i32
      %broadcast_in_dim3A_1471 = vector.broadcast %mul3A_1470 : i32 to vector<16xi32>
      %get3A = arith.constant 8 : i32
      %get3A_1472 = arith.index_cast %get3A : i32 to index
      %get3A_1473 = arith.index_cast %mul3A_1470 : i32 to index
      %get3A_1474 = tpu.vector_load %arg4[%get3A_1472, %get3A_1473] {strides = array<i32>} : memref<16x1024xf32, #tpu.memory_space<vmem>>, vector<16xf32>,
      %gt3A = arith.cmpf ogt, %get3A_1474, %scan3A_1453 : vector<16xf32>
      %select_n3A_1475 = arith.select %gt3A, %get3A_1474, %scan3A_1453 : vector<16xi1>, vector<16xf32>
      %select_n3A_1476 = arith.select %gt3A, %broadcast_in_dim3A_1471, %scan3A_1454 : vector<16xi1>, vector<16xi32>
      %get3A_1477 = arith.constant 9 : i32
      %get3A_1478 = arith.index_cast %get3A_1477 : i32 to index
      %get3A_1479 = arith.index_cast %mul3A_1470 : i32 to index
      %get3A_1480 = tpu.vector_load %arg4[%get3A_1478, %get3A_1479] {strides = array<i32>} : memref<16x1024xf32, #tpu.memory_space<vmem>>, vector<16xf32>,
      %gt3A_1481 = arith.cmpf ogt, %get3A_1480, %scan3A_1455 : vector<16xf32>
      %select_n3A_1482 = arith.select %gt3A_1481, %get3A_1480, %scan3A_1455 : vector<16xi1>, vector<16xf32>
      %select_n3A_1483 = arith.select %gt3A_1481, %broadcast_in_dim3A_1471, %scan3A_1456 : vector<16xi1>, vector<16xi32>
      %get3A_1484 = arith.constant 10 : i32
      %get3A_1485 = arith.index_cast %get3A_1484 : i32 to index
      %get3A_1486 = arith.index_cast %mul3A_1470 : i32 to index
      %get3A_1487 = tpu.vector_load %arg4[%get3A_1485, %get3A_1486] {strides = array<i32>} : memref<16x1024xf32, #tpu.memory_space<vmem>>, vector<16xf32>,
      %gt3A_1488 = arith.cmpf ogt, %get3A_1487, %scan3A_1457 : vector<16xf32>
      %select_n3A_1489 = arith.select %gt3A_1488, %get3A_1487, %scan3A_1457 : vector<16xi1>, vector<16xf32>
      %select_n3A_1490 = arith.select %gt3A_1488, %broadcast_in_dim3A_1471, %scan3A_1458 : vector<16xi1>, vector<16xi32>
      %get3A_1491 = arith.constant 11 : i32
      %get3A_1492 = arith.index_cast %get3A_1491 : i32 to index
      %get3A_1493 = arith.index_cast %mul3A_1470 : i32 to index
      %get3A_1494 = tpu.vector_load %arg4[%get3A_1492, %get3A_1493] {strides = array<i32>} : memref<16x1024xf32, #tpu.memory_space<vmem>>, vector<16xf32>,
      %gt3A_1495 = arith.cmpf ogt, %get3A_1494, %scan3A_1459 : vector<16xf32>
      %select_n3A_1496 = arith.select %gt3A_1495, %get3A_1494, %scan3A_1459 : vector<16xi1>, vector<16xf32>
      %select_n3A_1497 = arith.select %gt3A_1495, %broadcast_in_dim3A_1471, %scan3A_1460 : vector<16xi1>, vector<16xi32>
      %get3A_1498 = arith.constant 12 : i32
      %get3A_1499 = arith.index_cast %get3A_1498 : i32 to index
      %get3A_1500 = arith.index_cast %mul3A_1470 : i32 to index
      %get3A_1501 = tpu.vector_load %arg4[%get3A_1499, %get3A_1500] {strides = array<i32>} : memref<16x1024xf32, #tpu.memory_space<vmem>>, vector<16xf32>,
      %gt3A_1502 = arith.cmpf ogt, %get3A_1501, %scan3A_1461 : vector<16xf32>
      %select_n3A_1503 = arith.select %gt3A_1502, %get3A_1501, %scan3A_1461 : vector<16xi1>, vector<16xf32>
      %select_n3A_1504 = arith.select %gt3A_1502, %broadcast_in_dim3A_1471, %scan3A_1462 : vector<16xi1>, vector<16xi32>
      %get3A_1505 = arith.constant 13 : i32
      %get3A_1506 = arith.index_cast %get3A_1505 : i32 to index
      %get3A_1507 = arith.index_cast %mul3A_1470 : i32 to index
      %get3A_1508 = tpu.vector_load %arg4[%get3A_1506, %get3A_1507] {strides = array<i32>} : memref<16x1024xf32, #tpu.memory_space<vmem>>, vector<16xf32>,
      %gt3A_1509 = arith.cmpf ogt, %get3A_1508, %scan3A_1463 : vector<16xf32>
      %select_n3A_1510 = arith.select %gt3A_1509, %get3A_1508, %scan3A_1463 : vector<16xi1>, vector<16xf32>
      %select_n3A_1511 = arith.select %gt3A_1509, %broadcast_in_dim3A_1471, %scan3A_1464 : vector<16xi1>, vector<16xi32>
      %get3A_1512 = arith.constant 14 : i32
      %get3A_1513 = arith.index_cast %get3A_1512 : i32 to index
      %get3A_1514 = arith.index_cast %mul3A_1470 : i32 to index
      %get3A_1515 = tpu.vector_load %arg4[%get3A_1513, %get3A_1514] {strides = array<i32>} : memref<16x1024xf32, #tpu.memory_space<vmem>>, vector<16xf32>,
      %gt3A_1516 = arith.cmpf ogt, %get3A_1515, %scan3A_1465 : vector<16xf32>
      %select_n3A_1517 = arith.select %gt3A_1516, %get3A_1515, %scan3A_1465 : vector<16xi1>, vector<16xf32>
      %select_n3A_1518 = arith.select %gt3A_1516, %broadcast_in_dim3A_1471, %scan3A_1466 : vector<16xi1>, vector<16xi32>
      %get3A_1519 = arith.constant 15 : i32
      %get3A_1520 = arith.index_cast %get3A_1519 : i32 to index
      %get3A_1521 = arith.index_cast %mul3A_1470 : i32 to index
      %get3A_1522 = tpu.vector_load %arg4[%get3A_1520, %get3A_1521] {strides = array<i32>} : memref<16x1024xf32, #tpu.memory_space<vmem>>, vector<16xf32>,
      %gt3A_1523 = arith.cmpf ogt, %get3A_1522, %scan3A_1467 : vector<16xf32>
      %select_n3A_1524 = arith.select %gt3A_1523, %get3A_1522, %scan3A_1467 : vector<16xi1>, vector<16xf32>
      %select_n3A_1525 = arith.select %gt3A_1523, %broadcast_in_dim3A_1471, %scan3A_1468 : vector<16xi1>, vector<16xi32>
      scf.yield %select_n3A_1475, %select_n3A_1476, %select_n3A_1482, %select_n3A_1483, %select_n3A_1489, %select_n3A_1490, %select_n3A_1496, %select_n3A_1497, %select_n3A_1503, %select_n3A_1504, %select_n3A_1510, %select_n3A_1511, %select_n3A_1517, %select_n3A_1518, %select_n3A_1524, %select_n3A_1525 : vector<16xf32>, vector<16xi32>, vector<16xf32>, vector<16xi32>, vector<16xf32>, vector<16xi32>, vector<16xf32>, vector<16xi32>, vector<16xf32>, vector<16xi32>, vector<16xf32>, vector<16xi32>, vector<16xf32>, vector<16xi32>, vector<16xf32>, vector<16xi32>
    }
    %scan3A_273 = arith.constant 64 : i32
    %reduce_max3A_274 = arith.constant true
    %reduce_max3A_275 = vector.broadcast %reduce_max3A_274 : i1 to vector<16xi1>
    %reduce_max3A_276 = tpu.scan <max>, %scan3A_272#0 masked %reduce_max3A_275 : vector<16xf32>, vector<16xi1> -> vector<16xf32>
    %reduce_max3A_277 = vector.extract %reduce_max3A_276[15] : f32 from vector<16xf32>
    %eq3A_278 = vector.broadcast %reduce_max3A_277 : f32 to vector<16xf32>
    %eq3A_279 = arith.cmpf oeq, %scan3A_272#0, %eq3A_278 : vector<16xf32>
    %add3A_280 = arith.addi %scan3A_272#1, %iota3A : vector<16xi32>
    %jit3A_281 = arith.constant 1073741824 : i32
    %broadcast_in_dim3A_282 = vector.broadcast %jit3A_281 : i32 to vector<16xi32>
    %select_n3A_283 = arith.select %eq3A_279, %add3A_280, %broadcast_in_dim3A_282 : vector<16xi1>, vector<16xi32>
    %reduce_min3A_284 = arith.constant true
    %reduce_min3A_285 = vector.broadcast %reduce_min3A_284 : i1 to vector<16xi1>
    %reduce_min3A_286 = arith.constant -2147483648 : i32
    %reduce_min3A_287 = vector.broadcast %reduce_min3A_286 : i32 to vector<16xi32>
    %reduce_min3A_288 = arith.xori %select_n3A_283, %reduce_min3A_287 : vector<16xi32>
    %reduce_min3A_289 = tpu.scan <min>, %reduce_min3A_288 masked %reduce_min3A_285 : vector<16xi32>, vector<16xi1> -> vector<16xi32>
    %reduce_min3A_290 = arith.xori %reduce_min3A_289, %reduce_min3A_287 : vector<16xi32>
    %reduce_min3A_291 = vector.extract %reduce_min3A_290[15] : i32 from vector<16xi32>
    %reduce_max3A_292 = arith.constant true
    %reduce_max3A_293 = vector.broadcast %reduce_max3A_292 : i1 to vector<16xi1>
    %reduce_max3A_294 = tpu.scan <max>, %scan3A_272#2 masked %reduce_max3A_293 : vector<16xf32>, vector<16xi1> -> vector<16xf32>
    %reduce_max3A_295 = vector.extract %reduce_max3A_294[15] : f32 from vector<16xf32>
    %eq3A_296 = vector.broadcast %reduce_max3A_295 : f32 to vector<16xf32>
    %eq3A_297 = arith.cmpf oeq, %scan3A_272#2, %eq3A_296 : vector<16xf32>
    %add3A_298 = arith.addi %scan3A_272#3, %iota3A : vector<16xi32>
    %jit3A_299 = arith.constant 1073741824 : i32
    %broadcast_in_dim3A_300 = vector.broadcast %jit3A_299 : i32 to vector<16xi32>
    %select_n3A_301 = arith.select %eq3A_297, %add3A_298, %broadcast_in_dim3A_300 : vector<16xi1>, vector<16xi32>
    %reduce_min3A_302 = arith.constant true
    %reduce_min3A_303 = vector.broadcast %reduce_min3A_302 : i1 to vector<16xi1>
    %reduce_min3A_304 = arith.constant -2147483648 : i32
    %reduce_min3A_305 = vector.broadcast %reduce_min3A_304 : i32 to vector<16xi32>
    %reduce_min3A_306 = arith.xori %select_n3A_301, %reduce_min3A_305 : vector<16xi32>
    %reduce_min3A_307 = tpu.scan <min>, %reduce_min3A_306 masked %reduce_min3A_303 : vector<16xi32>, vector<16xi1> -> vector<16xi32>
    %reduce_min3A_308 = arith.xori %reduce_min3A_307, %reduce_min3A_305 : vector<16xi32>
    %reduce_min3A_309 = vector.extract %reduce_min3A_308[15] : i32 from vector<16xi32>
    %reduce_max3A_310 = arith.constant true
    %reduce_max3A_311 = vector.broadcast %reduce_max3A_310 : i1 to vector<16xi1>
    %reduce_max3A_312 = tpu.scan <max>, %scan3A_272#4 masked %reduce_max3A_311 : vector<16xf32>, vector<16xi1> -> vector<16xf32>
    %reduce_max3A_313 = vector.extract %reduce_max3A_312[15] : f32 from vector<16xf32>
    %eq3A_314 = vector.broadcast %reduce_max3A_313 : f32 to vector<16xf32>
    %eq3A_315 = arith.cmpf oeq, %scan3A_272#4, %eq3A_314 : vector<16xf32>
    %add3A_316 = arith.addi %scan3A_272#5, %iota3A : vector<16xi32>
    %jit3A_317 = arith.constant 1073741824 : i32
    %broadcast_in_dim3A_318 = vector.broadcast %jit3A_317 : i32 to vector<16xi32>
    %select_n3A_319 = arith.select %eq3A_315, %add3A_316, %broadcast_in_dim3A_318 : vector<16xi1>, vector<16xi32>
    %reduce_min3A_320 = arith.constant true
    %reduce_min3A_321 = vector.broadcast %reduce_min3A_320 : i1 to vector<16xi1>
    %reduce_min3A_322 = arith.constant -2147483648 : i32
    %reduce_min3A_323 = vector.broadcast %reduce_min3A_322 : i32 to vector<16xi32>
    %reduce_min3A_324 = arith.xori %select_n3A_319, %reduce_min3A_323 : vector<16xi32>
    %reduce_min3A_325 = tpu.scan <min>, %reduce_min3A_324 masked %reduce_min3A_321 : vector<16xi32>, vector<16xi1> -> vector<16xi32>
    %reduce_min3A_326 = arith.xori %reduce_min3A_325, %reduce_min3A_323 : vector<16xi32>
    %reduce_min3A_327 = vector.extract %reduce_min3A_326[15] : i32 from vector<16xi32>
    %reduce_max3A_328 = arith.constant true
    %reduce_max3A_329 = vector.broadcast %reduce_max3A_328 : i1 to vector<16xi1>
    %reduce_max3A_330 = tpu.scan <max>, %scan3A_272#6 masked %reduce_max3A_329 : vector<16xf32>, vector<16xi1> -> vector<16xf32>
    %reduce_max3A_331 = vector.extract %reduce_max3A_330[15] : f32 from vector<16xf32>
    %eq3A_332 = vector.broadcast %reduce_max3A_331 : f32 to vector<16xf32>
    %eq3A_333 = arith.cmpf oeq, %scan3A_272#6, %eq3A_332 : vector<16xf32>
    %add3A_334 = arith.addi %scan3A_272#7, %iota3A : vector<16xi32>
    %jit3A_335 = arith.constant 1073741824 : i32
    %broadcast_in_dim3A_336 = vector.broadcast %jit3A_335 : i32 to vector<16xi32>
    %select_n3A_337 = arith.select %eq3A_333, %add3A_334, %broadcast_in_dim3A_336 : vector<16xi1>, vector<16xi32>
    %reduce_min3A_338 = arith.constant true
    %reduce_min3A_339 = vector.broadcast %reduce_min3A_338 : i1 to vector<16xi1>
    %reduce_min3A_340 = arith.constant -2147483648 : i32
    %reduce_min3A_341 = vector.broadcast %reduce_min3A_340 : i32 to vector<16xi32>
    %reduce_min3A_342 = arith.xori %select_n3A_337, %reduce_min3A_341 : vector<16xi32>
    %reduce_min3A_343 = tpu.scan <min>, %reduce_min3A_342 masked %reduce_min3A_339 : vector<16xi32>, vector<16xi1> -> vector<16xi32>
    %reduce_min3A_344 = arith.xori %reduce_min3A_343, %reduce_min3A_341 : vector<16xi32>
    %reduce_min3A_345 = vector.extract %reduce_min3A_344[15] : i32 from vector<16xi32>
    %reduce_max3A_346 = arith.constant true
    %reduce_max3A_347 = vector.broadcast %reduce_max3A_346 : i1 to vector<16xi1>
    %reduce_max3A_348 = tpu.scan <max>, %scan3A_272#8 masked %reduce_max3A_347 : vector<16xf32>, vector<16xi1> -> vector<16xf32>
    %reduce_max3A_349 = vector.extract %reduce_max3A_348[15] : f32 from vector<16xf32>
    %eq3A_350 = vector.broadcast %reduce_max3A_349 : f32 to vector<16xf32>
    %eq3A_351 = arith.cmpf oeq, %scan3A_272#8, %eq3A_350 : vector<16xf32>
    %add3A_352 = arith.addi %scan3A_272#9, %iota3A : vector<16xi32>
    %jit3A_353 = arith.constant 1073741824 : i32
    %broadcast_in_dim3A_354 = vector.broadcast %jit3A_353 : i32 to vector<16xi32>
    %select_n3A_355 = arith.select %eq3A_351, %add3A_352, %broadcast_in_dim3A_354 : vector<16xi1>, vector<16xi32>
    %reduce_min3A_356 = arith.constant true
    %reduce_min3A_357 = vector.broadcast %reduce_min3A_356 : i1 to vector<16xi1>
    %reduce_min3A_358 = arith.constant -2147483648 : i32
    %reduce_min3A_359 = vector.broadcast %reduce_min3A_358 : i32 to vector<16xi32>
    %reduce_min3A_360 = arith.xori %select_n3A_355, %reduce_min3A_359 : vector<16xi32>
    %reduce_min3A_361 = tpu.scan <min>, %reduce_min3A_360 masked %reduce_min3A_357 : vector<16xi32>, vector<16xi1> -> vector<16xi32>
    %reduce_min3A_362 = arith.xori %reduce_min3A_361, %reduce_min3A_359 : vector<16xi32>
    %reduce_min3A_363 = vector.extract %reduce_min3A_362[15] : i32 from vector<16xi32>
    %reduce_max3A_364 = arith.constant true
    %reduce_max3A_365 = vector.broadcast %reduce_max3A_364 : i1 to vector<16xi1>
    %reduce_max3A_366 = tpu.scan <max>, %scan3A_272#10 masked %reduce_max3A_365 : vector<16xf32>, vector<16xi1> -> vector<16xf32>
    %reduce_max3A_367 = vector.extract %reduce_max3A_366[15] : f32 from vector<16xf32>
    %eq3A_368 = vector.broadcast %reduce_max3A_367 : f32 to vector<16xf32>
    %eq3A_369 = arith.cmpf oeq, %scan3A_272#10, %eq3A_368 : vector<16xf32>
    %add3A_370 = arith.addi %scan3A_272#11, %iota3A : vector<16xi32>
    %jit3A_371 = arith.constant 1073741824 : i32
    %broadcast_in_dim3A_372 = vector.broadcast %jit3A_371 : i32 to vector<16xi32>
    %select_n3A_373 = arith.select %eq3A_369, %add3A_370, %broadcast_in_dim3A_372 : vector<16xi1>, vector<16xi32>
    %reduce_min3A_374 = arith.constant true
    %reduce_min3A_375 = vector.broadcast %reduce_min3A_374 : i1 to vector<16xi1>
    %reduce_min3A_376 = arith.constant -2147483648 : i32
    %reduce_min3A_377 = vector.broadcast %reduce_min3A_376 : i32 to vector<16xi32>
    %reduce_min3A_378 = arith.xori %select_n3A_373, %reduce_min3A_377 : vector<16xi32>
    %reduce_min3A_379 = tpu.scan <min>, %reduce_min3A_378 masked %reduce_min3A_375 : vector<16xi32>, vector<16xi1> -> vector<16xi32>
    %reduce_min3A_380 = arith.xori %reduce_min3A_379, %reduce_min3A_377 : vector<16xi32>
    %reduce_min3A_381 = vector.extract %reduce_min3A_380[15] : i32 from vector<16xi32>
    %reduce_max3A_382 = arith.constant true
    %reduce_max3A_383 = vector.broadcast %reduce_max3A_382 : i1 to vector<16xi1>
    %reduce_max3A_384 = tpu.scan <max>, %scan3A_272#12 masked %reduce_max3A_383 : vector<16xf32>, vector<16xi1> -> vector<16xf32>
    %reduce_max3A_385 = vector.extract %reduce_max3A_384[15] : f32 from vector<16xf32>
    %eq3A_386 = vector.broadcast %reduce_max3A_385 : f32 to vector<16xf32>
    %eq3A_387 = arith.cmpf oeq, %scan3A_272#12, %eq3A_386 : vector<16xf32>
    %add3A_388 = arith.addi %scan3A_272#13, %iota3A : vector<16xi32>
    %jit3A_389 = arith.constant 1073741824 : i32
    %broadcast_in_dim3A_390 = vector.broadcast %jit3A_389 : i32 to vector<16xi32>
    %select_n3A_391 = arith.select %eq3A_387, %add3A_388, %broadcast_in_dim3A_390 : vector<16xi1>, vector<16xi32>
    %reduce_min3A_392 = arith.constant true
    %reduce_min3A_393 = vector.broadcast %reduce_min3A_392 : i1 to vector<16xi1>
    %reduce_min3A_394 = arith.constant -2147483648 : i32
    %reduce_min3A_395 = vector.broadcast %reduce_min3A_394 : i32 to vector<16xi32>
    %reduce_min3A_396 = arith.xori %select_n3A_391, %reduce_min3A_395 : vector<16xi32>
    %reduce_min3A_397 = tpu.scan <min>, %reduce_min3A_396 masked %reduce_min3A_393 : vector<16xi32>, vector<16xi1> -> vector<16xi32>
    %reduce_min3A_398 = arith.xori %reduce_min3A_397, %reduce_min3A_395 : vector<16xi32>
    %reduce_min3A_399 = vector.extract %reduce_min3A_398[15] : i32 from vector<16xi32>
    %reduce_max3A_400 = arith.constant true
    %reduce_max3A_401 = vector.broadcast %reduce_max3A_400 : i1 to vector<16xi1>
    %reduce_max3A_402 = tpu.scan <max>, %scan3A_272#14 masked %reduce_max3A_401 : vector<16xf32>, vector<16xi1> -> vector<16xf32>
    %reduce_max3A_403 = vector.extract %reduce_max3A_402[15] : f32 from vector<16xf32>
    %eq3A_404 = vector.broadcast %reduce_max3A_403 : f32 to vector<16xf32>
    %eq3A_405 = arith.cmpf oeq, %scan3A_272#14, %eq3A_404 : vector<16xf32>
    %add3A_406 = arith.addi %scan3A_272#15, %iota3A : vector<16xi32>
    %jit3A_407 = arith.constant 1073741824 : i32
    %broadcast_in_dim3A_408 = vector.broadcast %jit3A_407 : i32 to vector<16xi32>
    %select_n3A_409 = arith.select %eq3A_405, %add3A_406, %broadcast_in_dim3A_408 : vector<16xi1>, vector<16xi32>
    %reduce_min3A_410 = arith.constant true
    %reduce_min3A_411 = vector.broadcast %reduce_min3A_410 : i1 to vector<16xi1>
    %reduce_min3A_412 = arith.constant -2147483648 : i32
    %reduce_min3A_413 = vector.broadcast %reduce_min3A_412 : i32 to vector<16xi32>
    %reduce_min3A_414 = arith.xori %select_n3A_409, %reduce_min3A_413 : vector<16xi32>
    %reduce_min3A_415 = tpu.scan <min>, %reduce_min3A_414 masked %reduce_min3A_411 : vector<16xi32>, vector<16xi1> -> vector<16xi32>
    %reduce_min3A_416 = arith.xori %reduce_min3A_415, %reduce_min3A_413 : vector<16xi32>
    %reduce_min3A_417 = vector.extract %reduce_min3A_416[15] : i32 from vector<16xi32>
    %broadcast_in_dim3A_418 = arith.constant -1 : i32
    %broadcast_in_dim3A_419 = vector.broadcast %broadcast_in_dim3A_418 : i32 to vector<16xi32>
    %eq3A_420 = arith.constant 0 : i32
    %eq3A_421 = vector.broadcast %eq3A_420 : i32 to vector<16xi32>
    %eq3A_422 = arith.cmpi eq, %iota3A, %eq3A_421 : vector<16xi32>
    %broadcast_in_dim3A_423 = vector.broadcast %reduce_min3A_91 : i32 to vector<16xi32>
    %select_n3A_424 = arith.select %eq3A_422, %broadcast_in_dim3A_423, %broadcast_in_dim3A_419 : vector<16xi1>, vector<16xi32>
    %eq3A_425 = arith.constant 1 : i32
    %eq3A_426 = vector.broadcast %eq3A_425 : i32 to vector<16xi32>
    %eq3A_427 = arith.cmpi eq, %iota3A, %eq3A_426 : vector<16xi32>
    %broadcast_in_dim3A_428 = vector.broadcast %reduce_min3A_109 : i32 to vector<16xi32>
    %select_n3A_429 = arith.select %eq3A_427, %broadcast_in_dim3A_428, %select_n3A_424 : vector<16xi1>, vector<16xi32>
    %eq3A_430 = arith.constant 2 : i32
    %eq3A_431 = vector.broadcast %eq3A_430 : i32 to vector<16xi32>
    %eq3A_432 = arith.cmpi eq, %iota3A, %eq3A_431 : vector<16xi32>
    %broadcast_in_dim3A_433 = vector.broadcast %reduce_min3A_127 : i32 to vector<16xi32>
    %select_n3A_434 = arith.select %eq3A_432, %broadcast_in_dim3A_433, %select_n3A_429 : vector<16xi1>, vector<16xi32>
    %eq3A_435 = arith.constant 3 : i32
    %eq3A_436 = vector.broadcast %eq3A_435 : i32 to vector<16xi32>
    %eq3A_437 = arith.cmpi eq, %iota3A, %eq3A_436 : vector<16xi32>
    %broadcast_in_dim3A_438 = vector.broadcast %reduce_min3A_145 : i32 to vector<16xi32>
    %select_n3A_439 = arith.select %eq3A_437, %broadcast_in_dim3A_438, %select_n3A_434 : vector<16xi1>, vector<16xi32>
    %eq3A_440 = arith.constant 4 : i32
    %eq3A_441 = vector.broadcast %eq3A_440 : i32 to vector<16xi32>
    %eq3A_442 = arith.cmpi eq, %iota3A, %eq3A_441 : vector<16xi32>
    %broadcast_in_dim3A_443 = vector.broadcast %reduce_min3A_163 : i32 to vector<16xi32>
    %select_n3A_444 = arith.select %eq3A_442, %broadcast_in_dim3A_443, %select_n3A_439 : vector<16xi1>, vector<16xi32>
    %eq3A_445 = arith.constant 5 : i32
    %eq3A_446 = vector.broadcast %eq3A_445 : i32 to vector<16xi32>
    %eq3A_447 = arith.cmpi eq, %iota3A, %eq3A_446 : vector<16xi32>
    %broadcast_in_dim3A_448 = vector.broadcast %reduce_min3A_181 : i32 to vector<16xi32>
    %select_n3A_449 = arith.select %eq3A_447, %broadcast_in_dim3A_448, %select_n3A_444 : vector<16xi1>, vector<16xi32>
    %eq3A_450 = arith.constant 6 : i32
    %eq3A_451 = vector.broadcast %eq3A_450 : i32 to vector<16xi32>
    %eq3A_452 = arith.cmpi eq, %iota3A, %eq3A_451 : vector<16xi32>
    %broadcast_in_dim3A_453 = vector.broadcast %reduce_min3A_199 : i32 to vector<16xi32>
    %select_n3A_454 = arith.select %eq3A_452, %broadcast_in_dim3A_453, %select_n3A_449 : vector<16xi1>, vector<16xi32>
    %eq3A_455 = arith.constant 7 : i32
    %eq3A_456 = vector.broadcast %eq3A_455 : i32 to vector<16xi32>
    %eq3A_457 = arith.cmpi eq, %iota3A, %eq3A_456 : vector<16xi32>
    %broadcast_in_dim3A_458 = vector.broadcast %reduce_min3A_217 : i32 to vector<16xi32>
    %select_n3A_459 = arith.select %eq3A_457, %broadcast_in_dim3A_458, %select_n3A_454 : vector<16xi1>, vector<16xi32>
    %eq3A_460 = arith.constant 8 : i32
    %eq3A_461 = vector.broadcast %eq3A_460 : i32 to vector<16xi32>
    %eq3A_462 = arith.cmpi eq, %iota3A, %eq3A_461 : vector<16xi32>
    %broadcast_in_dim3A_463 = vector.broadcast %reduce_min3A_291 : i32 to vector<16xi32>
    %select_n3A_464 = arith.select %eq3A_462, %broadcast_in_dim3A_463, %select_n3A_459 : vector<16xi1>, vector<16xi32>
    %eq3A_465 = arith.constant 9 : i32
    %eq3A_466 = vector.broadcast %eq3A_465 : i32 to vector<16xi32>
    %eq3A_467 = arith.cmpi eq, %iota3A, %eq3A_466 : vector<16xi32>
    %broadcast_in_dim3A_468 = vector.broadcast %reduce_min3A_309 : i32 to vector<16xi32>
    %select_n3A_469 = arith.select %eq3A_467, %broadcast_in_dim3A_468, %select_n3A_464 : vector<16xi1>, vector<16xi32>
    %eq3A_470 = arith.constant 10 : i32
    %eq3A_471 = vector.broadcast %eq3A_470 : i32 to vector<16xi32>
    %eq3A_472 = arith.cmpi eq, %iota3A, %eq3A_471 : vector<16xi32>
    %broadcast_in_dim3A_473 = vector.broadcast %reduce_min3A_327 : i32 to vector<16xi32>
    %select_n3A_474 = arith.select %eq3A_472, %broadcast_in_dim3A_473, %select_n3A_469 : vector<16xi1>, vector<16xi32>
    %eq3A_475 = arith.constant 11 : i32
    %eq3A_476 = vector.broadcast %eq3A_475 : i32 to vector<16xi32>
    %eq3A_477 = arith.cmpi eq, %iota3A, %eq3A_476 : vector<16xi32>
    %broadcast_in_dim3A_478 = vector.broadcast %reduce_min3A_345 : i32 to vector<16xi32>
    %select_n3A_479 = arith.select %eq3A_477, %broadcast_in_dim3A_478, %select_n3A_474 : vector<16xi1>, vector<16xi32>
    %eq3A_480 = arith.constant 12 : i32
    %eq3A_481 = vector.broadcast %eq3A_480 : i32 to vector<16xi32>
    %eq3A_482 = arith.cmpi eq, %iota3A, %eq3A_481 : vector<16xi32>
    %broadcast_in_dim3A_483 = vector.broadcast %reduce_min3A_363 : i32 to vector<16xi32>
    %select_n3A_484 = arith.select %eq3A_482, %broadcast_in_dim3A_483, %select_n3A_479 : vector<16xi1>, vector<16xi32>
    %eq3A_485 = arith.constant 13 : i32
    %eq3A_486 = vector.broadcast %eq3A_485 : i32 to vector<16xi32>
    %eq3A_487 = arith.cmpi eq, %iota3A, %eq3A_486 : vector<16xi32>
    %broadcast_in_dim3A_488 = vector.broadcast %reduce_min3A_381 : i32 to vector<16xi32>
    %select_n3A_489 = arith.select %eq3A_487, %broadcast_in_dim3A_488, %select_n3A_484 : vector<16xi1>, vector<16xi32>
    %eq3A_490 = arith.constant 14 : i32
    %eq3A_491 = vector.broadcast %eq3A_490 : i32 to vector<16xi32>
    %eq3A_492 = arith.cmpi eq, %iota3A, %eq3A_491 : vector<16xi32>
    %broadcast_in_dim3A_493 = vector.broadcast %reduce_min3A_399 : i32 to vector<16xi32>
    %select_n3A_494 = arith.select %eq3A_492, %broadcast_in_dim3A_493, %select_n3A_489 : vector<16xi1>, vector<16xi32>
    %eq3A_495 = arith.constant 15 : i32
    %eq3A_496 = vector.broadcast %eq3A_495 : i32 to vector<16xi32>
    %eq3A_497 = arith.cmpi eq, %iota3A, %eq3A_496 : vector<16xi32>
    %broadcast_in_dim3A_498 = vector.broadcast %reduce_min3A_417 : i32 to vector<16xi32>
    %select_n3A_499 = arith.select %eq3A_497, %broadcast_in_dim3A_498, %select_n3A_494 : vector<16xi1>, vector<16xi32>
    %broadcast_in_dim3A_500 = vector.shape_cast %max3A_25 : vector<16xi32> to vector<16x1xi32>
    %gather3A = vector.shape_cast %broadcast_in_dim3A_500 : vector<16x1xi32> to vector<16xi32>
    %gather3A_501 = tpu.dynamic_gather %select_n3A_499[%gather3A] in [0] : vector<16xi32>, vector<16xi32> -> vector<16xi32>
    %eq3A_502 = arith.constant 0 : i32
    %eq3A_503 = vector.broadcast %eq3A_502 : i32 to vector<16xi32>
    %eq3A_504 = arith.cmpi eq, %iota3A, %eq3A_503 : vector<16xi32>
    %broadcast_in_dim3A_505 = vector.broadcast %reduce_min3A_235 : i32 to vector<16xi32>
    %select_n3A_506 = arith.select %eq3A_504, %broadcast_in_dim3A_505, %gather3A_501 : vector<16xi1>, vector<16xi32>
    %ne3A = arith.cmpi ne, %select_n3A_499, %select_n3A_506 : vector<16xi32>
    %ne3A_507 = arith.constant 0 : i32
    %ne3A_508 = vector.broadcast %ne3A_507 : i32 to vector<16xi32>
    %ne3A_509 = arith.cmpi ne, %select_n3A_499, %ne3A_508 : vector<16xi32>
    %and3A = arith.andi %ne3A, %ne3A_509 : vector<16xi1>
    %jit3A_510 = arith.constant -1 : i32
    %broadcast_in_dim3A_511 = vector.broadcast %jit3A_510 : i32 to vector<16xi32>
    %select_n3A_512 = arith.select %and3A, %select_n3A_499, %broadcast_in_dim3A_511 : vector<16xi1>, vector<16xi32>
    %swap3A = arith.constant 0 : index
    %swap3A_513 = tpu.vector_load %arg9[%swap3A] {strides = array<i32>} : memref<48xi32, #tpu.memory_space<vmem>>, vector<16xi32>,
    tpu.vector_store %arg9[%swap3A], %select_n3A_512 {strides = array<i32>} : memref<48xi32, #tpu.memory_space<vmem>>, vector<16xi32>,
    %dma_wait3A_514 = arith.constant 0 : i32
    %dma_wait3A_515 = tpu.memref_slice %arg2[%add3A_11, %dma_wait3A_514] : memref<4096x1024xf32, #tpu.memory_space<hbm>> -> memref<16x1024xf32, #tpu.memory_space<hbm>>
    %dma_wait3A_516 = arith.constant 0 : i32
    %dma_wait3A_517 = tpu.memref_slice %arg2[%add3A_11, %dma_wait3A_516] : memref<4096x1024xf32, #tpu.memory_space<hbm>> -> memref<16x1024xf32, #tpu.memory_space<hbm>>
    tpu.wait_dma2 semaphore(%arg11 : memref<!tpu.dma_semaphore, #tpu.memory_space<semaphore_mem>>) src(%dma_wait3A_517 : memref<16x1024xf32, #tpu.memory_space<hbm>>) dst(%arg5 : memref<16x1024xf32, #tpu.memory_space<vmem>>)
    %broadcast_in_dim3A_518 = arith.constant 0xFF800000 : f32
    %broadcast_in_dim3A_519 = vector.broadcast %broadcast_in_dim3A_518 : f32 to vector<16xf32>
    %broadcast_in_dim3A_520 = arith.constant 0 : i32
    %broadcast_in_dim3A_521 = vector.broadcast %broadcast_in_dim3A_520 : i32 to vector<16xi32>
    %broadcast_in_dim3A_522 = arith.constant 0xFF800000 : f32
    %broadcast_in_dim3A_523 = vector.broadcast %broadcast_in_dim3A_522 : f32 to vector<16xf32>
    %broadcast_in_dim3A_524 = arith.constant 0 : i32
    %broadcast_in_dim3A_525 = vector.broadcast %broadcast_in_dim3A_524 : i32 to vector<16xi32>
    %broadcast_in_dim3A_526 = arith.constant 0xFF800000 : f32
    %broadcast_in_dim3A_527 = vector.broadcast %broadcast_in_dim3A_526 : f32 to vector<16xf32>
    %broadcast_in_dim3A_528 = arith.constant 0 : i32
    %broadcast_in_dim3A_529 = vector.broadcast %broadcast_in_dim3A_528 : i32 to vector<16xi32>
    %broadcast_in_dim3A_530 = arith.constant 0xFF800000 : f32
    %broadcast_in_dim3A_531 = vector.broadcast %broadcast_in_dim3A_530 : f32 to vector<16xf32>
    %broadcast_in_dim3A_532 = arith.constant 0 : i32
    %broadcast_in_dim3A_533 = vector.broadcast %broadcast_in_dim3A_532 : i32 to vector<16xi32>
    %broadcast_in_dim3A_534 = arith.constant 0xFF800000 : f32
    %broadcast_in_dim3A_535 = vector.broadcast %broadcast_in_dim3A_534 : f32 to vector<16xf32>
    %broadcast_in_dim3A_536 = arith.constant 0 : i32
    %broadcast_in_dim3A_537 = vector.broadcast %broadcast_in_dim3A_536 : i32 to vector<16xi32>
    %broadcast_in_dim3A_538 = arith.constant 0xFF800000 : f32
    %broadcast_in_dim3A_539 = vector.broadcast %broadcast_in_dim3A_538 : f32 to vector<16xf32>
    %broadcast_in_dim3A_540 = arith.constant 0 : i32
    %broadcast_in_dim3A_541 = vector.broadcast %broadcast_in_dim3A_540 : i32 to vector<16xi32>
    %broadcast_in_dim3A_542 = arith.constant 0xFF800000 : f32
    %broadcast_in_dim3A_543 = vector.broadcast %broadcast_in_dim3A_542 : f32 to vector<16xf32>
    %broadcast_in_dim3A_544 = arith.constant 0 : i32
    %broadcast_in_dim3A_545 = vector.broadcast %broadcast_in_dim3A_544 : i32 to vector<16xi32>
    %broadcast_in_dim3A_546 = arith.constant 0xFF800000 : f32
    %broadcast_in_dim3A_547 = vector.broadcast %broadcast_in_dim3A_546 : f32 to vector<16xf32>
    %broadcast_in_dim3A_548 = arith.constant 0 : i32
    %broadcast_in_dim3A_549 = vector.broadcast %broadcast_in_dim3A_548 : i32 to vector<16xi32>
    %scan3A_550 = arith.constant 0 : i32
    %scan3A_551 = arith.constant 64 : i32
    %scan3A_552 = arith.addi %scan3A_550, %scan3A_551 : i32
    %scan3A_553 = arith.constant 1 : i32
    %scan3A_554:16 = scf.for %scan3A_1452 = %scan3A_550 to %scan3A_552 step %scan3A_553 iter_args(%scan3A_1453 = %broadcast_in_dim3A_519, %scan3A_1454 = %broadcast_in_dim3A_521, %scan3A_1455 = %broadcast_in_dim3A_523, %scan3A_1456 = %broadcast_in_dim3A_525, %scan3A_1457 = %broadcast_in_dim3A_527, %scan3A_1458 = %broadcast_in_dim3A_529, %scan3A_1459 = %broadcast_in_dim3A_531, %scan3A_1460 = %broadcast_in_dim3A_533, %scan3A_1461 = %broadcast_in_dim3A_535, %scan3A_1462 = %broadcast_in_dim3A_537, %scan3A_1463 = %broadcast_in_dim3A_539, %scan3A_1464 = %broadcast_in_dim3A_541, %scan3A_1465 = %broadcast_in_dim3A_543, %scan3A_1466 = %broadcast_in_dim3A_545, %scan3A_1467 = %broadcast_in_dim3A_547, %scan3A_1468 = %broadcast_in_dim3A_549) -> (vector<16xf32>, vector<16xi32>, vector<16xf32>, vector<16xi32>, vector<16xf32>, vector<16xi32>, vector<16xf32>, vector<16xi32>, vector<16xf32>, vector<16xi32>, vector<16xf32>, vector<16xi32>, vector<16xf32>, vector<16xi32>, vector<16xf32>, vector<16xi32>)  : i32 {
      %mul3A_1469 = arith.constant 16 : i32
      %mul3A_1470 = arith.muli %scan3A_1452, %mul3A_1469 : i32
      %broadcast_in_dim3A_1471 = vector.broadcast %mul3A_1470 : i32 to vector<16xi32>
      %get3A = arith.constant 0 : i32
      %get3A_1472 = arith.index_cast %get3A : i32 to index
      %get3A_1473 = arith.index_cast %mul3A_1470 : i32 to index
      %get3A_1474 = tpu.vector_load %arg5[%get3A_1472, %get3A_1473] {strides = array<i32>} : memref<16x1024xf32, #tpu.memory_space<vmem>>, vector<16xf32>,
      %gt3A = arith.cmpf ogt, %get3A_1474, %scan3A_1453 : vector<16xf32>
      %select_n3A_1475 = arith.select %gt3A, %get3A_1474, %scan3A_1453 : vector<16xi1>, vector<16xf32>
      %select_n3A_1476 = arith.select %gt3A, %broadcast_in_dim3A_1471, %scan3A_1454 : vector<16xi1>, vector<16xi32>
      %get3A_1477 = arith.constant 1 : i32
      %get3A_1478 = arith.index_cast %get3A_1477 : i32 to index
      %get3A_1479 = arith.index_cast %mul3A_1470 : i32 to index
      %get3A_1480 = tpu.vector_load %arg5[%get3A_1478, %get3A_1479] {strides = array<i32>} : memref<16x1024xf32, #tpu.memory_space<vmem>>, vector<16xf32>,
      %gt3A_1481 = arith.cmpf ogt, %get3A_1480, %scan3A_1455 : vector<16xf32>
      %select_n3A_1482 = arith.select %gt3A_1481, %get3A_1480, %scan3A_1455 : vector<16xi1>, vector<16xf32>
      %select_n3A_1483 = arith.select %gt3A_1481, %broadcast_in_dim3A_1471, %scan3A_1456 : vector<16xi1>, vector<16xi32>
      %get3A_1484 = arith.constant 2 : i32
      %get3A_1485 = arith.index_cast %get3A_1484 : i32 to index
      %get3A_1486 = arith.index_cast %mul3A_1470 : i32 to index
      %get3A_1487 = tpu.vector_load %arg5[%get3A_1485, %get3A_1486] {strides = array<i32>} : memref<16x1024xf32, #tpu.memory_space<vmem>>, vector<16xf32>,
      %gt3A_1488 = arith.cmpf ogt, %get3A_1487, %scan3A_1457 : vector<16xf32>
      %select_n3A_1489 = arith.select %gt3A_1488, %get3A_1487, %scan3A_1457 : vector<16xi1>, vector<16xf32>
      %select_n3A_1490 = arith.select %gt3A_1488, %broadcast_in_dim3A_1471, %scan3A_1458 : vector<16xi1>, vector<16xi32>
      %get3A_1491 = arith.constant 3 : i32
      %get3A_1492 = arith.index_cast %get3A_1491 : i32 to index
      %get3A_1493 = arith.index_cast %mul3A_1470 : i32 to index
      %get3A_1494 = tpu.vector_load %arg5[%get3A_1492, %get3A_1493] {strides = array<i32>} : memref<16x1024xf32, #tpu.memory_space<vmem>>, vector<16xf32>,
      %gt3A_1495 = arith.cmpf ogt, %get3A_1494, %scan3A_1459 : vector<16xf32>
      %select_n3A_1496 = arith.select %gt3A_1495, %get3A_1494, %scan3A_1459 : vector<16xi1>, vector<16xf32>
      %select_n3A_1497 = arith.select %gt3A_1495, %broadcast_in_dim3A_1471, %scan3A_1460 : vector<16xi1>, vector<16xi32>
      %get3A_1498 = arith.constant 4 : i32
      %get3A_1499 = arith.index_cast %get3A_1498 : i32 to index
      %get3A_1500 = arith.index_cast %mul3A_1470 : i32 to index
      %get3A_1501 = tpu.vector_load %arg5[%get3A_1499, %get3A_1500] {strides = array<i32>} : memref<16x1024xf32, #tpu.memory_space<vmem>>, vector<16xf32>,
      %gt3A_1502 = arith.cmpf ogt, %get3A_1501, %scan3A_1461 : vector<16xf32>
      %select_n3A_1503 = arith.select %gt3A_1502, %get3A_1501, %scan3A_1461 : vector<16xi1>, vector<16xf32>
      %select_n3A_1504 = arith.select %gt3A_1502, %broadcast_in_dim3A_1471, %scan3A_1462 : vector<16xi1>, vector<16xi32>
      %get3A_1505 = arith.constant 5 : i32
      %get3A_1506 = arith.index_cast %get3A_1505 : i32 to index
      %get3A_1507 = arith.index_cast %mul3A_1470 : i32 to index
      %get3A_1508 = tpu.vector_load %arg5[%get3A_1506, %get3A_1507] {strides = array<i32>} : memref<16x1024xf32, #tpu.memory_space<vmem>>, vector<16xf32>,
      %gt3A_1509 = arith.cmpf ogt, %get3A_1508, %scan3A_1463 : vector<16xf32>
      %select_n3A_1510 = arith.select %gt3A_1509, %get3A_1508, %scan3A_1463 : vector<16xi1>, vector<16xf32>
      %select_n3A_1511 = arith.select %gt3A_1509, %broadcast_in_dim3A_1471, %scan3A_1464 : vector<16xi1>, vector<16xi32>
      %get3A_1512 = arith.constant 6 : i32
      %get3A_1513 = arith.index_cast %get3A_1512 : i32 to index
      %get3A_1514 = arith.index_cast %mul3A_1470 : i32 to index
      %get3A_1515 = tpu.vector_load %arg5[%get3A_1513, %get3A_1514] {strides = array<i32>} : memref<16x1024xf32, #tpu.memory_space<vmem>>, vector<16xf32>,
      %gt3A_1516 = arith.cmpf ogt, %get3A_1515, %scan3A_1465 : vector<16xf32>
      %select_n3A_1517 = arith.select %gt3A_1516, %get3A_1515, %scan3A_1465 : vector<16xi1>, vector<16xf32>
      %select_n3A_1518 = arith.select %gt3A_1516, %broadcast_in_dim3A_1471, %scan3A_1466 : vector<16xi1>, vector<16xi32>
      %get3A_1519 = arith.constant 7 : i32
      %get3A_1520 = arith.index_cast %get3A_1519 : i32 to index
      %get3A_1521 = arith.index_cast %mul3A_1470 : i32 to index
      %get3A_1522 = tpu.vector_load %arg5[%get3A_1520, %get3A_1521] {strides = array<i32>} : memref<16x1024xf32, #tpu.memory_space<vmem>>, vector<16xf32>,
      %gt3A_1523 = arith.cmpf ogt, %get3A_1522, %scan3A_1467 : vector<16xf32>
      %select_n3A_1524 = arith.select %gt3A_1523, %get3A_1522, %scan3A_1467 : vector<16xi1>, vector<16xf32>
      %select_n3A_1525 = arith.select %gt3A_1523, %broadcast_in_dim3A_1471, %scan3A_1468 : vector<16xi1>, vector<16xi32>
      scf.yield %select_n3A_1475, %select_n3A_1476, %select_n3A_1482, %select_n3A_1483, %select_n3A_1489, %select_n3A_1490, %select_n3A_1496, %select_n3A_1497, %select_n3A_1503, %select_n3A_1504, %select_n3A_1510, %select_n3A_1511, %select_n3A_1517, %select_n3A_1518, %select_n3A_1524, %select_n3A_1525 : vector<16xf32>, vector<16xi32>, vector<16xf32>, vector<16xi32>, vector<16xf32>, vector<16xi32>, vector<16xf32>, vector<16xi32>, vector<16xf32>, vector<16xi32>, vector<16xf32>, vector<16xi32>, vector<16xf32>, vector<16xi32>, vector<16xf32>, vector<16xi32>
    }
    %scan3A_555 = arith.constant 64 : i32
    %reduce_max3A_556 = arith.constant true
    %reduce_max3A_557 = vector.broadcast %reduce_max3A_556 : i1 to vector<16xi1>
    %reduce_max3A_558 = tpu.scan <max>, %scan3A_554#0 masked %reduce_max3A_557 : vector<16xf32>, vector<16xi1> -> vector<16xf32>
    %reduce_max3A_559 = vector.extract %reduce_max3A_558[15] : f32 from vector<16xf32>
    %eq3A_560 = vector.broadcast %reduce_max3A_559 : f32 to vector<16xf32>
    %eq3A_561 = arith.cmpf oeq, %scan3A_554#0, %eq3A_560 : vector<16xf32>
    %add3A_562 = arith.addi %scan3A_554#1, %iota3A : vector<16xi32>
    %jit3A_563 = arith.constant 1073741824 : i32
    %broadcast_in_dim3A_564 = vector.broadcast %jit3A_563 : i32 to vector<16xi32>
    %select_n3A_565 = arith.select %eq3A_561, %add3A_562, %broadcast_in_dim3A_564 : vector<16xi1>, vector<16xi32>
    %reduce_min3A_566 = arith.constant true
    %reduce_min3A_567 = vector.broadcast %reduce_min3A_566 : i1 to vector<16xi1>
    %reduce_min3A_568 = arith.constant -2147483648 : i32
    %reduce_min3A_569 = vector.broadcast %reduce_min3A_568 : i32 to vector<16xi32>
    %reduce_min3A_570 = arith.xori %select_n3A_565, %reduce_min3A_569 : vector<16xi32>
    %reduce_min3A_571 = tpu.scan <min>, %reduce_min3A_570 masked %reduce_min3A_567 : vector<16xi32>, vector<16xi1> -> vector<16xi32>
    %reduce_min3A_572 = arith.xori %reduce_min3A_571, %reduce_min3A_569 : vector<16xi32>
    %reduce_min3A_573 = vector.extract %reduce_min3A_572[15] : i32 from vector<16xi32>
    %reduce_max3A_574 = arith.constant true
    %reduce_max3A_575 = vector.broadcast %reduce_max3A_574 : i1 to vector<16xi1>
    %reduce_max3A_576 = tpu.scan <max>, %scan3A_554#2 masked %reduce_max3A_575 : vector<16xf32>, vector<16xi1> -> vector<16xf32>
    %reduce_max3A_577 = vector.extract %reduce_max3A_576[15] : f32 from vector<16xf32>
    %eq3A_578 = vector.broadcast %reduce_max3A_577 : f32 to vector<16xf32>
    %eq3A_579 = arith.cmpf oeq, %scan3A_554#2, %eq3A_578 : vector<16xf32>
    %add3A_580 = arith.addi %scan3A_554#3, %iota3A : vector<16xi32>
    %jit3A_581 = arith.constant 1073741824 : i32
    %broadcast_in_dim3A_582 = vector.broadcast %jit3A_581 : i32 to vector<16xi32>
    %select_n3A_583 = arith.select %eq3A_579, %add3A_580, %broadcast_in_dim3A_582 : vector<16xi1>, vector<16xi32>
    %reduce_min3A_584 = arith.constant true
    %reduce_min3A_585 = vector.broadcast %reduce_min3A_584 : i1 to vector<16xi1>
    %reduce_min3A_586 = arith.constant -2147483648 : i32
    %reduce_min3A_587 = vector.broadcast %reduce_min3A_586 : i32 to vector<16xi32>
    %reduce_min3A_588 = arith.xori %select_n3A_583, %reduce_min3A_587 : vector<16xi32>
    %reduce_min3A_589 = tpu.scan <min>, %reduce_min3A_588 masked %reduce_min3A_585 : vector<16xi32>, vector<16xi1> -> vector<16xi32>
    %reduce_min3A_590 = arith.xori %reduce_min3A_589, %reduce_min3A_587 : vector<16xi32>
    %reduce_min3A_591 = vector.extract %reduce_min3A_590[15] : i32 from vector<16xi32>
    %reduce_max3A_592 = arith.constant true
    %reduce_max3A_593 = vector.broadcast %reduce_max3A_592 : i1 to vector<16xi1>
    %reduce_max3A_594 = tpu.scan <max>, %scan3A_554#4 masked %reduce_max3A_593 : vector<16xf32>, vector<16xi1> -> vector<16xf32>
    %reduce_max3A_595 = vector.extract %reduce_max3A_594[15] : f32 from vector<16xf32>
    %eq3A_596 = vector.broadcast %reduce_max3A_595 : f32 to vector<16xf32>
    %eq3A_597 = arith.cmpf oeq, %scan3A_554#4, %eq3A_596 : vector<16xf32>
    %add3A_598 = arith.addi %scan3A_554#5, %iota3A : vector<16xi32>
    %jit3A_599 = arith.constant 1073741824 : i32
    %broadcast_in_dim3A_600 = vector.broadcast %jit3A_599 : i32 to vector<16xi32>
    %select_n3A_601 = arith.select %eq3A_597, %add3A_598, %broadcast_in_dim3A_600 : vector<16xi1>, vector<16xi32>
    %reduce_min3A_602 = arith.constant true
    %reduce_min3A_603 = vector.broadcast %reduce_min3A_602 : i1 to vector<16xi1>
    %reduce_min3A_604 = arith.constant -2147483648 : i32
    %reduce_min3A_605 = vector.broadcast %reduce_min3A_604 : i32 to vector<16xi32>
    %reduce_min3A_606 = arith.xori %select_n3A_601, %reduce_min3A_605 : vector<16xi32>
    %reduce_min3A_607 = tpu.scan <min>, %reduce_min3A_606 masked %reduce_min3A_603 : vector<16xi32>, vector<16xi1> -> vector<16xi32>
    %reduce_min3A_608 = arith.xori %reduce_min3A_607, %reduce_min3A_605 : vector<16xi32>
    %reduce_min3A_609 = vector.extract %reduce_min3A_608[15] : i32 from vector<16xi32>
    %reduce_max3A_610 = arith.constant true
    %reduce_max3A_611 = vector.broadcast %reduce_max3A_610 : i1 to vector<16xi1>
    %reduce_max3A_612 = tpu.scan <max>, %scan3A_554#6 masked %reduce_max3A_611 : vector<16xf32>, vector<16xi1> -> vector<16xf32>
    %reduce_max3A_613 = vector.extract %reduce_max3A_612[15] : f32 from vector<16xf32>
    %eq3A_614 = vector.broadcast %reduce_max3A_613 : f32 to vector<16xf32>
    %eq3A_615 = arith.cmpf oeq, %scan3A_554#6, %eq3A_614 : vector<16xf32>
    %add3A_616 = arith.addi %scan3A_554#7, %iota3A : vector<16xi32>
    %jit3A_617 = arith.constant 1073741824 : i32
    %broadcast_in_dim3A_618 = vector.broadcast %jit3A_617 : i32 to vector<16xi32>
    %select_n3A_619 = arith.select %eq3A_615, %add3A_616, %broadcast_in_dim3A_618 : vector<16xi1>, vector<16xi32>
    %reduce_min3A_620 = arith.constant true
    %reduce_min3A_621 = vector.broadcast %reduce_min3A_620 : i1 to vector<16xi1>
    %reduce_min3A_622 = arith.constant -2147483648 : i32
    %reduce_min3A_623 = vector.broadcast %reduce_min3A_622 : i32 to vector<16xi32>
    %reduce_min3A_624 = arith.xori %select_n3A_619, %reduce_min3A_623 : vector<16xi32>
    %reduce_min3A_625 = tpu.scan <min>, %reduce_min3A_624 masked %reduce_min3A_621 : vector<16xi32>, vector<16xi1> -> vector<16xi32>
    %reduce_min3A_626 = arith.xori %reduce_min3A_625, %reduce_min3A_623 : vector<16xi32>
    %reduce_min3A_627 = vector.extract %reduce_min3A_626[15] : i32 from vector<16xi32>
    %reduce_max3A_628 = arith.constant true
    %reduce_max3A_629 = vector.broadcast %reduce_max3A_628 : i1 to vector<16xi1>
    %reduce_max3A_630 = tpu.scan <max>, %scan3A_554#8 masked %reduce_max3A_629 : vector<16xf32>, vector<16xi1> -> vector<16xf32>
    %reduce_max3A_631 = vector.extract %reduce_max3A_630[15] : f32 from vector<16xf32>
    %eq3A_632 = vector.broadcast %reduce_max3A_631 : f32 to vector<16xf32>
    %eq3A_633 = arith.cmpf oeq, %scan3A_554#8, %eq3A_632 : vector<16xf32>
    %add3A_634 = arith.addi %scan3A_554#9, %iota3A : vector<16xi32>
    %jit3A_635 = arith.constant 1073741824 : i32
    %broadcast_in_dim3A_636 = vector.broadcast %jit3A_635 : i32 to vector<16xi32>
    %select_n3A_637 = arith.select %eq3A_633, %add3A_634, %broadcast_in_dim3A_636 : vector<16xi1>, vector<16xi32>
    %reduce_min3A_638 = arith.constant true
    %reduce_min3A_639 = vector.broadcast %reduce_min3A_638 : i1 to vector<16xi1>
    %reduce_min3A_640 = arith.constant -2147483648 : i32
    %reduce_min3A_641 = vector.broadcast %reduce_min3A_640 : i32 to vector<16xi32>
    %reduce_min3A_642 = arith.xori %select_n3A_637, %reduce_min3A_641 : vector<16xi32>
    %reduce_min3A_643 = tpu.scan <min>, %reduce_min3A_642 masked %reduce_min3A_639 : vector<16xi32>, vector<16xi1> -> vector<16xi32>
    %reduce_min3A_644 = arith.xori %reduce_min3A_643, %reduce_min3A_641 : vector<16xi32>
    %reduce_min3A_645 = vector.extract %reduce_min3A_644[15] : i32 from vector<16xi32>
    %reduce_max3A_646 = arith.constant true
    %reduce_max3A_647 = vector.broadcast %reduce_max3A_646 : i1 to vector<16xi1>
    %reduce_max3A_648 = tpu.scan <max>, %scan3A_554#10 masked %reduce_max3A_647 : vector<16xf32>, vector<16xi1> -> vector<16xf32>
    %reduce_max3A_649 = vector.extract %reduce_max3A_648[15] : f32 from vector<16xf32>
    %eq3A_650 = vector.broadcast %reduce_max3A_649 : f32 to vector<16xf32>
    %eq3A_651 = arith.cmpf oeq, %scan3A_554#10, %eq3A_650 : vector<16xf32>
    %add3A_652 = arith.addi %scan3A_554#11, %iota3A : vector<16xi32>
    %jit3A_653 = arith.constant 1073741824 : i32
    %broadcast_in_dim3A_654 = vector.broadcast %jit3A_653 : i32 to vector<16xi32>
    %select_n3A_655 = arith.select %eq3A_651, %add3A_652, %broadcast_in_dim3A_654 : vector<16xi1>, vector<16xi32>
    %reduce_min3A_656 = arith.constant true
    %reduce_min3A_657 = vector.broadcast %reduce_min3A_656 : i1 to vector<16xi1>
    %reduce_min3A_658 = arith.constant -2147483648 : i32
    %reduce_min3A_659 = vector.broadcast %reduce_min3A_658 : i32 to vector<16xi32>
    %reduce_min3A_660 = arith.xori %select_n3A_655, %reduce_min3A_659 : vector<16xi32>
    %reduce_min3A_661 = tpu.scan <min>, %reduce_min3A_660 masked %reduce_min3A_657 : vector<16xi32>, vector<16xi1> -> vector<16xi32>
    %reduce_min3A_662 = arith.xori %reduce_min3A_661, %reduce_min3A_659 : vector<16xi32>
    %reduce_min3A_663 = vector.extract %reduce_min3A_662[15] : i32 from vector<16xi32>
    %reduce_max3A_664 = arith.constant true
    %reduce_max3A_665 = vector.broadcast %reduce_max3A_664 : i1 to vector<16xi1>
    %reduce_max3A_666 = tpu.scan <max>, %scan3A_554#12 masked %reduce_max3A_665 : vector<16xf32>, vector<16xi1> -> vector<16xf32>
    %reduce_max3A_667 = vector.extract %reduce_max3A_666[15] : f32 from vector<16xf32>
    %eq3A_668 = vector.broadcast %reduce_max3A_667 : f32 to vector<16xf32>
    %eq3A_669 = arith.cmpf oeq, %scan3A_554#12, %eq3A_668 : vector<16xf32>
    %add3A_670 = arith.addi %scan3A_554#13, %iota3A : vector<16xi32>
    %jit3A_671 = arith.constant 1073741824 : i32
    %broadcast_in_dim3A_672 = vector.broadcast %jit3A_671 : i32 to vector<16xi32>
    %select_n3A_673 = arith.select %eq3A_669, %add3A_670, %broadcast_in_dim3A_672 : vector<16xi1>, vector<16xi32>
    %reduce_min3A_674 = arith.constant true
    %reduce_min3A_675 = vector.broadcast %reduce_min3A_674 : i1 to vector<16xi1>
    %reduce_min3A_676 = arith.constant -2147483648 : i32
    %reduce_min3A_677 = vector.broadcast %reduce_min3A_676 : i32 to vector<16xi32>
    %reduce_min3A_678 = arith.xori %select_n3A_673, %reduce_min3A_677 : vector<16xi32>
    %reduce_min3A_679 = tpu.scan <min>, %reduce_min3A_678 masked %reduce_min3A_675 : vector<16xi32>, vector<16xi1> -> vector<16xi32>
    %reduce_min3A_680 = arith.xori %reduce_min3A_679, %reduce_min3A_677 : vector<16xi32>
    %reduce_min3A_681 = vector.extract %reduce_min3A_680[15] : i32 from vector<16xi32>
    %reduce_max3A_682 = arith.constant true
    %reduce_max3A_683 = vector.broadcast %reduce_max3A_682 : i1 to vector<16xi1>
    %reduce_max3A_684 = tpu.scan <max>, %scan3A_554#14 masked %reduce_max3A_683 : vector<16xf32>, vector<16xi1> -> vector<16xf32>
    %reduce_max3A_685 = vector.extract %reduce_max3A_684[15] : f32 from vector<16xf32>
    %eq3A_686 = vector.broadcast %reduce_max3A_685 : f32 to vector<16xf32>
    %eq3A_687 = arith.cmpf oeq, %scan3A_554#14, %eq3A_686 : vector<16xf32>
    %add3A_688 = arith.addi %scan3A_554#15, %iota3A : vector<16xi32>
    %jit3A_689 = arith.constant 1073741824 : i32
    %broadcast_in_dim3A_690 = vector.broadcast %jit3A_689 : i32 to vector<16xi32>
    %select_n3A_691 = arith.select %eq3A_687, %add3A_688, %broadcast_in_dim3A_690 : vector<16xi1>, vector<16xi32>
    %reduce_min3A_692 = arith.constant true
    %reduce_min3A_693 = vector.broadcast %reduce_min3A_692 : i1 to vector<16xi1>
    %reduce_min3A_694 = arith.constant -2147483648 : i32
    %reduce_min3A_695 = vector.broadcast %reduce_min3A_694 : i32 to vector<16xi32>
    %reduce_min3A_696 = arith.xori %select_n3A_691, %reduce_min3A_695 : vector<16xi32>
    %reduce_min3A_697 = tpu.scan <min>, %reduce_min3A_696 masked %reduce_min3A_693 : vector<16xi32>, vector<16xi1> -> vector<16xi32>
    %reduce_min3A_698 = arith.xori %reduce_min3A_697, %reduce_min3A_695 : vector<16xi32>
    %reduce_min3A_699 = vector.extract %reduce_min3A_698[15] : i32 from vector<16xi32>
    %broadcast_in_dim3A_700 = arith.constant 0xFF800000 : f32
    %broadcast_in_dim3A_701 = vector.broadcast %broadcast_in_dim3A_700 : f32 to vector<16xf32>
    %broadcast_in_dim3A_702 = arith.constant 0 : i32
    %broadcast_in_dim3A_703 = vector.broadcast %broadcast_in_dim3A_702 : i32 to vector<16xi32>
    %broadcast_in_dim3A_704 = arith.constant 0xFF800000 : f32
    %broadcast_in_dim3A_705 = vector.broadcast %broadcast_in_dim3A_704 : f32 to vector<16xf32>
    %broadcast_in_dim3A_706 = arith.constant 0 : i32
    %broadcast_in_dim3A_707 = vector.broadcast %broadcast_in_dim3A_706 : i32 to vector<16xi32>
    %broadcast_in_dim3A_708 = arith.constant 0xFF800000 : f32
    %broadcast_in_dim3A_709 = vector.broadcast %broadcast_in_dim3A_708 : f32 to vector<16xf32>
    %broadcast_in_dim3A_710 = arith.constant 0 : i32
    %broadcast_in_dim3A_711 = vector.broadcast %broadcast_in_dim3A_710 : i32 to vector<16xi32>
    %broadcast_in_dim3A_712 = arith.constant 0xFF800000 : f32
    %broadcast_in_dim3A_713 = vector.broadcast %broadcast_in_dim3A_712 : f32 to vector<16xf32>
    %broadcast_in_dim3A_714 = arith.constant 0 : i32
    %broadcast_in_dim3A_715 = vector.broadcast %broadcast_in_dim3A_714 : i32 to vector<16xi32>
    %broadcast_in_dim3A_716 = arith.constant 0xFF800000 : f32
    %broadcast_in_dim3A_717 = vector.broadcast %broadcast_in_dim3A_716 : f32 to vector<16xf32>
    %broadcast_in_dim3A_718 = arith.constant 0 : i32
    %broadcast_in_dim3A_719 = vector.broadcast %broadcast_in_dim3A_718 : i32 to vector<16xi32>
    %broadcast_in_dim3A_720 = arith.constant 0xFF800000 : f32
    %broadcast_in_dim3A_721 = vector.broadcast %broadcast_in_dim3A_720 : f32 to vector<16xf32>
    %broadcast_in_dim3A_722 = arith.constant 0 : i32
    %broadcast_in_dim3A_723 = vector.broadcast %broadcast_in_dim3A_722 : i32 to vector<16xi32>
    %broadcast_in_dim3A_724 = arith.constant 0xFF800000 : f32
    %broadcast_in_dim3A_725 = vector.broadcast %broadcast_in_dim3A_724 : f32 to vector<16xf32>
    %broadcast_in_dim3A_726 = arith.constant 0 : i32
    %broadcast_in_dim3A_727 = vector.broadcast %broadcast_in_dim3A_726 : i32 to vector<16xi32>
    %broadcast_in_dim3A_728 = arith.constant 0xFF800000 : f32
    %broadcast_in_dim3A_729 = vector.broadcast %broadcast_in_dim3A_728 : f32 to vector<16xf32>
    %broadcast_in_dim3A_730 = arith.constant 0 : i32
    %broadcast_in_dim3A_731 = vector.broadcast %broadcast_in_dim3A_730 : i32 to vector<16xi32>
    %scan3A_732 = arith.constant 0 : i32
    %scan3A_733 = arith.constant 64 : i32
    %scan3A_734 = arith.addi %scan3A_732, %scan3A_733 : i32
    %scan3A_735 = arith.constant 1 : i32
    %scan3A_736:16 = scf.for %scan3A_1452 = %scan3A_732 to %scan3A_734 step %scan3A_735 iter_args(%scan3A_1453 = %broadcast_in_dim3A_701, %scan3A_1454 = %broadcast_in_dim3A_703, %scan3A_1455 = %broadcast_in_dim3A_705, %scan3A_1456 = %broadcast_in_dim3A_707, %scan3A_1457 = %broadcast_in_dim3A_709, %scan3A_1458 = %broadcast_in_dim3A_711, %scan3A_1459 = %broadcast_in_dim3A_713, %scan3A_1460 = %broadcast_in_dim3A_715, %scan3A_1461 = %broadcast_in_dim3A_717, %scan3A_1462 = %broadcast_in_dim3A_719, %scan3A_1463 = %broadcast_in_dim3A_721, %scan3A_1464 = %broadcast_in_dim3A_723, %scan3A_1465 = %broadcast_in_dim3A_725, %scan3A_1466 = %broadcast_in_dim3A_727, %scan3A_1467 = %broadcast_in_dim3A_729, %scan3A_1468 = %broadcast_in_dim3A_731) -> (vector<16xf32>, vector<16xi32>, vector<16xf32>, vector<16xi32>, vector<16xf32>, vector<16xi32>, vector<16xf32>, vector<16xi32>, vector<16xf32>, vector<16xi32>, vector<16xf32>, vector<16xi32>, vector<16xf32>, vector<16xi32>, vector<16xf32>, vector<16xi32>)  : i32 {
      %mul3A_1469 = arith.constant 16 : i32
      %mul3A_1470 = arith.muli %scan3A_1452, %mul3A_1469 : i32
      %broadcast_in_dim3A_1471 = vector.broadcast %mul3A_1470 : i32 to vector<16xi32>
      %get3A = arith.constant 8 : i32
      %get3A_1472 = arith.index_cast %get3A : i32 to index
      %get3A_1473 = arith.index_cast %mul3A_1470 : i32 to index
      %get3A_1474 = tpu.vector_load %arg5[%get3A_1472, %get3A_1473] {strides = array<i32>} : memref<16x1024xf32, #tpu.memory_space<vmem>>, vector<16xf32>,
      %gt3A = arith.cmpf ogt, %get3A_1474, %scan3A_1453 : vector<16xf32>
      %select_n3A_1475 = arith.select %gt3A, %get3A_1474, %scan3A_1453 : vector<16xi1>, vector<16xf32>
      %select_n3A_1476 = arith.select %gt3A, %broadcast_in_dim3A_1471, %scan3A_1454 : vector<16xi1>, vector<16xi32>
      %get3A_1477 = arith.constant 9 : i32
      %get3A_1478 = arith.index_cast %get3A_1477 : i32 to index
      %get3A_1479 = arith.index_cast %mul3A_1470 : i32 to index
      %get3A_1480 = tpu.vector_load %arg5[%get3A_1478, %get3A_1479] {strides = array<i32>} : memref<16x1024xf32, #tpu.memory_space<vmem>>, vector<16xf32>,
      %gt3A_1481 = arith.cmpf ogt, %get3A_1480, %scan3A_1455 : vector<16xf32>
      %select_n3A_1482 = arith.select %gt3A_1481, %get3A_1480, %scan3A_1455 : vector<16xi1>, vector<16xf32>
      %select_n3A_1483 = arith.select %gt3A_1481, %broadcast_in_dim3A_1471, %scan3A_1456 : vector<16xi1>, vector<16xi32>
      %get3A_1484 = arith.constant 10 : i32
      %get3A_1485 = arith.index_cast %get3A_1484 : i32 to index
      %get3A_1486 = arith.index_cast %mul3A_1470 : i32 to index
      %get3A_1487 = tpu.vector_load %arg5[%get3A_1485, %get3A_1486] {strides = array<i32>} : memref<16x1024xf32, #tpu.memory_space<vmem>>, vector<16xf32>,
      %gt3A_1488 = arith.cmpf ogt, %get3A_1487, %scan3A_1457 : vector<16xf32>
      %select_n3A_1489 = arith.select %gt3A_1488, %get3A_1487, %scan3A_1457 : vector<16xi1>, vector<16xf32>
      %select_n3A_1490 = arith.select %gt3A_1488, %broadcast_in_dim3A_1471, %scan3A_1458 : vector<16xi1>, vector<16xi32>
      %get3A_1491 = arith.constant 11 : i32
      %get3A_1492 = arith.index_cast %get3A_1491 : i32 to index
      %get3A_1493 = arith.index_cast %mul3A_1470 : i32 to index
      %get3A_1494 = tpu.vector_load %arg5[%get3A_1492, %get3A_1493] {strides = array<i32>} : memref<16x1024xf32, #tpu.memory_space<vmem>>, vector<16xf32>,
      %gt3A_1495 = arith.cmpf ogt, %get3A_1494, %scan3A_1459 : vector<16xf32>
      %select_n3A_1496 = arith.select %gt3A_1495, %get3A_1494, %scan3A_1459 : vector<16xi1>, vector<16xf32>
      %select_n3A_1497 = arith.select %gt3A_1495, %broadcast_in_dim3A_1471, %scan3A_1460 : vector<16xi1>, vector<16xi32>
      %get3A_1498 = arith.constant 12 : i32
      %get3A_1499 = arith.index_cast %get3A_1498 : i32 to index
      %get3A_1500 = arith.index_cast %mul3A_1470 : i32 to index
      %get3A_1501 = tpu.vector_load %arg5[%get3A_1499, %get3A_1500] {strides = array<i32>} : memref<16x1024xf32, #tpu.memory_space<vmem>>, vector<16xf32>,
      %gt3A_1502 = arith.cmpf ogt, %get3A_1501, %scan3A_1461 : vector<16xf32>
      %select_n3A_1503 = arith.select %gt3A_1502, %get3A_1501, %scan3A_1461 : vector<16xi1>, vector<16xf32>
      %select_n3A_1504 = arith.select %gt3A_1502, %broadcast_in_dim3A_1471, %scan3A_1462 : vector<16xi1>, vector<16xi32>
      %get3A_1505 = arith.constant 13 : i32
      %get3A_1506 = arith.index_cast %get3A_1505 : i32 to index
      %get3A_1507 = arith.index_cast %mul3A_1470 : i32 to index
      %get3A_1508 = tpu.vector_load %arg5[%get3A_1506, %get3A_1507] {strides = array<i32>} : memref<16x1024xf32, #tpu.memory_space<vmem>>, vector<16xf32>,
      %gt3A_1509 = arith.cmpf ogt, %get3A_1508, %scan3A_1463 : vector<16xf32>
      %select_n3A_1510 = arith.select %gt3A_1509, %get3A_1508, %scan3A_1463 : vector<16xi1>, vector<16xf32>
      %select_n3A_1511 = arith.select %gt3A_1509, %broadcast_in_dim3A_1471, %scan3A_1464 : vector<16xi1>, vector<16xi32>
      %get3A_1512 = arith.constant 14 : i32
      %get3A_1513 = arith.index_cast %get3A_1512 : i32 to index
      %get3A_1514 = arith.index_cast %mul3A_1470 : i32 to index
      %get3A_1515 = tpu.vector_load %arg5[%get3A_1513, %get3A_1514] {strides = array<i32>} : memref<16x1024xf32, #tpu.memory_space<vmem>>, vector<16xf32>,
      %gt3A_1516 = arith.cmpf ogt, %get3A_1515, %scan3A_1465 : vector<16xf32>
      %select_n3A_1517 = arith.select %gt3A_1516, %get3A_1515, %scan3A_1465 : vector<16xi1>, vector<16xf32>
      %select_n3A_1518 = arith.select %gt3A_1516, %broadcast_in_dim3A_1471, %scan3A_1466 : vector<16xi1>, vector<16xi32>
      %get3A_1519 = arith.constant 15 : i32
      %get3A_1520 = arith.index_cast %get3A_1519 : i32 to index
      %get3A_1521 = arith.index_cast %mul3A_1470 : i32 to index
      %get3A_1522 = tpu.vector_load %arg5[%get3A_1520, %get3A_1521] {strides = array<i32>} : memref<16x1024xf32, #tpu.memory_space<vmem>>, vector<16xf32>,
      %gt3A_1523 = arith.cmpf ogt, %get3A_1522, %scan3A_1467 : vector<16xf32>
      %select_n3A_1524 = arith.select %gt3A_1523, %get3A_1522, %scan3A_1467 : vector<16xi1>, vector<16xf32>
      %select_n3A_1525 = arith.select %gt3A_1523, %broadcast_in_dim3A_1471, %scan3A_1468 : vector<16xi1>, vector<16xi32>
      scf.yield %select_n3A_1475, %select_n3A_1476, %select_n3A_1482, %select_n3A_1483, %select_n3A_1489, %select_n3A_1490, %select_n3A_1496, %select_n3A_1497, %select_n3A_1503, %select_n3A_1504, %select_n3A_1510, %select_n3A_1511, %select_n3A_1517, %select_n3A_1518, %select_n3A_1524, %select_n3A_1525 : vector<16xf32>, vector<16xi32>, vector<16xf32>, vector<16xi32>, vector<16xf32>, vector<16xi32>, vector<16xf32>, vector<16xi32>, vector<16xf32>, vector<16xi32>, vector<16xf32>, vector<16xi32>, vector<16xf32>, vector<16xi32>, vector<16xf32>, vector<16xi32>
    }
    %scan3A_737 = arith.constant 64 : i32
    %reduce_max3A_738 = arith.constant true
    %reduce_max3A_739 = vector.broadcast %reduce_max3A_738 : i1 to vector<16xi1>
    %reduce_max3A_740 = tpu.scan <max>, %scan3A_736#0 masked %reduce_max3A_739 : vector<16xf32>, vector<16xi1> -> vector<16xf32>
    %reduce_max3A_741 = vector.extract %reduce_max3A_740[15] : f32 from vector<16xf32>
    %eq3A_742 = vector.broadcast %reduce_max3A_741 : f32 to vector<16xf32>
    %eq3A_743 = arith.cmpf oeq, %scan3A_736#0, %eq3A_742 : vector<16xf32>
    %add3A_744 = arith.addi %scan3A_736#1, %iota3A : vector<16xi32>
    %jit3A_745 = arith.constant 1073741824 : i32
    %broadcast_in_dim3A_746 = vector.broadcast %jit3A_745 : i32 to vector<16xi32>
    %select_n3A_747 = arith.select %eq3A_743, %add3A_744, %broadcast_in_dim3A_746 : vector<16xi1>, vector<16xi32>
    %reduce_min3A_748 = arith.constant true
    %reduce_min3A_749 = vector.broadcast %reduce_min3A_748 : i1 to vector<16xi1>
    %reduce_min3A_750 = arith.constant -2147483648 : i32
    %reduce_min3A_751 = vector.broadcast %reduce_min3A_750 : i32 to vector<16xi32>
    %reduce_min3A_752 = arith.xori %select_n3A_747, %reduce_min3A_751 : vector<16xi32>
    %reduce_min3A_753 = tpu.scan <min>, %reduce_min3A_752 masked %reduce_min3A_749 : vector<16xi32>, vector<16xi1> -> vector<16xi32>
    %reduce_min3A_754 = arith.xori %reduce_min3A_753, %reduce_min3A_751 : vector<16xi32>
    %reduce_min3A_755 = vector.extract %reduce_min3A_754[15] : i32 from vector<16xi32>
    %reduce_max3A_756 = arith.constant true
    %reduce_max3A_757 = vector.broadcast %reduce_max3A_756 : i1 to vector<16xi1>
    %reduce_max3A_758 = tpu.scan <max>, %scan3A_736#2 masked %reduce_max3A_757 : vector<16xf32>, vector<16xi1> -> vector<16xf32>
    %reduce_max3A_759 = vector.extract %reduce_max3A_758[15] : f32 from vector<16xf32>
    %eq3A_760 = vector.broadcast %reduce_max3A_759 : f32 to vector<16xf32>
    %eq3A_761 = arith.cmpf oeq, %scan3A_736#2, %eq3A_760 : vector<16xf32>
    %add3A_762 = arith.addi %scan3A_736#3, %iota3A : vector<16xi32>
    %jit3A_763 = arith.constant 1073741824 : i32
    %broadcast_in_dim3A_764 = vector.broadcast %jit3A_763 : i32 to vector<16xi32>
    %select_n3A_765 = arith.select %eq3A_761, %add3A_762, %broadcast_in_dim3A_764 : vector<16xi1>, vector<16xi32>
    %reduce_min3A_766 = arith.constant true
    %reduce_min3A_767 = vector.broadcast %reduce_min3A_766 : i1 to vector<16xi1>
    %reduce_min3A_768 = arith.constant -2147483648 : i32
    %reduce_min3A_769 = vector.broadcast %reduce_min3A_768 : i32 to vector<16xi32>
    %reduce_min3A_770 = arith.xori %select_n3A_765, %reduce_min3A_769 : vector<16xi32>
    %reduce_min3A_771 = tpu.scan <min>, %reduce_min3A_770 masked %reduce_min3A_767 : vector<16xi32>, vector<16xi1> -> vector<16xi32>
    %reduce_min3A_772 = arith.xori %reduce_min3A_771, %reduce_min3A_769 : vector<16xi32>
    %reduce_min3A_773 = vector.extract %reduce_min3A_772[15] : i32 from vector<16xi32>
    %reduce_max3A_774 = arith.constant true
    %reduce_max3A_775 = vector.broadcast %reduce_max3A_774 : i1 to vector<16xi1>
    %reduce_max3A_776 = tpu.scan <max>, %scan3A_736#4 masked %reduce_max3A_775 : vector<16xf32>, vector<16xi1> -> vector<16xf32>
    %reduce_max3A_777 = vector.extract %reduce_max3A_776[15] : f32 from vector<16xf32>
    %eq3A_778 = vector.broadcast %reduce_max3A_777 : f32 to vector<16xf32>
    %eq3A_779 = arith.cmpf oeq, %scan3A_736#4, %eq3A_778 : vector<16xf32>
    %add3A_780 = arith.addi %scan3A_736#5, %iota3A : vector<16xi32>
    %jit3A_781 = arith.constant 1073741824 : i32
    %broadcast_in_dim3A_782 = vector.broadcast %jit3A_781 : i32 to vector<16xi32>
    %select_n3A_783 = arith.select %eq3A_779, %add3A_780, %broadcast_in_dim3A_782 : vector<16xi1>, vector<16xi32>
    %reduce_min3A_784 = arith.constant true
    %reduce_min3A_785 = vector.broadcast %reduce_min3A_784 : i1 to vector<16xi1>
    %reduce_min3A_786 = arith.constant -2147483648 : i32
    %reduce_min3A_787 = vector.broadcast %reduce_min3A_786 : i32 to vector<16xi32>
    %reduce_min3A_788 = arith.xori %select_n3A_783, %reduce_min3A_787 : vector<16xi32>
    %reduce_min3A_789 = tpu.scan <min>, %reduce_min3A_788 masked %reduce_min3A_785 : vector<16xi32>, vector<16xi1> -> vector<16xi32>
    %reduce_min3A_790 = arith.xori %reduce_min3A_789, %reduce_min3A_787 : vector<16xi32>
    %reduce_min3A_791 = vector.extract %reduce_min3A_790[15] : i32 from vector<16xi32>
    %reduce_max3A_792 = arith.constant true
    %reduce_max3A_793 = vector.broadcast %reduce_max3A_792 : i1 to vector<16xi1>
    %reduce_max3A_794 = tpu.scan <max>, %scan3A_736#6 masked %reduce_max3A_793 : vector<16xf32>, vector<16xi1> -> vector<16xf32>
    %reduce_max3A_795 = vector.extract %reduce_max3A_794[15] : f32 from vector<16xf32>
    %eq3A_796 = vector.broadcast %reduce_max3A_795 : f32 to vector<16xf32>
    %eq3A_797 = arith.cmpf oeq, %scan3A_736#6, %eq3A_796 : vector<16xf32>
    %add3A_798 = arith.addi %scan3A_736#7, %iota3A : vector<16xi32>
    %jit3A_799 = arith.constant 1073741824 : i32
    %broadcast_in_dim3A_800 = vector.broadcast %jit3A_799 : i32 to vector<16xi32>
    %select_n3A_801 = arith.select %eq3A_797, %add3A_798, %broadcast_in_dim3A_800 : vector<16xi1>, vector<16xi32>
    %reduce_min3A_802 = arith.constant true
    %reduce_min3A_803 = vector.broadcast %reduce_min3A_802 : i1 to vector<16xi1>
    %reduce_min3A_804 = arith.constant -2147483648 : i32
    %reduce_min3A_805 = vector.broadcast %reduce_min3A_804 : i32 to vector<16xi32>
    %reduce_min3A_806 = arith.xori %select_n3A_801, %reduce_min3A_805 : vector<16xi32>
    %reduce_min3A_807 = tpu.scan <min>, %reduce_min3A_806 masked %reduce_min3A_803 : vector<16xi32>, vector<16xi1> -> vector<16xi32>
    %reduce_min3A_808 = arith.xori %reduce_min3A_807, %reduce_min3A_805 : vector<16xi32>
    %reduce_min3A_809 = vector.extract %reduce_min3A_808[15] : i32 from vector<16xi32>
    %reduce_max3A_810 = arith.constant true
    %reduce_max3A_811 = vector.broadcast %reduce_max3A_810 : i1 to vector<16xi1>
    %reduce_max3A_812 = tpu.scan <max>, %scan3A_736#8 masked %reduce_max3A_811 : vector<16xf32>, vector<16xi1> -> vector<16xf32>
    %reduce_max3A_813 = vector.extract %reduce_max3A_812[15] : f32 from vector<16xf32>
    %eq3A_814 = vector.broadcast %reduce_max3A_813 : f32 to vector<16xf32>
    %eq3A_815 = arith.cmpf oeq, %scan3A_736#8, %eq3A_814 : vector<16xf32>
    %add3A_816 = arith.addi %scan3A_736#9, %iota3A : vector<16xi32>
    %jit3A_817 = arith.constant 1073741824 : i32
    %broadcast_in_dim3A_818 = vector.broadcast %jit3A_817 : i32 to vector<16xi32>
    %select_n3A_819 = arith.select %eq3A_815, %add3A_816, %broadcast_in_dim3A_818 : vector<16xi1>, vector<16xi32>
    %reduce_min3A_820 = arith.constant true
    %reduce_min3A_821 = vector.broadcast %reduce_min3A_820 : i1 to vector<16xi1>
    %reduce_min3A_822 = arith.constant -2147483648 : i32
    %reduce_min3A_823 = vector.broadcast %reduce_min3A_822 : i32 to vector<16xi32>
    %reduce_min3A_824 = arith.xori %select_n3A_819, %reduce_min3A_823 : vector<16xi32>
    %reduce_min3A_825 = tpu.scan <min>, %reduce_min3A_824 masked %reduce_min3A_821 : vector<16xi32>, vector<16xi1> -> vector<16xi32>
    %reduce_min3A_826 = arith.xori %reduce_min3A_825, %reduce_min3A_823 : vector<16xi32>
    %reduce_min3A_827 = vector.extract %reduce_min3A_826[15] : i32 from vector<16xi32>
    %reduce_max3A_828 = arith.constant true
    %reduce_max3A_829 = vector.broadcast %reduce_max3A_828 : i1 to vector<16xi1>
    %reduce_max3A_830 = tpu.scan <max>, %scan3A_736#10 masked %reduce_max3A_829 : vector<16xf32>, vector<16xi1> -> vector<16xf32>
    %reduce_max3A_831 = vector.extract %reduce_max3A_830[15] : f32 from vector<16xf32>
    %eq3A_832 = vector.broadcast %reduce_max3A_831 : f32 to vector<16xf32>
    %eq3A_833 = arith.cmpf oeq, %scan3A_736#10, %eq3A_832 : vector<16xf32>
    %add3A_834 = arith.addi %scan3A_736#11, %iota3A : vector<16xi32>
    %jit3A_835 = arith.constant 1073741824 : i32
    %broadcast_in_dim3A_836 = vector.broadcast %jit3A_835 : i32 to vector<16xi32>
    %select_n3A_837 = arith.select %eq3A_833, %add3A_834, %broadcast_in_dim3A_836 : vector<16xi1>, vector<16xi32>
    %reduce_min3A_838 = arith.constant true
    %reduce_min3A_839 = vector.broadcast %reduce_min3A_838 : i1 to vector<16xi1>
    %reduce_min3A_840 = arith.constant -2147483648 : i32
    %reduce_min3A_841 = vector.broadcast %reduce_min3A_840 : i32 to vector<16xi32>
    %reduce_min3A_842 = arith.xori %select_n3A_837, %reduce_min3A_841 : vector<16xi32>
    %reduce_min3A_843 = tpu.scan <min>, %reduce_min3A_842 masked %reduce_min3A_839 : vector<16xi32>, vector<16xi1> -> vector<16xi32>
    %reduce_min3A_844 = arith.xori %reduce_min3A_843, %reduce_min3A_841 : vector<16xi32>
    %reduce_min3A_845 = vector.extract %reduce_min3A_844[15] : i32 from vector<16xi32>
    %reduce_max3A_846 = arith.constant true
    %reduce_max3A_847 = vector.broadcast %reduce_max3A_846 : i1 to vector<16xi1>
    %reduce_max3A_848 = tpu.scan <max>, %scan3A_736#12 masked %reduce_max3A_847 : vector<16xf32>, vector<16xi1> -> vector<16xf32>
    %reduce_max3A_849 = vector.extract %reduce_max3A_848[15] : f32 from vector<16xf32>
    %eq3A_850 = vector.broadcast %reduce_max3A_849 : f32 to vector<16xf32>
    %eq3A_851 = arith.cmpf oeq, %scan3A_736#12, %eq3A_850 : vector<16xf32>
    %add3A_852 = arith.addi %scan3A_736#13, %iota3A : vector<16xi32>
    %jit3A_853 = arith.constant 1073741824 : i32
    %broadcast_in_dim3A_854 = vector.broadcast %jit3A_853 : i32 to vector<16xi32>
    %select_n3A_855 = arith.select %eq3A_851, %add3A_852, %broadcast_in_dim3A_854 : vector<16xi1>, vector<16xi32>
    %reduce_min3A_856 = arith.constant true
    %reduce_min3A_857 = vector.broadcast %reduce_min3A_856 : i1 to vector<16xi1>
    %reduce_min3A_858 = arith.constant -2147483648 : i32
    %reduce_min3A_859 = vector.broadcast %reduce_min3A_858 : i32 to vector<16xi32>
    %reduce_min3A_860 = arith.xori %select_n3A_855, %reduce_min3A_859 : vector<16xi32>
    %reduce_min3A_861 = tpu.scan <min>, %reduce_min3A_860 masked %reduce_min3A_857 : vector<16xi32>, vector<16xi1> -> vector<16xi32>
    %reduce_min3A_862 = arith.xori %reduce_min3A_861, %reduce_min3A_859 : vector<16xi32>
    %reduce_min3A_863 = vector.extract %reduce_min3A_862[15] : i32 from vector<16xi32>
    %reduce_max3A_864 = arith.constant true
    %reduce_max3A_865 = vector.broadcast %reduce_max3A_864 : i1 to vector<16xi1>
    %reduce_max3A_866 = tpu.scan <max>, %scan3A_736#14 masked %reduce_max3A_865 : vector<16xf32>, vector<16xi1> -> vector<16xf32>
    %reduce_max3A_867 = vector.extract %reduce_max3A_866[15] : f32 from vector<16xf32>
    %eq3A_868 = vector.broadcast %reduce_max3A_867 : f32 to vector<16xf32>
    %eq3A_869 = arith.cmpf oeq, %scan3A_736#14, %eq3A_868 : vector<16xf32>
    %add3A_870 = arith.addi %scan3A_736#15, %iota3A : vector<16xi32>
    %jit3A_871 = arith.constant 1073741824 : i32
    %broadcast_in_dim3A_872 = vector.broadcast %jit3A_871 : i32 to vector<16xi32>
    %select_n3A_873 = arith.select %eq3A_869, %add3A_870, %broadcast_in_dim3A_872 : vector<16xi1>, vector<16xi32>
    %reduce_min3A_874 = arith.constant true
    %reduce_min3A_875 = vector.broadcast %reduce_min3A_874 : i1 to vector<16xi1>
    %reduce_min3A_876 = arith.constant -2147483648 : i32
    %reduce_min3A_877 = vector.broadcast %reduce_min3A_876 : i32 to vector<16xi32>
    %reduce_min3A_878 = arith.xori %select_n3A_873, %reduce_min3A_877 : vector<16xi32>
    %reduce_min3A_879 = tpu.scan <min>, %reduce_min3A_878 masked %reduce_min3A_875 : vector<16xi32>, vector<16xi1> -> vector<16xi32>
    %reduce_min3A_880 = arith.xori %reduce_min3A_879, %reduce_min3A_877 : vector<16xi32>
    %reduce_min3A_881 = vector.extract %reduce_min3A_880[15] : i32 from vector<16xi32>
    %broadcast_in_dim3A_882 = arith.constant -1 : i32
    %broadcast_in_dim3A_883 = vector.broadcast %broadcast_in_dim3A_882 : i32 to vector<16xi32>
    %eq3A_884 = arith.constant 0 : i32
    %eq3A_885 = vector.broadcast %eq3A_884 : i32 to vector<16xi32>
    %eq3A_886 = arith.cmpi eq, %iota3A, %eq3A_885 : vector<16xi32>
    %broadcast_in_dim3A_887 = vector.broadcast %reduce_min3A_573 : i32 to vector<16xi32>
    %select_n3A_888 = arith.select %eq3A_886, %broadcast_in_dim3A_887, %broadcast_in_dim3A_883 : vector<16xi1>, vector<16xi32>
    %eq3A_889 = arith.constant 1 : i32
    %eq3A_890 = vector.broadcast %eq3A_889 : i32 to vector<16xi32>
    %eq3A_891 = arith.cmpi eq, %iota3A, %eq3A_890 : vector<16xi32>
    %broadcast_in_dim3A_892 = vector.broadcast %reduce_min3A_591 : i32 to vector<16xi32>
    %select_n3A_893 = arith.select %eq3A_891, %broadcast_in_dim3A_892, %select_n3A_888 : vector<16xi1>, vector<16xi32>
    %eq3A_894 = arith.constant 2 : i32
    %eq3A_895 = vector.broadcast %eq3A_894 : i32 to vector<16xi32>
    %eq3A_896 = arith.cmpi eq, %iota3A, %eq3A_895 : vector<16xi32>
    %broadcast_in_dim3A_897 = vector.broadcast %reduce_min3A_609 : i32 to vector<16xi32>
    %select_n3A_898 = arith.select %eq3A_896, %broadcast_in_dim3A_897, %select_n3A_893 : vector<16xi1>, vector<16xi32>
    %eq3A_899 = arith.constant 3 : i32
    %eq3A_900 = vector.broadcast %eq3A_899 : i32 to vector<16xi32>
    %eq3A_901 = arith.cmpi eq, %iota3A, %eq3A_900 : vector<16xi32>
    %broadcast_in_dim3A_902 = vector.broadcast %reduce_min3A_627 : i32 to vector<16xi32>
    %select_n3A_903 = arith.select %eq3A_901, %broadcast_in_dim3A_902, %select_n3A_898 : vector<16xi1>, vector<16xi32>
    %eq3A_904 = arith.constant 4 : i32
    %eq3A_905 = vector.broadcast %eq3A_904 : i32 to vector<16xi32>
    %eq3A_906 = arith.cmpi eq, %iota3A, %eq3A_905 : vector<16xi32>
    %broadcast_in_dim3A_907 = vector.broadcast %reduce_min3A_645 : i32 to vector<16xi32>
    %select_n3A_908 = arith.select %eq3A_906, %broadcast_in_dim3A_907, %select_n3A_903 : vector<16xi1>, vector<16xi32>
    %eq3A_909 = arith.constant 5 : i32
    %eq3A_910 = vector.broadcast %eq3A_909 : i32 to vector<16xi32>
    %eq3A_911 = arith.cmpi eq, %iota3A, %eq3A_910 : vector<16xi32>
    %broadcast_in_dim3A_912 = vector.broadcast %reduce_min3A_663 : i32 to vector<16xi32>
    %select_n3A_913 = arith.select %eq3A_911, %broadcast_in_dim3A_912, %select_n3A_908 : vector<16xi1>, vector<16xi32>
    %eq3A_914 = arith.constant 6 : i32
    %eq3A_915 = vector.broadcast %eq3A_914 : i32 to vector<16xi32>
    %eq3A_916 = arith.cmpi eq, %iota3A, %eq3A_915 : vector<16xi32>
    %broadcast_in_dim3A_917 = vector.broadcast %reduce_min3A_681 : i32 to vector<16xi32>
    %select_n3A_918 = arith.select %eq3A_916, %broadcast_in_dim3A_917, %select_n3A_913 : vector<16xi1>, vector<16xi32>
    %eq3A_919 = arith.constant 7 : i32
    %eq3A_920 = vector.broadcast %eq3A_919 : i32 to vector<16xi32>
    %eq3A_921 = arith.cmpi eq, %iota3A, %eq3A_920 : vector<16xi32>
    %broadcast_in_dim3A_922 = vector.broadcast %reduce_min3A_699 : i32 to vector<16xi32>
    %select_n3A_923 = arith.select %eq3A_921, %broadcast_in_dim3A_922, %select_n3A_918 : vector<16xi1>, vector<16xi32>
    %eq3A_924 = arith.constant 8 : i32
    %eq3A_925 = vector.broadcast %eq3A_924 : i32 to vector<16xi32>
    %eq3A_926 = arith.cmpi eq, %iota3A, %eq3A_925 : vector<16xi32>
    %broadcast_in_dim3A_927 = vector.broadcast %reduce_min3A_755 : i32 to vector<16xi32>
    %select_n3A_928 = arith.select %eq3A_926, %broadcast_in_dim3A_927, %select_n3A_923 : vector<16xi1>, vector<16xi32>
    %eq3A_929 = arith.constant 9 : i32
    %eq3A_930 = vector.broadcast %eq3A_929 : i32 to vector<16xi32>
    %eq3A_931 = arith.cmpi eq, %iota3A, %eq3A_930 : vector<16xi32>
    %broadcast_in_dim3A_932 = vector.broadcast %reduce_min3A_773 : i32 to vector<16xi32>
    %select_n3A_933 = arith.select %eq3A_931, %broadcast_in_dim3A_932, %select_n3A_928 : vector<16xi1>, vector<16xi32>
    %eq3A_934 = arith.constant 10 : i32
    %eq3A_935 = vector.broadcast %eq3A_934 : i32 to vector<16xi32>
    %eq3A_936 = arith.cmpi eq, %iota3A, %eq3A_935 : vector<16xi32>
    %broadcast_in_dim3A_937 = vector.broadcast %reduce_min3A_791 : i32 to vector<16xi32>
    %select_n3A_938 = arith.select %eq3A_936, %broadcast_in_dim3A_937, %select_n3A_933 : vector<16xi1>, vector<16xi32>
    %eq3A_939 = arith.constant 11 : i32
    %eq3A_940 = vector.broadcast %eq3A_939 : i32 to vector<16xi32>
    %eq3A_941 = arith.cmpi eq, %iota3A, %eq3A_940 : vector<16xi32>
    %broadcast_in_dim3A_942 = vector.broadcast %reduce_min3A_809 : i32 to vector<16xi32>
    %select_n3A_943 = arith.select %eq3A_941, %broadcast_in_dim3A_942, %select_n3A_938 : vector<16xi1>, vector<16xi32>
    %eq3A_944 = arith.constant 12 : i32
    %eq3A_945 = vector.broadcast %eq3A_944 : i32 to vector<16xi32>
    %eq3A_946 = arith.cmpi eq, %iota3A, %eq3A_945 : vector<16xi32>
    %broadcast_in_dim3A_947 = vector.broadcast %reduce_min3A_827 : i32 to vector<16xi32>
    %select_n3A_948 = arith.select %eq3A_946, %broadcast_in_dim3A_947, %select_n3A_943 : vector<16xi1>, vector<16xi32>
    %eq3A_949 = arith.constant 13 : i32
    %eq3A_950 = vector.broadcast %eq3A_949 : i32 to vector<16xi32>
    %eq3A_951 = arith.cmpi eq, %iota3A, %eq3A_950 : vector<16xi32>
    %broadcast_in_dim3A_952 = vector.broadcast %reduce_min3A_845 : i32 to vector<16xi32>
    %select_n3A_953 = arith.select %eq3A_951, %broadcast_in_dim3A_952, %select_n3A_948 : vector<16xi1>, vector<16xi32>
    %eq3A_954 = arith.constant 14 : i32
    %eq3A_955 = vector.broadcast %eq3A_954 : i32 to vector<16xi32>
    %eq3A_956 = arith.cmpi eq, %iota3A, %eq3A_955 : vector<16xi32>
    %broadcast_in_dim3A_957 = vector.broadcast %reduce_min3A_863 : i32 to vector<16xi32>
    %select_n3A_958 = arith.select %eq3A_956, %broadcast_in_dim3A_957, %select_n3A_953 : vector<16xi1>, vector<16xi32>
    %eq3A_959 = arith.constant 15 : i32
    %eq3A_960 = vector.broadcast %eq3A_959 : i32 to vector<16xi32>
    %eq3A_961 = arith.cmpi eq, %iota3A, %eq3A_960 : vector<16xi32>
    %broadcast_in_dim3A_962 = vector.broadcast %reduce_min3A_881 : i32 to vector<16xi32>
    %select_n3A_963 = arith.select %eq3A_961, %broadcast_in_dim3A_962, %select_n3A_958 : vector<16xi1>, vector<16xi32>
    %broadcast_in_dim3A_964 = vector.shape_cast %max3A_25 : vector<16xi32> to vector<16x1xi32>
    %gather3A_965 = vector.shape_cast %broadcast_in_dim3A_964 : vector<16x1xi32> to vector<16xi32>
    %gather3A_966 = tpu.dynamic_gather %select_n3A_963[%gather3A_965] in [0] : vector<16xi32>, vector<16xi32> -> vector<16xi32>
    %eq3A_967 = arith.constant 0 : i32
    %eq3A_968 = vector.broadcast %eq3A_967 : i32 to vector<16xi32>
    %eq3A_969 = arith.cmpi eq, %iota3A, %eq3A_968 : vector<16xi32>
    %broadcast_in_dim3A_970 = vector.broadcast %reduce_min3A_417 : i32 to vector<16xi32>
    %select_n3A_971 = arith.select %eq3A_969, %broadcast_in_dim3A_970, %gather3A_966 : vector<16xi1>, vector<16xi32>
    %ne3A_972 = arith.cmpi ne, %select_n3A_963, %select_n3A_971 : vector<16xi32>
    %ne3A_973 = arith.constant 0 : i32
    %ne3A_974 = vector.broadcast %ne3A_973 : i32 to vector<16xi32>
    %ne3A_975 = arith.cmpi ne, %select_n3A_963, %ne3A_974 : vector<16xi32>
    %and3A_976 = arith.andi %ne3A_972, %ne3A_975 : vector<16xi1>
    %jit3A_977 = arith.constant -1 : i32
    %broadcast_in_dim3A_978 = vector.broadcast %jit3A_977 : i32 to vector<16xi32>
    %select_n3A_979 = arith.select %and3A_976, %select_n3A_963, %broadcast_in_dim3A_978 : vector<16xi1>, vector<16xi32>
    %swap3A_980 = arith.constant 16 : index
    %swap3A_981 = tpu.vector_load %arg9[%swap3A_980] {strides = array<i32>} : memref<48xi32, #tpu.memory_space<vmem>>, vector<16xi32>,
    tpu.vector_store %arg9[%swap3A_980], %select_n3A_979 {strides = array<i32>} : memref<48xi32, #tpu.memory_space<vmem>>, vector<16xi32>,
    %dma_wait3A_982 = arith.constant 0 : i32
    %dma_wait3A_983 = tpu.memref_slice %arg2[%add3A_17, %dma_wait3A_982] : memref<4096x1024xf32, #tpu.memory_space<hbm>> -> memref<16x1024xf32, #tpu.memory_space<hbm>>
    %dma_wait3A_984 = arith.constant 0 : i32
    %dma_wait3A_985 = tpu.memref_slice %arg2[%add3A_17, %dma_wait3A_984] : memref<4096x1024xf32, #tpu.memory_space<hbm>> -> memref<16x1024xf32, #tpu.memory_space<hbm>>
    tpu.wait_dma2 semaphore(%arg12 : memref<!tpu.dma_semaphore, #tpu.memory_space<semaphore_mem>>) src(%dma_wait3A_985 : memref<16x1024xf32, #tpu.memory_space<hbm>>) dst(%arg6 : memref<16x1024xf32, #tpu.memory_space<vmem>>)
    %broadcast_in_dim3A_986 = arith.constant 0xFF800000 : f32
    %broadcast_in_dim3A_987 = vector.broadcast %broadcast_in_dim3A_986 : f32 to vector<16xf32>
    %broadcast_in_dim3A_988 = arith.constant 0 : i32
    %broadcast_in_dim3A_989 = vector.broadcast %broadcast_in_dim3A_988 : i32 to vector<16xi32>
    %broadcast_in_dim3A_990 = arith.constant 0xFF800000 : f32
    %broadcast_in_dim3A_991 = vector.broadcast %broadcast_in_dim3A_990 : f32 to vector<16xf32>
    %broadcast_in_dim3A_992 = arith.constant 0 : i32
    %broadcast_in_dim3A_993 = vector.broadcast %broadcast_in_dim3A_992 : i32 to vector<16xi32>
    %broadcast_in_dim3A_994 = arith.constant 0xFF800000 : f32
    %broadcast_in_dim3A_995 = vector.broadcast %broadcast_in_dim3A_994 : f32 to vector<16xf32>
    %broadcast_in_dim3A_996 = arith.constant 0 : i32
    %broadcast_in_dim3A_997 = vector.broadcast %broadcast_in_dim3A_996 : i32 to vector<16xi32>
    %broadcast_in_dim3A_998 = arith.constant 0xFF800000 : f32
    %broadcast_in_dim3A_999 = vector.broadcast %broadcast_in_dim3A_998 : f32 to vector<16xf32>
    %broadcast_in_dim3A_1000 = arith.constant 0 : i32
    %broadcast_in_dim3A_1001 = vector.broadcast %broadcast_in_dim3A_1000 : i32 to vector<16xi32>
    %broadcast_in_dim3A_1002 = arith.constant 0xFF800000 : f32
    %broadcast_in_dim3A_1003 = vector.broadcast %broadcast_in_dim3A_1002 : f32 to vector<16xf32>
    %broadcast_in_dim3A_1004 = arith.constant 0 : i32
    %broadcast_in_dim3A_1005 = vector.broadcast %broadcast_in_dim3A_1004 : i32 to vector<16xi32>
    %broadcast_in_dim3A_1006 = arith.constant 0xFF800000 : f32
    %broadcast_in_dim3A_1007 = vector.broadcast %broadcast_in_dim3A_1006 : f32 to vector<16xf32>
    %broadcast_in_dim3A_1008 = arith.constant 0 : i32
    %broadcast_in_dim3A_1009 = vector.broadcast %broadcast_in_dim3A_1008 : i32 to vector<16xi32>
    %broadcast_in_dim3A_1010 = arith.constant 0xFF800000 : f32
    %broadcast_in_dim3A_1011 = vector.broadcast %broadcast_in_dim3A_1010 : f32 to vector<16xf32>
    %broadcast_in_dim3A_1012 = arith.constant 0 : i32
    %broadcast_in_dim3A_1013 = vector.broadcast %broadcast_in_dim3A_1012 : i32 to vector<16xi32>
    %broadcast_in_dim3A_1014 = arith.constant 0xFF800000 : f32
    %broadcast_in_dim3A_1015 = vector.broadcast %broadcast_in_dim3A_1014 : f32 to vector<16xf32>
    %broadcast_in_dim3A_1016 = arith.constant 0 : i32
    %broadcast_in_dim3A_1017 = vector.broadcast %broadcast_in_dim3A_1016 : i32 to vector<16xi32>
    %scan3A_1018 = arith.constant 0 : i32
    %scan3A_1019 = arith.constant 64 : i32
    %scan3A_1020 = arith.addi %scan3A_1018, %scan3A_1019 : i32
    %scan3A_1021 = arith.constant 1 : i32
    %scan3A_1022:16 = scf.for %scan3A_1452 = %scan3A_1018 to %scan3A_1020 step %scan3A_1021 iter_args(%scan3A_1453 = %broadcast_in_dim3A_987, %scan3A_1454 = %broadcast_in_dim3A_989, %scan3A_1455 = %broadcast_in_dim3A_991, %scan3A_1456 = %broadcast_in_dim3A_993, %scan3A_1457 = %broadcast_in_dim3A_995, %scan3A_1458 = %broadcast_in_dim3A_997, %scan3A_1459 = %broadcast_in_dim3A_999, %scan3A_1460 = %broadcast_in_dim3A_1001, %scan3A_1461 = %broadcast_in_dim3A_1003, %scan3A_1462 = %broadcast_in_dim3A_1005, %scan3A_1463 = %broadcast_in_dim3A_1007, %scan3A_1464 = %broadcast_in_dim3A_1009, %scan3A_1465 = %broadcast_in_dim3A_1011, %scan3A_1466 = %broadcast_in_dim3A_1013, %scan3A_1467 = %broadcast_in_dim3A_1015, %scan3A_1468 = %broadcast_in_dim3A_1017) -> (vector<16xf32>, vector<16xi32>, vector<16xf32>, vector<16xi32>, vector<16xf32>, vector<16xi32>, vector<16xf32>, vector<16xi32>, vector<16xf32>, vector<16xi32>, vector<16xf32>, vector<16xi32>, vector<16xf32>, vector<16xi32>, vector<16xf32>, vector<16xi32>)  : i32 {
      %mul3A_1469 = arith.constant 16 : i32
      %mul3A_1470 = arith.muli %scan3A_1452, %mul3A_1469 : i32
      %broadcast_in_dim3A_1471 = vector.broadcast %mul3A_1470 : i32 to vector<16xi32>
      %get3A = arith.constant 0 : i32
      %get3A_1472 = arith.index_cast %get3A : i32 to index
      %get3A_1473 = arith.index_cast %mul3A_1470 : i32 to index
      %get3A_1474 = tpu.vector_load %arg6[%get3A_1472, %get3A_1473] {strides = array<i32>} : memref<16x1024xf32, #tpu.memory_space<vmem>>, vector<16xf32>,
      %gt3A = arith.cmpf ogt, %get3A_1474, %scan3A_1453 : vector<16xf32>
      %select_n3A_1475 = arith.select %gt3A, %get3A_1474, %scan3A_1453 : vector<16xi1>, vector<16xf32>
      %select_n3A_1476 = arith.select %gt3A, %broadcast_in_dim3A_1471, %scan3A_1454 : vector<16xi1>, vector<16xi32>
      %get3A_1477 = arith.constant 1 : i32
      %get3A_1478 = arith.index_cast %get3A_1477 : i32 to index
      %get3A_1479 = arith.index_cast %mul3A_1470 : i32 to index
      %get3A_1480 = tpu.vector_load %arg6[%get3A_1478, %get3A_1479] {strides = array<i32>} : memref<16x1024xf32, #tpu.memory_space<vmem>>, vector<16xf32>,
      %gt3A_1481 = arith.cmpf ogt, %get3A_1480, %scan3A_1455 : vector<16xf32>
      %select_n3A_1482 = arith.select %gt3A_1481, %get3A_1480, %scan3A_1455 : vector<16xi1>, vector<16xf32>
      %select_n3A_1483 = arith.select %gt3A_1481, %broadcast_in_dim3A_1471, %scan3A_1456 : vector<16xi1>, vector<16xi32>
      %get3A_1484 = arith.constant 2 : i32
      %get3A_1485 = arith.index_cast %get3A_1484 : i32 to index
      %get3A_1486 = arith.index_cast %mul3A_1470 : i32 to index
      %get3A_1487 = tpu.vector_load %arg6[%get3A_1485, %get3A_1486] {strides = array<i32>} : memref<16x1024xf32, #tpu.memory_space<vmem>>, vector<16xf32>,
      %gt3A_1488 = arith.cmpf ogt, %get3A_1487, %scan3A_1457 : vector<16xf32>
      %select_n3A_1489 = arith.select %gt3A_1488, %get3A_1487, %scan3A_1457 : vector<16xi1>, vector<16xf32>
      %select_n3A_1490 = arith.select %gt3A_1488, %broadcast_in_dim3A_1471, %scan3A_1458 : vector<16xi1>, vector<16xi32>
      %get3A_1491 = arith.constant 3 : i32
      %get3A_1492 = arith.index_cast %get3A_1491 : i32 to index
      %get3A_1493 = arith.index_cast %mul3A_1470 : i32 to index
      %get3A_1494 = tpu.vector_load %arg6[%get3A_1492, %get3A_1493] {strides = array<i32>} : memref<16x1024xf32, #tpu.memory_space<vmem>>, vector<16xf32>,
      %gt3A_1495 = arith.cmpf ogt, %get3A_1494, %scan3A_1459 : vector<16xf32>
      %select_n3A_1496 = arith.select %gt3A_1495, %get3A_1494, %scan3A_1459 : vector<16xi1>, vector<16xf32>
      %select_n3A_1497 = arith.select %gt3A_1495, %broadcast_in_dim3A_1471, %scan3A_1460 : vector<16xi1>, vector<16xi32>
      %get3A_1498 = arith.constant 4 : i32
      %get3A_1499 = arith.index_cast %get3A_1498 : i32 to index
      %get3A_1500 = arith.index_cast %mul3A_1470 : i32 to index
      %get3A_1501 = tpu.vector_load %arg6[%get3A_1499, %get3A_1500] {strides = array<i32>} : memref<16x1024xf32, #tpu.memory_space<vmem>>, vector<16xf32>,
      %gt3A_1502 = arith.cmpf ogt, %get3A_1501, %scan3A_1461 : vector<16xf32>
      %select_n3A_1503 = arith.select %gt3A_1502, %get3A_1501, %scan3A_1461 : vector<16xi1>, vector<16xf32>
      %select_n3A_1504 = arith.select %gt3A_1502, %broadcast_in_dim3A_1471, %scan3A_1462 : vector<16xi1>, vector<16xi32>
      %get3A_1505 = arith.constant 5 : i32
      %get3A_1506 = arith.index_cast %get3A_1505 : i32 to index
      %get3A_1507 = arith.index_cast %mul3A_1470 : i32 to index
      %get3A_1508 = tpu.vector_load %arg6[%get3A_1506, %get3A_1507] {strides = array<i32>} : memref<16x1024xf32, #tpu.memory_space<vmem>>, vector<16xf32>,
      %gt3A_1509 = arith.cmpf ogt, %get3A_1508, %scan3A_1463 : vector<16xf32>
      %select_n3A_1510 = arith.select %gt3A_1509, %get3A_1508, %scan3A_1463 : vector<16xi1>, vector<16xf32>
      %select_n3A_1511 = arith.select %gt3A_1509, %broadcast_in_dim3A_1471, %scan3A_1464 : vector<16xi1>, vector<16xi32>
      %get3A_1512 = arith.constant 6 : i32
      %get3A_1513 = arith.index_cast %get3A_1512 : i32 to index
      %get3A_1514 = arith.index_cast %mul3A_1470 : i32 to index
      %get3A_1515 = tpu.vector_load %arg6[%get3A_1513, %get3A_1514] {strides = array<i32>} : memref<16x1024xf32, #tpu.memory_space<vmem>>, vector<16xf32>,
      %gt3A_1516 = arith.cmpf ogt, %get3A_1515, %scan3A_1465 : vector<16xf32>
      %select_n3A_1517 = arith.select %gt3A_1516, %get3A_1515, %scan3A_1465 : vector<16xi1>, vector<16xf32>
      %select_n3A_1518 = arith.select %gt3A_1516, %broadcast_in_dim3A_1471, %scan3A_1466 : vector<16xi1>, vector<16xi32>
      %get3A_1519 = arith.constant 7 : i32
      %get3A_1520 = arith.index_cast %get3A_1519 : i32 to index
      %get3A_1521 = arith.index_cast %mul3A_1470 : i32 to index
      %get3A_1522 = tpu.vector_load %arg6[%get3A_1520, %get3A_1521] {strides = array<i32>} : memref<16x1024xf32, #tpu.memory_space<vmem>>, vector<16xf32>,
      %gt3A_1523 = arith.cmpf ogt, %get3A_1522, %scan3A_1467 : vector<16xf32>
      %select_n3A_1524 = arith.select %gt3A_1523, %get3A_1522, %scan3A_1467 : vector<16xi1>, vector<16xf32>
      %select_n3A_1525 = arith.select %gt3A_1523, %broadcast_in_dim3A_1471, %scan3A_1468 : vector<16xi1>, vector<16xi32>
      scf.yield %select_n3A_1475, %select_n3A_1476, %select_n3A_1482, %select_n3A_1483, %select_n3A_1489, %select_n3A_1490, %select_n3A_1496, %select_n3A_1497, %select_n3A_1503, %select_n3A_1504, %select_n3A_1510, %select_n3A_1511, %select_n3A_1517, %select_n3A_1518, %select_n3A_1524, %select_n3A_1525 : vector<16xf32>, vector<16xi32>, vector<16xf32>, vector<16xi32>, vector<16xf32>, vector<16xi32>, vector<16xf32>, vector<16xi32>, vector<16xf32>, vector<16xi32>, vector<16xf32>, vector<16xi32>, vector<16xf32>, vector<16xi32>, vector<16xf32>, vector<16xi32>
    }
    %scan3A_1023 = arith.constant 64 : i32
    %reduce_max3A_1024 = arith.constant true
    %reduce_max3A_1025 = vector.broadcast %reduce_max3A_1024 : i1 to vector<16xi1>
    %reduce_max3A_1026 = tpu.scan <max>, %scan3A_1022#0 masked %reduce_max3A_1025 : vector<16xf32>, vector<16xi1> -> vector<16xf32>
    %reduce_max3A_1027 = vector.extract %reduce_max3A_1026[15] : f32 from vector<16xf32>
    %eq3A_1028 = vector.broadcast %reduce_max3A_1027 : f32 to vector<16xf32>
    %eq3A_1029 = arith.cmpf oeq, %scan3A_1022#0, %eq3A_1028 : vector<16xf32>
    %add3A_1030 = arith.addi %scan3A_1022#1, %iota3A : vector<16xi32>
    %jit3A_1031 = arith.constant 1073741824 : i32
    %broadcast_in_dim3A_1032 = vector.broadcast %jit3A_1031 : i32 to vector<16xi32>
    %select_n3A_1033 = arith.select %eq3A_1029, %add3A_1030, %broadcast_in_dim3A_1032 : vector<16xi1>, vector<16xi32>
    %reduce_min3A_1034 = arith.constant true
    %reduce_min3A_1035 = vector.broadcast %reduce_min3A_1034 : i1 to vector<16xi1>
    %reduce_min3A_1036 = arith.constant -2147483648 : i32
    %reduce_min3A_1037 = vector.broadcast %reduce_min3A_1036 : i32 to vector<16xi32>
    %reduce_min3A_1038 = arith.xori %select_n3A_1033, %reduce_min3A_1037 : vector<16xi32>
    %reduce_min3A_1039 = tpu.scan <min>, %reduce_min3A_1038 masked %reduce_min3A_1035 : vector<16xi32>, vector<16xi1> -> vector<16xi32>
    %reduce_min3A_1040 = arith.xori %reduce_min3A_1039, %reduce_min3A_1037 : vector<16xi32>
    %reduce_min3A_1041 = vector.extract %reduce_min3A_1040[15] : i32 from vector<16xi32>
    %reduce_max3A_1042 = arith.constant true
    %reduce_max3A_1043 = vector.broadcast %reduce_max3A_1042 : i1 to vector<16xi1>
    %reduce_max3A_1044 = tpu.scan <max>, %scan3A_1022#2 masked %reduce_max3A_1043 : vector<16xf32>, vector<16xi1> -> vector<16xf32>
    %reduce_max3A_1045 = vector.extract %reduce_max3A_1044[15] : f32 from vector<16xf32>
    %eq3A_1046 = vector.broadcast %reduce_max3A_1045 : f32 to vector<16xf32>
    %eq3A_1047 = arith.cmpf oeq, %scan3A_1022#2, %eq3A_1046 : vector<16xf32>
    %add3A_1048 = arith.addi %scan3A_1022#3, %iota3A : vector<16xi32>
    %jit3A_1049 = arith.constant 1073741824 : i32
    %broadcast_in_dim3A_1050 = vector.broadcast %jit3A_1049 : i32 to vector<16xi32>
    %select_n3A_1051 = arith.select %eq3A_1047, %add3A_1048, %broadcast_in_dim3A_1050 : vector<16xi1>, vector<16xi32>
    %reduce_min3A_1052 = arith.constant true
    %reduce_min3A_1053 = vector.broadcast %reduce_min3A_1052 : i1 to vector<16xi1>
    %reduce_min3A_1054 = arith.constant -2147483648 : i32
    %reduce_min3A_1055 = vector.broadcast %reduce_min3A_1054 : i32 to vector<16xi32>
    %reduce_min3A_1056 = arith.xori %select_n3A_1051, %reduce_min3A_1055 : vector<16xi32>
    %reduce_min3A_1057 = tpu.scan <min>, %reduce_min3A_1056 masked %reduce_min3A_1053 : vector<16xi32>, vector<16xi1> -> vector<16xi32>
    %reduce_min3A_1058 = arith.xori %reduce_min3A_1057, %reduce_min3A_1055 : vector<16xi32>
    %reduce_min3A_1059 = vector.extract %reduce_min3A_1058[15] : i32 from vector<16xi32>
    %reduce_max3A_1060 = arith.constant true
    %reduce_max3A_1061 = vector.broadcast %reduce_max3A_1060 : i1 to vector<16xi1>
    %reduce_max3A_1062 = tpu.scan <max>, %scan3A_1022#4 masked %reduce_max3A_1061 : vector<16xf32>, vector<16xi1> -> vector<16xf32>
    %reduce_max3A_1063 = vector.extract %reduce_max3A_1062[15] : f32 from vector<16xf32>
    %eq3A_1064 = vector.broadcast %reduce_max3A_1063 : f32 to vector<16xf32>
    %eq3A_1065 = arith.cmpf oeq, %scan3A_1022#4, %eq3A_1064 : vector<16xf32>
    %add3A_1066 = arith.addi %scan3A_1022#5, %iota3A : vector<16xi32>
    %jit3A_1067 = arith.constant 1073741824 : i32
    %broadcast_in_dim3A_1068 = vector.broadcast %jit3A_1067 : i32 to vector<16xi32>
    %select_n3A_1069 = arith.select %eq3A_1065, %add3A_1066, %broadcast_in_dim3A_1068 : vector<16xi1>, vector<16xi32>
    %reduce_min3A_1070 = arith.constant true
    %reduce_min3A_1071 = vector.broadcast %reduce_min3A_1070 : i1 to vector<16xi1>
    %reduce_min3A_1072 = arith.constant -2147483648 : i32
    %reduce_min3A_1073 = vector.broadcast %reduce_min3A_1072 : i32 to vector<16xi32>
    %reduce_min3A_1074 = arith.xori %select_n3A_1069, %reduce_min3A_1073 : vector<16xi32>
    %reduce_min3A_1075 = tpu.scan <min>, %reduce_min3A_1074 masked %reduce_min3A_1071 : vector<16xi32>, vector<16xi1> -> vector<16xi32>
    %reduce_min3A_1076 = arith.xori %reduce_min3A_1075, %reduce_min3A_1073 : vector<16xi32>
    %reduce_min3A_1077 = vector.extract %reduce_min3A_1076[15] : i32 from vector<16xi32>
    %reduce_max3A_1078 = arith.constant true
    %reduce_max3A_1079 = vector.broadcast %reduce_max3A_1078 : i1 to vector<16xi1>
    %reduce_max3A_1080 = tpu.scan <max>, %scan3A_1022#6 masked %reduce_max3A_1079 : vector<16xf32>, vector<16xi1> -> vector<16xf32>
    %reduce_max3A_1081 = vector.extract %reduce_max3A_1080[15] : f32 from vector<16xf32>
    %eq3A_1082 = vector.broadcast %reduce_max3A_1081 : f32 to vector<16xf32>
    %eq3A_1083 = arith.cmpf oeq, %scan3A_1022#6, %eq3A_1082 : vector<16xf32>
    %add3A_1084 = arith.addi %scan3A_1022#7, %iota3A : vector<16xi32>
    %jit3A_1085 = arith.constant 1073741824 : i32
    %broadcast_in_dim3A_1086 = vector.broadcast %jit3A_1085 : i32 to vector<16xi32>
    %select_n3A_1087 = arith.select %eq3A_1083, %add3A_1084, %broadcast_in_dim3A_1086 : vector<16xi1>, vector<16xi32>
    %reduce_min3A_1088 = arith.constant true
    %reduce_min3A_1089 = vector.broadcast %reduce_min3A_1088 : i1 to vector<16xi1>
    %reduce_min3A_1090 = arith.constant -2147483648 : i32
    %reduce_min3A_1091 = vector.broadcast %reduce_min3A_1090 : i32 to vector<16xi32>
    %reduce_min3A_1092 = arith.xori %select_n3A_1087, %reduce_min3A_1091 : vector<16xi32>
    %reduce_min3A_1093 = tpu.scan <min>, %reduce_min3A_1092 masked %reduce_min3A_1089 : vector<16xi32>, vector<16xi1> -> vector<16xi32>
    %reduce_min3A_1094 = arith.xori %reduce_min3A_1093, %reduce_min3A_1091 : vector<16xi32>
    %reduce_min3A_1095 = vector.extract %reduce_min3A_1094[15] : i32 from vector<16xi32>
    %reduce_max3A_1096 = arith.constant true
    %reduce_max3A_1097 = vector.broadcast %reduce_max3A_1096 : i1 to vector<16xi1>
    %reduce_max3A_1098 = tpu.scan <max>, %scan3A_1022#8 masked %reduce_max3A_1097 : vector<16xf32>, vector<16xi1> -> vector<16xf32>
    %reduce_max3A_1099 = vector.extract %reduce_max3A_1098[15] : f32 from vector<16xf32>
    %eq3A_1100 = vector.broadcast %reduce_max3A_1099 : f32 to vector<16xf32>
    %eq3A_1101 = arith.cmpf oeq, %scan3A_1022#8, %eq3A_1100 : vector<16xf32>
    %add3A_1102 = arith.addi %scan3A_1022#9, %iota3A : vector<16xi32>
    %jit3A_1103 = arith.constant 1073741824 : i32
    %broadcast_in_dim3A_1104 = vector.broadcast %jit3A_1103 : i32 to vector<16xi32>
    %select_n3A_1105 = arith.select %eq3A_1101, %add3A_1102, %broadcast_in_dim3A_1104 : vector<16xi1>, vector<16xi32>
    %reduce_min3A_1106 = arith.constant true
    %reduce_min3A_1107 = vector.broadcast %reduce_min3A_1106 : i1 to vector<16xi1>
    %reduce_min3A_1108 = arith.constant -2147483648 : i32
    %reduce_min3A_1109 = vector.broadcast %reduce_min3A_1108 : i32 to vector<16xi32>
    %reduce_min3A_1110 = arith.xori %select_n3A_1105, %reduce_min3A_1109 : vector<16xi32>
    %reduce_min3A_1111 = tpu.scan <min>, %reduce_min3A_1110 masked %reduce_min3A_1107 : vector<16xi32>, vector<16xi1> -> vector<16xi32>
    %reduce_min3A_1112 = arith.xori %reduce_min3A_1111, %reduce_min3A_1109 : vector<16xi32>
    %reduce_min3A_1113 = vector.extract %reduce_min3A_1112[15] : i32 from vector<16xi32>
    %reduce_max3A_1114 = arith.constant true
    %reduce_max3A_1115 = vector.broadcast %reduce_max3A_1114 : i1 to vector<16xi1>
    %reduce_max3A_1116 = tpu.scan <max>, %scan3A_1022#10 masked %reduce_max3A_1115 : vector<16xf32>, vector<16xi1> -> vector<16xf32>
    %reduce_max3A_1117 = vector.extract %reduce_max3A_1116[15] : f32 from vector<16xf32>
    %eq3A_1118 = vector.broadcast %reduce_max3A_1117 : f32 to vector<16xf32>
    %eq3A_1119 = arith.cmpf oeq, %scan3A_1022#10, %eq3A_1118 : vector<16xf32>
    %add3A_1120 = arith.addi %scan3A_1022#11, %iota3A : vector<16xi32>
    %jit3A_1121 = arith.constant 1073741824 : i32
    %broadcast_in_dim3A_1122 = vector.broadcast %jit3A_1121 : i32 to vector<16xi32>
    %select_n3A_1123 = arith.select %eq3A_1119, %add3A_1120, %broadcast_in_dim3A_1122 : vector<16xi1>, vector<16xi32>
    %reduce_min3A_1124 = arith.constant true
    %reduce_min3A_1125 = vector.broadcast %reduce_min3A_1124 : i1 to vector<16xi1>
    %reduce_min3A_1126 = arith.constant -2147483648 : i32
    %reduce_min3A_1127 = vector.broadcast %reduce_min3A_1126 : i32 to vector<16xi32>
    %reduce_min3A_1128 = arith.xori %select_n3A_1123, %reduce_min3A_1127 : vector<16xi32>
    %reduce_min3A_1129 = tpu.scan <min>, %reduce_min3A_1128 masked %reduce_min3A_1125 : vector<16xi32>, vector<16xi1> -> vector<16xi32>
    %reduce_min3A_1130 = arith.xori %reduce_min3A_1129, %reduce_min3A_1127 : vector<16xi32>
    %reduce_min3A_1131 = vector.extract %reduce_min3A_1130[15] : i32 from vector<16xi32>
    %reduce_max3A_1132 = arith.constant true
    %reduce_max3A_1133 = vector.broadcast %reduce_max3A_1132 : i1 to vector<16xi1>
    %reduce_max3A_1134 = tpu.scan <max>, %scan3A_1022#12 masked %reduce_max3A_1133 : vector<16xf32>, vector<16xi1> -> vector<16xf32>
    %reduce_max3A_1135 = vector.extract %reduce_max3A_1134[15] : f32 from vector<16xf32>
    %eq3A_1136 = vector.broadcast %reduce_max3A_1135 : f32 to vector<16xf32>
    %eq3A_1137 = arith.cmpf oeq, %scan3A_1022#12, %eq3A_1136 : vector<16xf32>
    %add3A_1138 = arith.addi %scan3A_1022#13, %iota3A : vector<16xi32>
    %jit3A_1139 = arith.constant 1073741824 : i32
    %broadcast_in_dim3A_1140 = vector.broadcast %jit3A_1139 : i32 to vector<16xi32>
    %select_n3A_1141 = arith.select %eq3A_1137, %add3A_1138, %broadcast_in_dim3A_1140 : vector<16xi1>, vector<16xi32>
    %reduce_min3A_1142 = arith.constant true
    %reduce_min3A_1143 = vector.broadcast %reduce_min3A_1142 : i1 to vector<16xi1>
    %reduce_min3A_1144 = arith.constant -2147483648 : i32
    %reduce_min3A_1145 = vector.broadcast %reduce_min3A_1144 : i32 to vector<16xi32>
    %reduce_min3A_1146 = arith.xori %select_n3A_1141, %reduce_min3A_1145 : vector<16xi32>
    %reduce_min3A_1147 = tpu.scan <min>, %reduce_min3A_1146 masked %reduce_min3A_1143 : vector<16xi32>, vector<16xi1> -> vector<16xi32>
    %reduce_min3A_1148 = arith.xori %reduce_min3A_1147, %reduce_min3A_1145 : vector<16xi32>
    %reduce_min3A_1149 = vector.extract %reduce_min3A_1148[15] : i32 from vector<16xi32>
    %reduce_max3A_1150 = arith.constant true
    %reduce_max3A_1151 = vector.broadcast %reduce_max3A_1150 : i1 to vector<16xi1>
    %reduce_max3A_1152 = tpu.scan <max>, %scan3A_1022#14 masked %reduce_max3A_1151 : vector<16xf32>, vector<16xi1> -> vector<16xf32>
    %reduce_max3A_1153 = vector.extract %reduce_max3A_1152[15] : f32 from vector<16xf32>
    %eq3A_1154 = vector.broadcast %reduce_max3A_1153 : f32 to vector<16xf32>
    %eq3A_1155 = arith.cmpf oeq, %scan3A_1022#14, %eq3A_1154 : vector<16xf32>
    %add3A_1156 = arith.addi %scan3A_1022#15, %iota3A : vector<16xi32>
    %jit3A_1157 = arith.constant 1073741824 : i32
    %broadcast_in_dim3A_1158 = vector.broadcast %jit3A_1157 : i32 to vector<16xi32>
    %select_n3A_1159 = arith.select %eq3A_1155, %add3A_1156, %broadcast_in_dim3A_1158 : vector<16xi1>, vector<16xi32>
    %reduce_min3A_1160 = arith.constant true
    %reduce_min3A_1161 = vector.broadcast %reduce_min3A_1160 : i1 to vector<16xi1>
    %reduce_min3A_1162 = arith.constant -2147483648 : i32
    %reduce_min3A_1163 = vector.broadcast %reduce_min3A_1162 : i32 to vector<16xi32>
    %reduce_min3A_1164 = arith.xori %select_n3A_1159, %reduce_min3A_1163 : vector<16xi32>
    %reduce_min3A_1165 = tpu.scan <min>, %reduce_min3A_1164 masked %reduce_min3A_1161 : vector<16xi32>, vector<16xi1> -> vector<16xi32>
    %reduce_min3A_1166 = arith.xori %reduce_min3A_1165, %reduce_min3A_1163 : vector<16xi32>
    %reduce_min3A_1167 = vector.extract %reduce_min3A_1166[15] : i32 from vector<16xi32>
    %broadcast_in_dim3A_1168 = arith.constant 0xFF800000 : f32
    %broadcast_in_dim3A_1169 = vector.broadcast %broadcast_in_dim3A_1168 : f32 to vector<16xf32>
    %broadcast_in_dim3A_1170 = arith.constant 0 : i32
    %broadcast_in_dim3A_1171 = vector.broadcast %broadcast_in_dim3A_1170 : i32 to vector<16xi32>
    %broadcast_in_dim3A_1172 = arith.constant 0xFF800000 : f32
    %broadcast_in_dim3A_1173 = vector.broadcast %broadcast_in_dim3A_1172 : f32 to vector<16xf32>
    %broadcast_in_dim3A_1174 = arith.constant 0 : i32
    %broadcast_in_dim3A_1175 = vector.broadcast %broadcast_in_dim3A_1174 : i32 to vector<16xi32>
    %broadcast_in_dim3A_1176 = arith.constant 0xFF800000 : f32
    %broadcast_in_dim3A_1177 = vector.broadcast %broadcast_in_dim3A_1176 : f32 to vector<16xf32>
    %broadcast_in_dim3A_1178 = arith.constant 0 : i32
    %broadcast_in_dim3A_1179 = vector.broadcast %broadcast_in_dim3A_1178 : i32 to vector<16xi32>
    %broadcast_in_dim3A_1180 = arith.constant 0xFF800000 : f32
    %broadcast_in_dim3A_1181 = vector.broadcast %broadcast_in_dim3A_1180 : f32 to vector<16xf32>
    %broadcast_in_dim3A_1182 = arith.constant 0 : i32
    %broadcast_in_dim3A_1183 = vector.broadcast %broadcast_in_dim3A_1182 : i32 to vector<16xi32>
    %broadcast_in_dim3A_1184 = arith.constant 0xFF800000 : f32
    %broadcast_in_dim3A_1185 = vector.broadcast %broadcast_in_dim3A_1184 : f32 to vector<16xf32>
    %broadcast_in_dim3A_1186 = arith.constant 0 : i32
    %broadcast_in_dim3A_1187 = vector.broadcast %broadcast_in_dim3A_1186 : i32 to vector<16xi32>
    %broadcast_in_dim3A_1188 = arith.constant 0xFF800000 : f32
    %broadcast_in_dim3A_1189 = vector.broadcast %broadcast_in_dim3A_1188 : f32 to vector<16xf32>
    %broadcast_in_dim3A_1190 = arith.constant 0 : i32
    %broadcast_in_dim3A_1191 = vector.broadcast %broadcast_in_dim3A_1190 : i32 to vector<16xi32>
    %broadcast_in_dim3A_1192 = arith.constant 0xFF800000 : f32
    %broadcast_in_dim3A_1193 = vector.broadcast %broadcast_in_dim3A_1192 : f32 to vector<16xf32>
    %broadcast_in_dim3A_1194 = arith.constant 0 : i32
    %broadcast_in_dim3A_1195 = vector.broadcast %broadcast_in_dim3A_1194 : i32 to vector<16xi32>
    %broadcast_in_dim3A_1196 = arith.constant 0xFF800000 : f32
    %broadcast_in_dim3A_1197 = vector.broadcast %broadcast_in_dim3A_1196 : f32 to vector<16xf32>
    %broadcast_in_dim3A_1198 = arith.constant 0 : i32
    %broadcast_in_dim3A_1199 = vector.broadcast %broadcast_in_dim3A_1198 : i32 to vector<16xi32>
    %scan3A_1200 = arith.constant 0 : i32
    %scan3A_1201 = arith.constant 64 : i32
    %scan3A_1202 = arith.addi %scan3A_1200, %scan3A_1201 : i32
    %scan3A_1203 = arith.constant 1 : i32
    %scan3A_1204:16 = scf.for %scan3A_1452 = %scan3A_1200 to %scan3A_1202 step %scan3A_1203 iter_args(%scan3A_1453 = %broadcast_in_dim3A_1169, %scan3A_1454 = %broadcast_in_dim3A_1171, %scan3A_1455 = %broadcast_in_dim3A_1173, %scan3A_1456 = %broadcast_in_dim3A_1175, %scan3A_1457 = %broadcast_in_dim3A_1177, %scan3A_1458 = %broadcast_in_dim3A_1179, %scan3A_1459 = %broadcast_in_dim3A_1181, %scan3A_1460 = %broadcast_in_dim3A_1183, %scan3A_1461 = %broadcast_in_dim3A_1185, %scan3A_1462 = %broadcast_in_dim3A_1187, %scan3A_1463 = %broadcast_in_dim3A_1189, %scan3A_1464 = %broadcast_in_dim3A_1191, %scan3A_1465 = %broadcast_in_dim3A_1193, %scan3A_1466 = %broadcast_in_dim3A_1195, %scan3A_1467 = %broadcast_in_dim3A_1197, %scan3A_1468 = %broadcast_in_dim3A_1199) -> (vector<16xf32>, vector<16xi32>, vector<16xf32>, vector<16xi32>, vector<16xf32>, vector<16xi32>, vector<16xf32>, vector<16xi32>, vector<16xf32>, vector<16xi32>, vector<16xf32>, vector<16xi32>, vector<16xf32>, vector<16xi32>, vector<16xf32>, vector<16xi32>)  : i32 {
      %mul3A_1469 = arith.constant 16 : i32
      %mul3A_1470 = arith.muli %scan3A_1452, %mul3A_1469 : i32
      %broadcast_in_dim3A_1471 = vector.broadcast %mul3A_1470 : i32 to vector<16xi32>
      %get3A = arith.constant 8 : i32
      %get3A_1472 = arith.index_cast %get3A : i32 to index
      %get3A_1473 = arith.index_cast %mul3A_1470 : i32 to index
      %get3A_1474 = tpu.vector_load %arg6[%get3A_1472, %get3A_1473] {strides = array<i32>} : memref<16x1024xf32, #tpu.memory_space<vmem>>, vector<16xf32>,
      %gt3A = arith.cmpf ogt, %get3A_1474, %scan3A_1453 : vector<16xf32>
      %select_n3A_1475 = arith.select %gt3A, %get3A_1474, %scan3A_1453 : vector<16xi1>, vector<16xf32>
      %select_n3A_1476 = arith.select %gt3A, %broadcast_in_dim3A_1471, %scan3A_1454 : vector<16xi1>, vector<16xi32>
      %get3A_1477 = arith.constant 9 : i32
      %get3A_1478 = arith.index_cast %get3A_1477 : i32 to index
      %get3A_1479 = arith.index_cast %mul3A_1470 : i32 to index
      %get3A_1480 = tpu.vector_load %arg6[%get3A_1478, %get3A_1479] {strides = array<i32>} : memref<16x1024xf32, #tpu.memory_space<vmem>>, vector<16xf32>,
      %gt3A_1481 = arith.cmpf ogt, %get3A_1480, %scan3A_1455 : vector<16xf32>
      %select_n3A_1482 = arith.select %gt3A_1481, %get3A_1480, %scan3A_1455 : vector<16xi1>, vector<16xf32>
      %select_n3A_1483 = arith.select %gt3A_1481, %broadcast_in_dim3A_1471, %scan3A_1456 : vector<16xi1>, vector<16xi32>
      %get3A_1484 = arith.constant 10 : i32
      %get3A_1485 = arith.index_cast %get3A_1484 : i32 to index
      %get3A_1486 = arith.index_cast %mul3A_1470 : i32 to index
      %get3A_1487 = tpu.vector_load %arg6[%get3A_1485, %get3A_1486] {strides = array<i32>} : memref<16x1024xf32, #tpu.memory_space<vmem>>, vector<16xf32>,
      %gt3A_1488 = arith.cmpf ogt, %get3A_1487, %scan3A_1457 : vector<16xf32>
      %select_n3A_1489 = arith.select %gt3A_1488, %get3A_1487, %scan3A_1457 : vector<16xi1>, vector<16xf32>
      %select_n3A_1490 = arith.select %gt3A_1488, %broadcast_in_dim3A_1471, %scan3A_1458 : vector<16xi1>, vector<16xi32>
      %get3A_1491 = arith.constant 11 : i32
      %get3A_1492 = arith.index_cast %get3A_1491 : i32 to index
      %get3A_1493 = arith.index_cast %mul3A_1470 : i32 to index
      %get3A_1494 = tpu.vector_load %arg6[%get3A_1492, %get3A_1493] {strides = array<i32>} : memref<16x1024xf32, #tpu.memory_space<vmem>>, vector<16xf32>,
      %gt3A_1495 = arith.cmpf ogt, %get3A_1494, %scan3A_1459 : vector<16xf32>
      %select_n3A_1496 = arith.select %gt3A_1495, %get3A_1494, %scan3A_1459 : vector<16xi1>, vector<16xf32>
      %select_n3A_1497 = arith.select %gt3A_1495, %broadcast_in_dim3A_1471, %scan3A_1460 : vector<16xi1>, vector<16xi32>
      %get3A_1498 = arith.constant 12 : i32
      %get3A_1499 = arith.index_cast %get3A_1498 : i32 to index
      %get3A_1500 = arith.index_cast %mul3A_1470 : i32 to index
      %get3A_1501 = tpu.vector_load %arg6[%get3A_1499, %get3A_1500] {strides = array<i32>} : memref<16x1024xf32, #tpu.memory_space<vmem>>, vector<16xf32>,
      %gt3A_1502 = arith.cmpf ogt, %get3A_1501, %scan3A_1461 : vector<16xf32>
      %select_n3A_1503 = arith.select %gt3A_1502, %get3A_1501, %scan3A_1461 : vector<16xi1>, vector<16xf32>
      %select_n3A_1504 = arith.select %gt3A_1502, %broadcast_in_dim3A_1471, %scan3A_1462 : vector<16xi1>, vector<16xi32>
      %get3A_1505 = arith.constant 13 : i32
      %get3A_1506 = arith.index_cast %get3A_1505 : i32 to index
      %get3A_1507 = arith.index_cast %mul3A_1470 : i32 to index
      %get3A_1508 = tpu.vector_load %arg6[%get3A_1506, %get3A_1507] {strides = array<i32>} : memref<16x1024xf32, #tpu.memory_space<vmem>>, vector<16xf32>,
      %gt3A_1509 = arith.cmpf ogt, %get3A_1508, %scan3A_1463 : vector<16xf32>
      %select_n3A_1510 = arith.select %gt3A_1509, %get3A_1508, %scan3A_1463 : vector<16xi1>, vector<16xf32>
      %select_n3A_1511 = arith.select %gt3A_1509, %broadcast_in_dim3A_1471, %scan3A_1464 : vector<16xi1>, vector<16xi32>
      %get3A_1512 = arith.constant 14 : i32
      %get3A_1513 = arith.index_cast %get3A_1512 : i32 to index
      %get3A_1514 = arith.index_cast %mul3A_1470 : i32 to index
      %get3A_1515 = tpu.vector_load %arg6[%get3A_1513, %get3A_1514] {strides = array<i32>} : memref<16x1024xf32, #tpu.memory_space<vmem>>, vector<16xf32>,
      %gt3A_1516 = arith.cmpf ogt, %get3A_1515, %scan3A_1465 : vector<16xf32>
      %select_n3A_1517 = arith.select %gt3A_1516, %get3A_1515, %scan3A_1465 : vector<16xi1>, vector<16xf32>
      %select_n3A_1518 = arith.select %gt3A_1516, %broadcast_in_dim3A_1471, %scan3A_1466 : vector<16xi1>, vector<16xi32>
      %get3A_1519 = arith.constant 15 : i32
      %get3A_1520 = arith.index_cast %get3A_1519 : i32 to index
      %get3A_1521 = arith.index_cast %mul3A_1470 : i32 to index
      %get3A_1522 = tpu.vector_load %arg6[%get3A_1520, %get3A_1521] {strides = array<i32>} : memref<16x1024xf32, #tpu.memory_space<vmem>>, vector<16xf32>,
      %gt3A_1523 = arith.cmpf ogt, %get3A_1522, %scan3A_1467 : vector<16xf32>
      %select_n3A_1524 = arith.select %gt3A_1523, %get3A_1522, %scan3A_1467 : vector<16xi1>, vector<16xf32>
      %select_n3A_1525 = arith.select %gt3A_1523, %broadcast_in_dim3A_1471, %scan3A_1468 : vector<16xi1>, vector<16xi32>
      scf.yield %select_n3A_1475, %select_n3A_1476, %select_n3A_1482, %select_n3A_1483, %select_n3A_1489, %select_n3A_1490, %select_n3A_1496, %select_n3A_1497, %select_n3A_1503, %select_n3A_1504, %select_n3A_1510, %select_n3A_1511, %select_n3A_1517, %select_n3A_1518, %select_n3A_1524, %select_n3A_1525 : vector<16xf32>, vector<16xi32>, vector<16xf32>, vector<16xi32>, vector<16xf32>, vector<16xi32>, vector<16xf32>, vector<16xi32>, vector<16xf32>, vector<16xi32>, vector<16xf32>, vector<16xi32>, vector<16xf32>, vector<16xi32>, vector<16xf32>, vector<16xi32>
    }
    %scan3A_1205 = arith.constant 64 : i32
    %reduce_max3A_1206 = arith.constant true
    %reduce_max3A_1207 = vector.broadcast %reduce_max3A_1206 : i1 to vector<16xi1>
    %reduce_max3A_1208 = tpu.scan <max>, %scan3A_1204#0 masked %reduce_max3A_1207 : vector<16xf32>, vector<16xi1> -> vector<16xf32>
    %reduce_max3A_1209 = vector.extract %reduce_max3A_1208[15] : f32 from vector<16xf32>
    %eq3A_1210 = vector.broadcast %reduce_max3A_1209 : f32 to vector<16xf32>
    %eq3A_1211 = arith.cmpf oeq, %scan3A_1204#0, %eq3A_1210 : vector<16xf32>
    %add3A_1212 = arith.addi %scan3A_1204#1, %iota3A : vector<16xi32>
    %jit3A_1213 = arith.constant 1073741824 : i32
    %broadcast_in_dim3A_1214 = vector.broadcast %jit3A_1213 : i32 to vector<16xi32>
    %select_n3A_1215 = arith.select %eq3A_1211, %add3A_1212, %broadcast_in_dim3A_1214 : vector<16xi1>, vector<16xi32>
    %reduce_min3A_1216 = arith.constant true
    %reduce_min3A_1217 = vector.broadcast %reduce_min3A_1216 : i1 to vector<16xi1>
    %reduce_min3A_1218 = arith.constant -2147483648 : i32
    %reduce_min3A_1219 = vector.broadcast %reduce_min3A_1218 : i32 to vector<16xi32>
    %reduce_min3A_1220 = arith.xori %select_n3A_1215, %reduce_min3A_1219 : vector<16xi32>
    %reduce_min3A_1221 = tpu.scan <min>, %reduce_min3A_1220 masked %reduce_min3A_1217 : vector<16xi32>, vector<16xi1> -> vector<16xi32>
    %reduce_min3A_1222 = arith.xori %reduce_min3A_1221, %reduce_min3A_1219 : vector<16xi32>
    %reduce_min3A_1223 = vector.extract %reduce_min3A_1222[15] : i32 from vector<16xi32>
    %reduce_max3A_1224 = arith.constant true
    %reduce_max3A_1225 = vector.broadcast %reduce_max3A_1224 : i1 to vector<16xi1>
    %reduce_max3A_1226 = tpu.scan <max>, %scan3A_1204#2 masked %reduce_max3A_1225 : vector<16xf32>, vector<16xi1> -> vector<16xf32>
    %reduce_max3A_1227 = vector.extract %reduce_max3A_1226[15] : f32 from vector<16xf32>
    %eq3A_1228 = vector.broadcast %reduce_max3A_1227 : f32 to vector<16xf32>
    %eq3A_1229 = arith.cmpf oeq, %scan3A_1204#2, %eq3A_1228 : vector<16xf32>
    %add3A_1230 = arith.addi %scan3A_1204#3, %iota3A : vector<16xi32>
    %jit3A_1231 = arith.constant 1073741824 : i32
    %broadcast_in_dim3A_1232 = vector.broadcast %jit3A_1231 : i32 to vector<16xi32>
    %select_n3A_1233 = arith.select %eq3A_1229, %add3A_1230, %broadcast_in_dim3A_1232 : vector<16xi1>, vector<16xi32>
    %reduce_min3A_1234 = arith.constant true
    %reduce_min3A_1235 = vector.broadcast %reduce_min3A_1234 : i1 to vector<16xi1>
    %reduce_min3A_1236 = arith.constant -2147483648 : i32
    %reduce_min3A_1237 = vector.broadcast %reduce_min3A_1236 : i32 to vector<16xi32>
    %reduce_min3A_1238 = arith.xori %select_n3A_1233, %reduce_min3A_1237 : vector<16xi32>
    %reduce_min3A_1239 = tpu.scan <min>, %reduce_min3A_1238 masked %reduce_min3A_1235 : vector<16xi32>, vector<16xi1> -> vector<16xi32>
    %reduce_min3A_1240 = arith.xori %reduce_min3A_1239, %reduce_min3A_1237 : vector<16xi32>
    %reduce_min3A_1241 = vector.extract %reduce_min3A_1240[15] : i32 from vector<16xi32>
    %reduce_max3A_1242 = arith.constant true
    %reduce_max3A_1243 = vector.broadcast %reduce_max3A_1242 : i1 to vector<16xi1>
    %reduce_max3A_1244 = tpu.scan <max>, %scan3A_1204#4 masked %reduce_max3A_1243 : vector<16xf32>, vector<16xi1> -> vector<16xf32>
    %reduce_max3A_1245 = vector.extract %reduce_max3A_1244[15] : f32 from vector<16xf32>
    %eq3A_1246 = vector.broadcast %reduce_max3A_1245 : f32 to vector<16xf32>
    %eq3A_1247 = arith.cmpf oeq, %scan3A_1204#4, %eq3A_1246 : vector<16xf32>
    %add3A_1248 = arith.addi %scan3A_1204#5, %iota3A : vector<16xi32>
    %jit3A_1249 = arith.constant 1073741824 : i32
    %broadcast_in_dim3A_1250 = vector.broadcast %jit3A_1249 : i32 to vector<16xi32>
    %select_n3A_1251 = arith.select %eq3A_1247, %add3A_1248, %broadcast_in_dim3A_1250 : vector<16xi1>, vector<16xi32>
    %reduce_min3A_1252 = arith.constant true
    %reduce_min3A_1253 = vector.broadcast %reduce_min3A_1252 : i1 to vector<16xi1>
    %reduce_min3A_1254 = arith.constant -2147483648 : i32
    %reduce_min3A_1255 = vector.broadcast %reduce_min3A_1254 : i32 to vector<16xi32>
    %reduce_min3A_1256 = arith.xori %select_n3A_1251, %reduce_min3A_1255 : vector<16xi32>
    %reduce_min3A_1257 = tpu.scan <min>, %reduce_min3A_1256 masked %reduce_min3A_1253 : vector<16xi32>, vector<16xi1> -> vector<16xi32>
    %reduce_min3A_1258 = arith.xori %reduce_min3A_1257, %reduce_min3A_1255 : vector<16xi32>
    %reduce_min3A_1259 = vector.extract %reduce_min3A_1258[15] : i32 from vector<16xi32>
    %reduce_max3A_1260 = arith.constant true
    %reduce_max3A_1261 = vector.broadcast %reduce_max3A_1260 : i1 to vector<16xi1>
    %reduce_max3A_1262 = tpu.scan <max>, %scan3A_1204#6 masked %reduce_max3A_1261 : vector<16xf32>, vector<16xi1> -> vector<16xf32>
    %reduce_max3A_1263 = vector.extract %reduce_max3A_1262[15] : f32 from vector<16xf32>
    %eq3A_1264 = vector.broadcast %reduce_max3A_1263 : f32 to vector<16xf32>
    %eq3A_1265 = arith.cmpf oeq, %scan3A_1204#6, %eq3A_1264 : vector<16xf32>
    %add3A_1266 = arith.addi %scan3A_1204#7, %iota3A : vector<16xi32>
    %jit3A_1267 = arith.constant 1073741824 : i32
    %broadcast_in_dim3A_1268 = vector.broadcast %jit3A_1267 : i32 to vector<16xi32>
    %select_n3A_1269 = arith.select %eq3A_1265, %add3A_1266, %broadcast_in_dim3A_1268 : vector<16xi1>, vector<16xi32>
    %reduce_min3A_1270 = arith.constant true
    %reduce_min3A_1271 = vector.broadcast %reduce_min3A_1270 : i1 to vector<16xi1>
    %reduce_min3A_1272 = arith.constant -2147483648 : i32
    %reduce_min3A_1273 = vector.broadcast %reduce_min3A_1272 : i32 to vector<16xi32>
    %reduce_min3A_1274 = arith.xori %select_n3A_1269, %reduce_min3A_1273 : vector<16xi32>
    %reduce_min3A_1275 = tpu.scan <min>, %reduce_min3A_1274 masked %reduce_min3A_1271 : vector<16xi32>, vector<16xi1> -> vector<16xi32>
    %reduce_min3A_1276 = arith.xori %reduce_min3A_1275, %reduce_min3A_1273 : vector<16xi32>
    %reduce_min3A_1277 = vector.extract %reduce_min3A_1276[15] : i32 from vector<16xi32>
    %reduce_max3A_1278 = arith.constant true
    %reduce_max3A_1279 = vector.broadcast %reduce_max3A_1278 : i1 to vector<16xi1>
    %reduce_max3A_1280 = tpu.scan <max>, %scan3A_1204#8 masked %reduce_max3A_1279 : vector<16xf32>, vector<16xi1> -> vector<16xf32>
    %reduce_max3A_1281 = vector.extract %reduce_max3A_1280[15] : f32 from vector<16xf32>
    %eq3A_1282 = vector.broadcast %reduce_max3A_1281 : f32 to vector<16xf32>
    %eq3A_1283 = arith.cmpf oeq, %scan3A_1204#8, %eq3A_1282 : vector<16xf32>
    %add3A_1284 = arith.addi %scan3A_1204#9, %iota3A : vector<16xi32>
    %jit3A_1285 = arith.constant 1073741824 : i32
    %broadcast_in_dim3A_1286 = vector.broadcast %jit3A_1285 : i32 to vector<16xi32>
    %select_n3A_1287 = arith.select %eq3A_1283, %add3A_1284, %broadcast_in_dim3A_1286 : vector<16xi1>, vector<16xi32>
    %reduce_min3A_1288 = arith.constant true
    %reduce_min3A_1289 = vector.broadcast %reduce_min3A_1288 : i1 to vector<16xi1>
    %reduce_min3A_1290 = arith.constant -2147483648 : i32
    %reduce_min3A_1291 = vector.broadcast %reduce_min3A_1290 : i32 to vector<16xi32>
    %reduce_min3A_1292 = arith.xori %select_n3A_1287, %reduce_min3A_1291 : vector<16xi32>
    %reduce_min3A_1293 = tpu.scan <min>, %reduce_min3A_1292 masked %reduce_min3A_1289 : vector<16xi32>, vector<16xi1> -> vector<16xi32>
    %reduce_min3A_1294 = arith.xori %reduce_min3A_1293, %reduce_min3A_1291 : vector<16xi32>
    %reduce_min3A_1295 = vector.extract %reduce_min3A_1294[15] : i32 from vector<16xi32>
    %reduce_max3A_1296 = arith.constant true
    %reduce_max3A_1297 = vector.broadcast %reduce_max3A_1296 : i1 to vector<16xi1>
    %reduce_max3A_1298 = tpu.scan <max>, %scan3A_1204#10 masked %reduce_max3A_1297 : vector<16xf32>, vector<16xi1> -> vector<16xf32>
    %reduce_max3A_1299 = vector.extract %reduce_max3A_1298[15] : f32 from vector<16xf32>
    %eq3A_1300 = vector.broadcast %reduce_max3A_1299 : f32 to vector<16xf32>
    %eq3A_1301 = arith.cmpf oeq, %scan3A_1204#10, %eq3A_1300 : vector<16xf32>
    %add3A_1302 = arith.addi %scan3A_1204#11, %iota3A : vector<16xi32>
    %jit3A_1303 = arith.constant 1073741824 : i32
    %broadcast_in_dim3A_1304 = vector.broadcast %jit3A_1303 : i32 to vector<16xi32>
    %select_n3A_1305 = arith.select %eq3A_1301, %add3A_1302, %broadcast_in_dim3A_1304 : vector<16xi1>, vector<16xi32>
    %reduce_min3A_1306 = arith.constant true
    %reduce_min3A_1307 = vector.broadcast %reduce_min3A_1306 : i1 to vector<16xi1>
    %reduce_min3A_1308 = arith.constant -2147483648 : i32
    %reduce_min3A_1309 = vector.broadcast %reduce_min3A_1308 : i32 to vector<16xi32>
    %reduce_min3A_1310 = arith.xori %select_n3A_1305, %reduce_min3A_1309 : vector<16xi32>
    %reduce_min3A_1311 = tpu.scan <min>, %reduce_min3A_1310 masked %reduce_min3A_1307 : vector<16xi32>, vector<16xi1> -> vector<16xi32>
    %reduce_min3A_1312 = arith.xori %reduce_min3A_1311, %reduce_min3A_1309 : vector<16xi32>
    %reduce_min3A_1313 = vector.extract %reduce_min3A_1312[15] : i32 from vector<16xi32>
    %reduce_max3A_1314 = arith.constant true
    %reduce_max3A_1315 = vector.broadcast %reduce_max3A_1314 : i1 to vector<16xi1>
    %reduce_max3A_1316 = tpu.scan <max>, %scan3A_1204#12 masked %reduce_max3A_1315 : vector<16xf32>, vector<16xi1> -> vector<16xf32>
    %reduce_max3A_1317 = vector.extract %reduce_max3A_1316[15] : f32 from vector<16xf32>
    %eq3A_1318 = vector.broadcast %reduce_max3A_1317 : f32 to vector<16xf32>
    %eq3A_1319 = arith.cmpf oeq, %scan3A_1204#12, %eq3A_1318 : vector<16xf32>
    %add3A_1320 = arith.addi %scan3A_1204#13, %iota3A : vector<16xi32>
    %jit3A_1321 = arith.constant 1073741824 : i32
    %broadcast_in_dim3A_1322 = vector.broadcast %jit3A_1321 : i32 to vector<16xi32>
    %select_n3A_1323 = arith.select %eq3A_1319, %add3A_1320, %broadcast_in_dim3A_1322 : vector<16xi1>, vector<16xi32>
    %reduce_min3A_1324 = arith.constant true
    %reduce_min3A_1325 = vector.broadcast %reduce_min3A_1324 : i1 to vector<16xi1>
    %reduce_min3A_1326 = arith.constant -2147483648 : i32
    %reduce_min3A_1327 = vector.broadcast %reduce_min3A_1326 : i32 to vector<16xi32>
    %reduce_min3A_1328 = arith.xori %select_n3A_1323, %reduce_min3A_1327 : vector<16xi32>
    %reduce_min3A_1329 = tpu.scan <min>, %reduce_min3A_1328 masked %reduce_min3A_1325 : vector<16xi32>, vector<16xi1> -> vector<16xi32>
    %reduce_min3A_1330 = arith.xori %reduce_min3A_1329, %reduce_min3A_1327 : vector<16xi32>
    %reduce_min3A_1331 = vector.extract %reduce_min3A_1330[15] : i32 from vector<16xi32>
    %reduce_max3A_1332 = arith.constant true
    %reduce_max3A_1333 = vector.broadcast %reduce_max3A_1332 : i1 to vector<16xi1>
    %reduce_max3A_1334 = tpu.scan <max>, %scan3A_1204#14 masked %reduce_max3A_1333 : vector<16xf32>, vector<16xi1> -> vector<16xf32>
    %reduce_max3A_1335 = vector.extract %reduce_max3A_1334[15] : f32 from vector<16xf32>
    %eq3A_1336 = vector.broadcast %reduce_max3A_1335 : f32 to vector<16xf32>
    %eq3A_1337 = arith.cmpf oeq, %scan3A_1204#14, %eq3A_1336 : vector<16xf32>
    %add3A_1338 = arith.addi %scan3A_1204#15, %iota3A : vector<16xi32>
    %jit3A_1339 = arith.constant 1073741824 : i32
    %broadcast_in_dim3A_1340 = vector.broadcast %jit3A_1339 : i32 to vector<16xi32>
    %select_n3A_1341 = arith.select %eq3A_1337, %add3A_1338, %broadcast_in_dim3A_1340 : vector<16xi1>, vector<16xi32>
    %reduce_min3A_1342 = arith.constant true
    %reduce_min3A_1343 = vector.broadcast %reduce_min3A_1342 : i1 to vector<16xi1>
    %reduce_min3A_1344 = arith.constant -2147483648 : i32
    %reduce_min3A_1345 = vector.broadcast %reduce_min3A_1344 : i32 to vector<16xi32>
    %reduce_min3A_1346 = arith.xori %select_n3A_1341, %reduce_min3A_1345 : vector<16xi32>
    %reduce_min3A_1347 = tpu.scan <min>, %reduce_min3A_1346 masked %reduce_min3A_1343 : vector<16xi32>, vector<16xi1> -> vector<16xi32>
    %reduce_min3A_1348 = arith.xori %reduce_min3A_1347, %reduce_min3A_1345 : vector<16xi32>
    %reduce_min3A_1349 = vector.extract %reduce_min3A_1348[15] : i32 from vector<16xi32>
    %broadcast_in_dim3A_1350 = arith.constant -1 : i32
    %broadcast_in_dim3A_1351 = vector.broadcast %broadcast_in_dim3A_1350 : i32 to vector<16xi32>
    %eq3A_1352 = arith.constant 0 : i32
    %eq3A_1353 = vector.broadcast %eq3A_1352 : i32 to vector<16xi32>
    %eq3A_1354 = arith.cmpi eq, %iota3A, %eq3A_1353 : vector<16xi32>
    %broadcast_in_dim3A_1355 = vector.broadcast %reduce_min3A_1041 : i32 to vector<16xi32>
    %select_n3A_1356 = arith.select %eq3A_1354, %broadcast_in_dim3A_1355, %broadcast_in_dim3A_1351 : vector<16xi1>, vector<16xi32>
    %eq3A_1357 = arith.constant 1 : i32
    %eq3A_1358 = vector.broadcast %eq3A_1357 : i32 to vector<16xi32>
    %eq3A_1359 = arith.cmpi eq, %iota3A, %eq3A_1358 : vector<16xi32>
    %broadcast_in_dim3A_1360 = vector.broadcast %reduce_min3A_1059 : i32 to vector<16xi32>
    %select_n3A_1361 = arith.select %eq3A_1359, %broadcast_in_dim3A_1360, %select_n3A_1356 : vector<16xi1>, vector<16xi32>
    %eq3A_1362 = arith.constant 2 : i32
    %eq3A_1363 = vector.broadcast %eq3A_1362 : i32 to vector<16xi32>
    %eq3A_1364 = arith.cmpi eq, %iota3A, %eq3A_1363 : vector<16xi32>
    %broadcast_in_dim3A_1365 = vector.broadcast %reduce_min3A_1077 : i32 to vector<16xi32>
    %select_n3A_1366 = arith.select %eq3A_1364, %broadcast_in_dim3A_1365, %select_n3A_1361 : vector<16xi1>, vector<16xi32>
    %eq3A_1367 = arith.constant 3 : i32
    %eq3A_1368 = vector.broadcast %eq3A_1367 : i32 to vector<16xi32>
    %eq3A_1369 = arith.cmpi eq, %iota3A, %eq3A_1368 : vector<16xi32>
    %broadcast_in_dim3A_1370 = vector.broadcast %reduce_min3A_1095 : i32 to vector<16xi32>
    %select_n3A_1371 = arith.select %eq3A_1369, %broadcast_in_dim3A_1370, %select_n3A_1366 : vector<16xi1>, vector<16xi32>
    %eq3A_1372 = arith.constant 4 : i32
    %eq3A_1373 = vector.broadcast %eq3A_1372 : i32 to vector<16xi32>
    %eq3A_1374 = arith.cmpi eq, %iota3A, %eq3A_1373 : vector<16xi32>
    %broadcast_in_dim3A_1375 = vector.broadcast %reduce_min3A_1113 : i32 to vector<16xi32>
    %select_n3A_1376 = arith.select %eq3A_1374, %broadcast_in_dim3A_1375, %select_n3A_1371 : vector<16xi1>, vector<16xi32>
    %eq3A_1377 = arith.constant 5 : i32
    %eq3A_1378 = vector.broadcast %eq3A_1377 : i32 to vector<16xi32>
    %eq3A_1379 = arith.cmpi eq, %iota3A, %eq3A_1378 : vector<16xi32>
    %broadcast_in_dim3A_1380 = vector.broadcast %reduce_min3A_1131 : i32 to vector<16xi32>
    %select_n3A_1381 = arith.select %eq3A_1379, %broadcast_in_dim3A_1380, %select_n3A_1376 : vector<16xi1>, vector<16xi32>
    %eq3A_1382 = arith.constant 6 : i32
    %eq3A_1383 = vector.broadcast %eq3A_1382 : i32 to vector<16xi32>
    %eq3A_1384 = arith.cmpi eq, %iota3A, %eq3A_1383 : vector<16xi32>
    %broadcast_in_dim3A_1385 = vector.broadcast %reduce_min3A_1149 : i32 to vector<16xi32>
    %select_n3A_1386 = arith.select %eq3A_1384, %broadcast_in_dim3A_1385, %select_n3A_1381 : vector<16xi1>, vector<16xi32>
    %eq3A_1387 = arith.constant 7 : i32
    %eq3A_1388 = vector.broadcast %eq3A_1387 : i32 to vector<16xi32>
    %eq3A_1389 = arith.cmpi eq, %iota3A, %eq3A_1388 : vector<16xi32>
    %broadcast_in_dim3A_1390 = vector.broadcast %reduce_min3A_1167 : i32 to vector<16xi32>
    %select_n3A_1391 = arith.select %eq3A_1389, %broadcast_in_dim3A_1390, %select_n3A_1386 : vector<16xi1>, vector<16xi32>
    %eq3A_1392 = arith.constant 8 : i32
    %eq3A_1393 = vector.broadcast %eq3A_1392 : i32 to vector<16xi32>
    %eq3A_1394 = arith.cmpi eq, %iota3A, %eq3A_1393 : vector<16xi32>
    %broadcast_in_dim3A_1395 = vector.broadcast %reduce_min3A_1223 : i32 to vector<16xi32>
    %select_n3A_1396 = arith.select %eq3A_1394, %broadcast_in_dim3A_1395, %select_n3A_1391 : vector<16xi1>, vector<16xi32>
    %eq3A_1397 = arith.constant 9 : i32
    %eq3A_1398 = vector.broadcast %eq3A_1397 : i32 to vector<16xi32>
    %eq3A_1399 = arith.cmpi eq, %iota3A, %eq3A_1398 : vector<16xi32>
    %broadcast_in_dim3A_1400 = vector.broadcast %reduce_min3A_1241 : i32 to vector<16xi32>
    %select_n3A_1401 = arith.select %eq3A_1399, %broadcast_in_dim3A_1400, %select_n3A_1396 : vector<16xi1>, vector<16xi32>
    %eq3A_1402 = arith.constant 10 : i32
    %eq3A_1403 = vector.broadcast %eq3A_1402 : i32 to vector<16xi32>
    %eq3A_1404 = arith.cmpi eq, %iota3A, %eq3A_1403 : vector<16xi32>
    %broadcast_in_dim3A_1405 = vector.broadcast %reduce_min3A_1259 : i32 to vector<16xi32>
    %select_n3A_1406 = arith.select %eq3A_1404, %broadcast_in_dim3A_1405, %select_n3A_1401 : vector<16xi1>, vector<16xi32>
    %eq3A_1407 = arith.constant 11 : i32
    %eq3A_1408 = vector.broadcast %eq3A_1407 : i32 to vector<16xi32>
    %eq3A_1409 = arith.cmpi eq, %iota3A, %eq3A_1408 : vector<16xi32>
    %broadcast_in_dim3A_1410 = vector.broadcast %reduce_min3A_1277 : i32 to vector<16xi32>
    %select_n3A_1411 = arith.select %eq3A_1409, %broadcast_in_dim3A_1410, %select_n3A_1406 : vector<16xi1>, vector<16xi32>
    %eq3A_1412 = arith.constant 12 : i32
    %eq3A_1413 = vector.broadcast %eq3A_1412 : i32 to vector<16xi32>
    %eq3A_1414 = arith.cmpi eq, %iota3A, %eq3A_1413 : vector<16xi32>
    %broadcast_in_dim3A_1415 = vector.broadcast %reduce_min3A_1295 : i32 to vector<16xi32>
    %select_n3A_1416 = arith.select %eq3A_1414, %broadcast_in_dim3A_1415, %select_n3A_1411 : vector<16xi1>, vector<16xi32>
    %eq3A_1417 = arith.constant 13 : i32
    %eq3A_1418 = vector.broadcast %eq3A_1417 : i32 to vector<16xi32>
    %eq3A_1419 = arith.cmpi eq, %iota3A, %eq3A_1418 : vector<16xi32>
    %broadcast_in_dim3A_1420 = vector.broadcast %reduce_min3A_1313 : i32 to vector<16xi32>
    %select_n3A_1421 = arith.select %eq3A_1419, %broadcast_in_dim3A_1420, %select_n3A_1416 : vector<16xi1>, vector<16xi32>
    %eq3A_1422 = arith.constant 14 : i32
    %eq3A_1423 = vector.broadcast %eq3A_1422 : i32 to vector<16xi32>
    %eq3A_1424 = arith.cmpi eq, %iota3A, %eq3A_1423 : vector<16xi32>
    %broadcast_in_dim3A_1425 = vector.broadcast %reduce_min3A_1331 : i32 to vector<16xi32>
    %select_n3A_1426 = arith.select %eq3A_1424, %broadcast_in_dim3A_1425, %select_n3A_1421 : vector<16xi1>, vector<16xi32>
    %eq3A_1427 = arith.constant 15 : i32
    %eq3A_1428 = vector.broadcast %eq3A_1427 : i32 to vector<16xi32>
    %eq3A_1429 = arith.cmpi eq, %iota3A, %eq3A_1428 : vector<16xi32>
    %broadcast_in_dim3A_1430 = vector.broadcast %reduce_min3A_1349 : i32 to vector<16xi32>
    %select_n3A_1431 = arith.select %eq3A_1429, %broadcast_in_dim3A_1430, %select_n3A_1426 : vector<16xi1>, vector<16xi32>
    %broadcast_in_dim3A_1432 = vector.shape_cast %max3A_25 : vector<16xi32> to vector<16x1xi32>
    %gather3A_1433 = vector.shape_cast %broadcast_in_dim3A_1432 : vector<16x1xi32> to vector<16xi32>
    %gather3A_1434 = tpu.dynamic_gather %select_n3A_1431[%gather3A_1433] in [0] : vector<16xi32>, vector<16xi32> -> vector<16xi32>
    %eq3A_1435 = arith.constant 0 : i32
    %eq3A_1436 = vector.broadcast %eq3A_1435 : i32 to vector<16xi32>
    %eq3A_1437 = arith.cmpi eq, %iota3A, %eq3A_1436 : vector<16xi32>
    %broadcast_in_dim3A_1438 = vector.broadcast %reduce_min3A_881 : i32 to vector<16xi32>
    %select_n3A_1439 = arith.select %eq3A_1437, %broadcast_in_dim3A_1438, %gather3A_1434 : vector<16xi1>, vector<16xi32>
    %ne3A_1440 = arith.cmpi ne, %select_n3A_1431, %select_n3A_1439 : vector<16xi32>
    %ne3A_1441 = arith.constant 0 : i32
    %ne3A_1442 = vector.broadcast %ne3A_1441 : i32 to vector<16xi32>
    %ne3A_1443 = arith.cmpi ne, %select_n3A_1431, %ne3A_1442 : vector<16xi32>
    %and3A_1444 = arith.andi %ne3A_1440, %ne3A_1443 : vector<16xi1>
    %jit3A_1445 = arith.constant -1 : i32
    %broadcast_in_dim3A_1446 = vector.broadcast %jit3A_1445 : i32 to vector<16xi32>
    %select_n3A_1447 = arith.select %and3A_1444, %select_n3A_1431, %broadcast_in_dim3A_1446 : vector<16xi1>, vector<16xi32>
    %swap3A_1448 = arith.constant 32 : index
    %swap3A_1449 = tpu.vector_load %arg9[%swap3A_1448] {strides = array<i32>} : memref<48xi32, #tpu.memory_space<vmem>>, vector<16xi32>,
    tpu.vector_store %arg9[%swap3A_1448], %select_n3A_1447 {strides = array<i32>} : memref<48xi32, #tpu.memory_space<vmem>>, vector<16xi32>,
    %mul3A_1450 = arith.constant 48 : i32
    %mul3A_1451 = arith.muli %add3A, %mul3A_1450 : i32
    "tpu.region"() ({
      %run_scoped3A = tpu.sem_alloc : memref<!tpu.dma_semaphore, #tpu.memory_space<semaphore_mem>>
      %dma_start3A_1452 = tpu.memref_slice %arg3[%mul3A_1451] : memref<1536xi32, #tpu.memory_space<hbm>> -> memref<48xi32, #tpu.memory_space<hbm>>
      %dma_start3A_1453 = tpu.memref_slice %arg3[%mul3A_1451] : memref<1536xi32, #tpu.memory_space<hbm>> -> memref<48xi32, #tpu.memory_space<hbm>>
      tpu.enqueue_dma source(%arg9 : memref<48xi32, #tpu.memory_space<vmem>>) target(%dma_start3A_1453 : memref<48xi32, #tpu.memory_space<hbm>>) target_semaphore(%run_scoped3A : memref<!tpu.dma_semaphore, #tpu.memory_space<semaphore_mem>>)
      %dma_wait3A_1454 = tpu.memref_slice %arg3[%mul3A_1451] : memref<1536xi32, #tpu.memory_space<hbm>> -> memref<48xi32, #tpu.memory_space<hbm>>
      %dma_wait3A_1455 = tpu.memref_slice %arg3[%mul3A_1451] : memref<1536xi32, #tpu.memory_space<hbm>> -> memref<48xi32, #tpu.memory_space<hbm>>
      tpu.wait_dma2 semaphore(%run_scoped3A : memref<!tpu.dma_semaphore, #tpu.memory_space<semaphore_mem>>) src(%arg9 : memref<48xi32, #tpu.memory_space<vmem>>) dst(%dma_wait3A_1455 : memref<48xi32, #tpu.memory_space<hbm>>)
      tpu.yield
    }) : () -> ()
    return
  }
}

module attributes {stable_mosaic.version = 14 : i64} {
  func.func @_tc_body(%arg0: i32, %arg1: memref<512x1024xf32, #tpu.memory_space<vmem>>, %arg2: memref<512xi32, #tpu.memory_space<vmem>>, %arg3: memref<1xi32, #tpu.memory_space<smem>>) attributes {dimension_semantics = [#tpu.dimension_semantics<arbitrary>], iteration_bounds = array<i64: 5>, scalar_prefetch = 0 : i64, scratch_operands = 1 : i64, tpu.core_type = #tpu.core_type<tc>, window_params = [{transform_indices = @transform_0, window_bounds = array<i64: 512, 1024>}, {transform_indices = @transform_1, window_bounds = array<i64: 512>}]} {
    %eq3A = arith.constant 0 : i32
    %eq3A_0 = arith.cmpi eq, %arg0, %eq3A : i32
    %convert_element_type3A = arith.extui %eq3A_0 : i1 to i32
    %cond3A = arith.constant 0 : i32
    %cond3A_1 = arith.cmpi ne, %convert_element_type3A, %cond3A : i32
    scf.if %cond3A_1 {
      %swap3A_22 = arith.constant -1 : i32
      %swap3A_23 = arith.constant 0 : index
      %swap3A_24 = memref.load %arg3[%swap3A_23] : memref<1xi32, #tpu.memory_space<smem>>
      memref.store %swap3A_22, %arg3[%swap3A_23] : memref<1xi32, #tpu.memory_space<smem>>
    } else {
    }
    %get3A = arith.constant 0 : index
    %get3A_2 = arith.constant 0 : index
    %get3A_3 = vector.load %arg1[%get3A, %get3A_2] : memref<512x1024xf32, #tpu.memory_space<vmem>>, vector<512x1024xf32>
    %reduce_max3A = arith.constant dense<0xFF800000> : vector<512xf32>
    %reduce_max3A_4 = vector.multi_reduction <maximumf>, %get3A_3, %reduce_max3A [1] : vector<512x1024xf32> to vector<512xf32>
    %broadcast_in_dim3A = vector.shape_cast %reduce_max3A_4 : vector<512xf32> to vector<512x1xf32>
    %iota3A = tpu.iota {dimensions = array<i32: 1>} : vector<512x1024xi32>
    %eq3A_5 = vector.broadcast %broadcast_in_dim3A : vector<512x1xf32> to vector<512x1024xf32>
    %eq3A_6 = arith.cmpf oeq, %get3A_3, %eq3A_5 : vector<512x1024xf32>
    %jit3A = arith.constant 1073741824 : i32
    %broadcast_in_dim3A_7 = vector.broadcast %jit3A : i32 to vector<512x1024xi32>
    %select_n3A = arith.select %eq3A_6, %iota3A, %broadcast_in_dim3A_7 : vector<512x1024xi1>, vector<512x1024xi32>
    %reduce_min3A = arith.constant dense<2147483647> : vector<512xi32>
    %reduce_min3A_8 = vector.multi_reduction <minsi>, %select_n3A, %reduce_min3A [1] : vector<512x1024xi32> to vector<512xi32>
    %get3A_9 = arith.constant 0 : index
    %get3A_10 = memref.load %arg3[%get3A_9] : memref<1xi32, #tpu.memory_space<smem>>
    %broadcast_in_dim3A_11 = vector.broadcast %get3A_10 : i32 to vector<1xi32>
    %slice3A = vector.extract_strided_slice %reduce_min3A_8 {offsets = [0], sizes = [511], strides = [1]} : vector<512xi32> to vector<511xi32>
    %concatenate3A = tpu.concatenate %broadcast_in_dim3A_11, %slice3A in 0 : vector<1xi32>, vector<511xi32> -> vector<512xi32>
    %ne3A = arith.cmpi ne, %reduce_min3A_8, %concatenate3A : vector<512xi32>
    %ne3A_12 = arith.constant 0 : i32
    %ne3A_13 = vector.broadcast %ne3A_12 : i32 to vector<512xi32>
    %ne3A_14 = arith.cmpi ne, %reduce_min3A_8, %ne3A_13 : vector<512xi32>
    %and3A = arith.andi %ne3A, %ne3A_14 : vector<512xi1>
    %jit3A_15 = arith.constant -1 : i32
    %broadcast_in_dim3A_16 = vector.broadcast %jit3A_15 : i32 to vector<512xi32>
    %select_n3A_17 = arith.select %and3A, %reduce_min3A_8, %broadcast_in_dim3A_16 : vector<512xi1>, vector<512xi32>
    %swap3A = arith.constant 0 : index
    %swap3A_18 = vector.load %arg2[%swap3A] : memref<512xi32, #tpu.memory_space<vmem>>, vector<512xi32>
    tpu.vector_store %arg2[%swap3A], %select_n3A_17 {strides = array<i32>} : memref<512xi32, #tpu.memory_space<vmem>>, vector<512xi32>,
    %slice3A_19 = vector.extract_strided_slice %reduce_min3A_8 {offsets = [511], sizes = [1], strides = [1]} : vector<512xi32> to vector<1xi32>
    %squeeze3A = vector.extract %slice3A_19[0] : i32 from vector<1xi32>
    %swap3A_20 = arith.constant 0 : index
    %swap3A_21 = memref.load %arg3[%swap3A_20] : memref<1xi32, #tpu.memory_space<smem>>
    memref.store %squeeze3A, %arg3[%swap3A_20] : memref<1xi32, #tpu.memory_space<smem>>
    return
  }
  func.func @transform_0(%arg0: i32) -> (i32, i32) {
    %c0_i32 = arith.constant 0 : i32
    %c0_i32_0 = arith.constant 0 : i32
    return %arg0, %c0_i32 : i32, i32
  }
  func.func @transform_1(%arg0: i32) -> i32 {
    %c0_i32 = arith.constant 0 : i32
    return %arg0 : i32
  }
}

</mosaic_0001>

<sc_bundles>
// kernel: kernel.4.cloned.1.call-start
scs
__scs_entry_jumppad:
0x0: {  	(pc) =	sbr.rel $0x88, $3  }
0x1: {  	(tag) =	ssettag $0x0;
	lr =	simm.s32 $0x1  }
0x2: {  	[smem:$0x3FA0] =	sst lr;
	_ =	strace $0xD0000000  }
0x3: {  	_ = 	snop  }
0x4: {  	_ = 	snop  }
0x5: {  	_ = 	snop  }
0x6: {  	_ = 	snop  }
0x7: {  	_ = 	snop  }
__scs_overlays_trampoline_lowered:
0x8: {  	[smem:$0x3FAF] =	sst s0  }
0x9: {  	[smem:$0x3FB0] =	sst s1  }
0xa: {  	[smem:$0x3FB1] =	sst s2  }
0xb: {  	[smem:$0x3FB2] =	sst s3  }
0xc: {  	[smem:$0x3FB3] =	sst s4  }
0xd: {  	[smem:$0x3FB4] =	sst s5  }
0xe: {  	[smem:$0x3FB5] =	sst s6  }
0xf: {  	[smem:$0x3FB6] =	sst s7  }
0x10: {  	[smem:$0x3FB7] =	sst s8  }
0x11: {  	[smem:$0x3FB8] =	sst s9;
	s0 =	simm.s32 @!p0 $0x0  }
0x12: {  	s1 =	sld [smem:$0x3F9E];
	s0 =	simm.s32 @p0 $0x1  }
0x13: {  	[smem:$0x3FB9] =	sst s0;
	s0 =	simm.s32 @!p1 $0x0  }
0x14: {  	s2 =	sld [smem:$0x3F9D];
	s0 =	simm.s32 @p1 $0x1  }
0x15: {  	[smem:$0x3FBA] =	sst s0;
	s0 =	simm.s32 @!p2 $0x0  }
0x16: {  	s3 =	sld [smem:$0x3FDB];
	s0 =	simm.s32 @p2 $0x1  }
0x17: {  	s4 =	simm.s32 $0x1BF5;
	[smem:$0x3FBC] =	sst s0  }
0x18: {  	s0 =	sld [smem:$0x3F9F];
	_ =	swait.ge [sflag:s4], $0x0  }
0x19: {  	s7 =	sld [smem:$0x3FA0]  }
0x1a: {  	s8 =	sadd.s32 $0xFFFFE003, lr  }
0x1b: {  	s9 =	sadd.s32 $0xFFFFFEF7, lr;
	s5 =	simm.s32 $0xFFFFFFFF;
	p2 =	slt.u32 s8, $0xFFFFF086  }
0x1c: {  	p1 =	slt.u32 s9, $0xF7A;
	s5 =	simm.s32 @!p2 $0x0  }
0x1d: {  	s5 =	simm.s32 @p1 $0x1;
	p0 =	seq.s32 s7, s2  }
0x1e: {  	s7 =	smul.u32 @!p0 $0xF7A, s2;
	p2 =	seq.s32 @!p0 s5, $0x0  }
0x1f: {  	s9 =	smul.u32 $0xF7A, s1;
	s8 =	simm.s32 @!p0 $0x1BF5;
	p2 =	por !p2, p0  }
0x20: {  	[sflag:s8] =	ssyncset.s32 @!p0 $0xFFFFF086;
	s6 =	sadd.s32 @!p0 s3, s7;
	s7 =	simm.s32 @!p0 $0x108  }
0x21: {  	s3 =	sadd.s32 s3, s9;
	s6 =	sadd.s32 @!p0 $0x88, s6;
	s7 =	simm.s32 @p2 $0x1082  }
0x22: {  	[simem:s7], [sflag:s8] =	dma.local @!p0 [hbm:s6], $0xF7A  }
0x23: {  	s9 =	sor.u32 $0xD0000000, s2;
	s6 =	simm.s32 $0x108;
	_ =	swait.ge @!p0 [sflag:s8], $0x0  }
0x24: {  	s3 =	sadd.s32 $0x88, s3;
	s6 =	simm.s32 @!p1 $0x1082;
	[sflag:s4] =	ssyncset.s32 $0xFFFFF086  }
0x25: {  	[simem:s6], [sflag:s4] =	dma.local [hbm:s3], $0xF7A  }
0x26: {  	[smem:$0x3FA0] =	sst s1;
	(tag) =	ssettag s2;
	_ =	strace s9  }
0x27: {  	s1 =	sld [smem:$0x3FB0]  }
0x28: {  	s2 =	sld [smem:$0x3FB1]  }
0x29: {  	s4 =	sld [smem:$0x3FB3]  }
0x2a: {  	p0 =	seq.s32 s5, $0x0;
	s5 =	sld [smem:$0x3FB4]  }
0x2b: {  	s6 =	sld [smem:$0x3FB5]  }
0x2c: {  	s7 =	sld [smem:$0x3FB6]  }
0x2d: {  	s3 =	simm.s32 $0x108;
	s8 =	sld [smem:$0x3FB7]  }
0x2e: {  	s3 =	simm.s32 @!p0 $0x1082;
	s9 =	sld [smem:$0x3FB8]  }
0x2f: {  	lr =	sadd.s32 s0, s3;
	s0 =	sld [smem:$0x3FAF]  }
0x30: {  	s3 =	sld [smem:$0x3FB2]  }
0x31: {  	[smem:$0x3FBB] =	sst s10  }
0x32: {  	s10 =	sld [smem:$0x3FB9];
	_ =	sdelay $0x3  }
0x33: {  	p0 =	seq.s32 s10, $0x1;
	s10 =	sld [smem:$0x3FBB];
	_ =	sdelay $0x3  }
0x34: {  	[smem:$0x3FBB] =	sst s10  }
0x35: {  	s10 =	sld [smem:$0x3FBA];
	_ =	sdelay $0x3  }
0x36: {  	p1 =	seq.s32 s10, $0x1;
	s10 =	sld [smem:$0x3FBB];
	_ =	sdelay $0x3  }
0x37: {  	[smem:$0x3FBB] =	sst s10  }
0x38: {  	s10 =	sld [smem:$0x3FBC]  }
0x39: {  	_ = 	snop;
	(pc) =	sbr.ind lr, $3  }
0x3a: {  	_ = 	snop  }
0x3b: {  	_ = 	snop  }
0x3c: {  	p2 =	seq.s32 s10, $0x1;
	s10 =	sld [smem:$0x3FBB]  }
0x3d: {  	_ =	shalt  }
0x3e: {  	_ =	shalt  }
0x3f: {  	_ =	shalt  }
0x40: {  	_ =	shalt  }
0x41: {  	_ =	shalt  }
0x42: {  	_ =	shalt  }
0x43: {  	_ =	shalt  }
0x44: {  	_ =	shalt  }
0x45: {  	_ =	shalt  }
0x46: {  	_ =	shalt  }
0x47: {  	_ =	shalt  }
0x48: {  	_ =	shalt  }
0x49: {  	_ =	shalt  }
0x4a: {  	_ =	shalt  }
0x4b: {  	_ =	shalt  }
0x4c: {  	_ =	shalt  }
0x4d: {  	_ =	shalt  }
0x4e: {  	_ =	shalt  }
0x4f: {  	_ =	shalt  }
0x50: {  	_ =	shalt  }
0x51: {  	_ =	shalt  }
0x52: {  	_ =	shalt  }
0x53: {  	_ =	shalt  }
0x54: {  	_ =	shalt  }
0x55: {  	_ =	shalt  }
0x56: {  	_ =	shalt  }
0x57: {  	_ =	shalt  }
0x58: {  	_ =	shalt  }
0x59: {  	_ =	shalt  }
0x5a: {  	_ =	shalt  }
0x5b: {  	_ =	shalt  }
0x5c: {  	_ =	shalt  }
0x5d: {  	_ =	shalt  }
0x5e: {  	_ =	shalt  }
0x5f: {  	_ =	shalt  }
0x60: {  	_ =	shalt  }
0x61: {  	_ =	shalt  }
0x62: {  	_ =	shalt  }
0x63: {  	_ =	shalt  }
0x64: {  	_ =	shalt  }
0x65: {  	_ =	shalt  }
0x66: {  	_ =	shalt  }
0x67: {  	_ =	shalt  }
0x68: {  	_ =	shalt  }
0x69: {  	_ =	shalt  }
0x6a: {  	_ =	shalt  }
0x6b: {  	_ =	shalt  }
0x6c: {  	_ =	shalt  }
0x6d: {  	_ =	shalt  }
0x6e: {  	_ =	shalt  }
0x6f: {  	_ =	shalt  }
0x70: {  	_ =	shalt  }
0x71: {  	_ =	shalt  }
0x72: {  	_ =	shalt  }
0x73: {  	_ =	shalt  }
0x74: {  	_ =	shalt  }
0x75: {  	_ =	shalt  }
0x76: {  	_ =	shalt  }
0x77: {  	_ =	shalt  }
0x78: {  	_ =	shalt  }
0x79: {  	_ =	shalt  }
0x7a: {  	_ =	shalt  }
0x7b: {  	_ =	shalt  }
0x7c: {  	_ =	shalt  }
0x7d: {  	_ =	shalt  }
0x7e: {  	_ =	shalt  }
0x7f: {  	_ =	shalt  }
0x80: {  	_ =	shalt  }
0x81: {  	_ =	shalt  }
0x82: {  	_ =	shalt  }
0x83: {  	_ =	shalt  }
0x84: {  	_ =	shalt  }
0x85: {  	_ =	shalt  }
0x86: {  	_ =	shalt  }
0x87: {  	_ =	shalt  }
.Lfunc_end0:
.L_simem_size_0:
called_computation_lowered:
.L_overlay_start_0:
0x88: {  	s2 =	sld [smem:$0x3FD9]  }
0x89: {  	s3 =	sld [smem:$0x3FFE];
	_ =	sdelay $0x1  }
0x8a: {  	s1 =	srdreg.scid  }
0x8b: {  	s0 =	sand.u32 $0x1, s1  }
0x8c: {  	s17 =	sshll.u32 s0, $0xA;
	s2 =	sadd.s32 s3, s2  }
0x8d: {  	s2 =	sadd.s32 s2, s17  }
0x8e: {  	[smem:$0x3FC7] =	sst s2  }
0x8f: {  	_ = 	snop  }
0x90: {  	s2 =	sld [smem:$0x3FC9];
	(tm) =	ssettm $0x1  }
0x91: {  	s18 =	sld [smem:$0x3FFB];
	_ =	sdelay $0x3  }
0x92: {  	_ =	strace s18  }
0x93: {  	s3 =	sld [smem:$0x3FFC];
	_ =	sdelay $0x3  }
0x94: {  	_ =	strace s3  }
0x95: {  	s3 =	sld [smem:$0x3FFD];
	_ =	sdelay $0x3  }
0x96: {  	_ =	strace s3  }
0x97: {  	_ =	strace $0x8FFFFFFF  }
0x98: {  	s19 =	sld [smem:$0x3FDB];
	_ =	sdelay $0x1  }
0x99: {  	s4 =	simm.s32 $_scs_section_size  }
0x9a: {  	s5 =	simm.s32 $_size__tile_overlayer_lowered;
	s6 =	simm.s32 $_tile_overlayer_lowered  }
0x9b: {  	s22 =	simm.s32 $0x1BFF;
	s21 =	sshll.u32 s6, $0x1;
	s3 =	sadd.s32 s4, s19  }
0x9c: {  	s7 =	simm.s32 $0x0;
	s20 =	sshll.u32 s5, $0x1;
	s5 =	sadd.s32 s21, s3  }
0x9d: {  	[timem:s7], [sflag:s22] =	dma.local [hbm:s5], s20  }
0x9e: {  	_ =	swait.ge [sflag:s22], s20  }
0x9f: {  	s4 =	ssub.s32 $0x0, s20;
	[sflag:s22] =	ssyncset.done $0x0  }
0xa0: {  	[sflag:s22] =	ssyncadd.s32 s4;
	_ =	sdelay $0x1  }
0xa1: {  	s23 =	simm.s32 $0x1B8B  }
0xa2: {  	_ =	swait.ge [sflag:s23], $0x1  }
0xa3: {  	[sflag:s23] =	ssyncset.done $0x0  }
0xa4: {  	s25 =	simm.s32 $0x1B8E;
	s24 =	sld [smem:$0x3FFE];
	[sflag:s23] =	ssyncadd.s32 $0xFFFFFFFF  }
0xa5: {  	s26 =	simm.s32 $execute0_lowered;
	[smem:$0x3FD2] =	sst s25  }
0xa6: {  	s5 =	sshll.u32 s26, $0x1;
	_ =	strace $0x80000046;
	[dreg:$0x1] =	wrdreg $0xFFFFFFFF  }
0xa7: {  	s28 =	simm.s32 $_size_execute0_lowered;
	s3 =	sadd.s32 s3, s5;
	[dreg:$0x0] =	wrdreg $0x0  }
0xa8: {  	s5 =	sshll.u32 s28, $0x1;
	[dreg:$0x2] =	wrdreg s3  }
0xa9: {  	[dreg:$0x3] =	wrdreg s5  }
0xaa: {  	[dreg:$0x4] =	wrdreg $0xC0  }
0xab: {  	_ =	task [dreg:s7], $0x5FFFF  }
0xac: {  	[dreg:$0x1] =	wrdreg $0xFFFFFFFF  }
0xad: {  	[dreg:$0x0] =	wrdreg $0x60  }
0xae: {  	[dreg:$0x2] =	wrdreg s2  }
0xaf: {  	[dreg:$0x3] =	wrdreg s24  }
0xb0: {  	[dreg:$0x4] =	wrdreg $0x9  }
0xb1: {  	_ =	task.clear_ibuf [dreg:s7], $0x5FFFF;
	_ =	strace $0x90000046  }
0xb2: {  	s29 =	simm.s32 $0x9;
	_ =	strace $0x80000048  }
0xb3: {  	_ =	swait.ge [sflag:s29], $0x1  }
0xb4: {  	[sflag:s29] =	ssyncadd.s32 $0xFFFFFFFF  }
0xb5: {  	_ =	strace $0x90000048  }
0xb6: {  	_ =	sfence  }
0xb7: {  	s30 =	sld [smem:$0x0];
	_ =	sdelay $0x2  }
0xb8: {  	s31 =	sshll.u32 s1, $0xD;
	s1 =	sshrl.u32 s1, $0x2  }
0xb9: {  	s3 =	sand.u32 $0x4000, s31;
	s1 =	sadd.s32 s1, s30  }
0xba: {  	s0 =	sor.u32 s3, s0;
	s1 =	sshll.u32 s1, $0x11  }
0xbb: {  	s0 =	sor.u32 s1, s0  }
0xbc: {  	s0 =	sadd.s32 $0x8F2B, s0  }
0xbd: {  	[sflag:s0] =	ssyncadd.remote.s32 $0x1  }
0xbe: {  	_ =	sfence.sel $0xFFFF  }
0xbf: {  	[dreg:$0x0] =	wrdreg $0xFFFFFFFF;
	(pc) =	sbr.abs _section_cstart, $3  }
0xc0: {  	[dreg:$0x1] =	wrdreg $0xFFFFFFFF  }
0xc1: {  	_ =	task.clear_ibuf [dreg:s7], $0x2FFFF;
	_ =	strace $0x9FFFFFFF  }
0xc2: {  	(tm) =	ssettm $0x7FFFFFFF  }
0xc3: {  	_ =	shalt  }
tec
execute0_lowered:
.L_overlay_start_1:
0x0: {  	(tag) =	ssettag $0x1  }
0x1: {  	s1 =	srdreg.scid;
	s3 =	rddreg [dreg:$0x0]  }
0x2: {  	s0 =	stileid.u32;
	s5 =	rddreg [dreg:$0x1]  }
0x3: {  	s2 =	simm.s32 $0x0;
	s12 =	simm.s32 $0x400;
	s13 =	simm.s32 $0x1  }
0x4: {  	s14 =	simm.s32 $0x2;
	s4 =	sand.u32 $0x1, s1;
	s31 =	sshll.u32 s0, $0x1  }
0x5: {  	v1 =	vimm.s32 $0xEDCBA987;
	s15 =	simm.s32 $0x3;
	s16 =	simm.s32 $0xC400;
	s6 =	sor.u32 s4, s31  }
0x6: {  	v2 =	vimm.s32 $0x65432100;
	s17 =	simm.s32 $0x4;
	s18 =	simm.s32 $0x0;
	v1 =	vunpack.c.l.s4.s8 v1;
	s7 =	smul.u32 $0xC000, s6  }
0x7: {  	[smem:$0x7FF] =	sst s2;
	v2 =	vunpack.c.l.s4.s8 v2;
	s4 =	ssub.s32 $0x2, s4;
	s6 =	smul.u32 $0x6, s6  }
0x8: {  	v0 =	vlaneseq.u32;
	vm7 =	vcmask $0x300;
	_ =	strace $0x80000047;
	s8 =	sshrl.u32 s4, $0x1;
	v1 =	vunpack.c.0.s8.s32 v1;
	s7 =	sshrl.u32 s7, $0x3  }
0x9: {  	vm8 =	vcmask $0x704;
	vm9 =	vcmask $0xB08;
	v2 =	vunpack.c.0.s8.s32 v2;
	s8 =	ssub.s32 s4, s8;
	s9 =	sadd.s32 s6, s5;
	s7 =	sadd.s32 s3, s7  }
0xa: {  	vm10 =	vcmask $0xF0C;
	vm11 =	vcmask $0x1310;
	s8 =	smax.u32 s8, $0x1;
	v1 =	vand.u32 $0xF, v1;
	s3 =	sadd.s32 $0x50000, s7;
	s4 =	sadd.s32 $0x50800, s7  }
0xb: {  	vm12 =	vcmask $0x1714;
	vm13 =	vcmask $0x1B18;
	v1 =	vcombine.low v2, v1;
	s5 =	sadd.s32 $0x51000, s7;
	s6 =	sadd.s32 $0x4FC70, s7;
	s7 =	sadd.s32 $0x600, s9  }
.LBB2_1:
0xc: {  	[tilespmem:s2], [sflag:$0x1] =	stream.linear.gather [hbm4b:s3+s2], $0x4000, $0x38;
	[tilespmem:$0xC480] =	vst v63  }
0xd: {  	s0 =	simm.s32 $0x4000  }
0xe: {  	[tilespmem:s0], [sflag:$0x2] =	stream.linear.gather [hbm4b:s4+s2], $0x4000, $0x38;
	[tilespmem:$0xC480] =	vst v63  }
0xf: {  	s30 =	simm.s32 $0x8000  }
0x10: {  	[tilespmem:s30], [sflag:$0x3] =	stream.linear.gather [hbm4b:s5+s2], $0x4000, $0x38;
	[tilespmem:$0xC480] =	vst v63  }
0x11: {  	s19 =	simm.s32 $0xC000;
	s31 =	simm.s32 $0x80  }
0x12: {  	[tilespmem:s19], [sflag:$0x1] =	stream.strided.gather [hbm4b:s6+s31], $0x400, s12, s31, $0x38;
	[tilespmem:$0xC480] =	vst v63  }
0x13: {  	_ =	swait.ge [sflag:s13], $0x400  }
0x14: {  	[sflag:s13] =	ssyncset.done $0x0  }
0x15: {  	[sflag:s13] =	ssyncadd.s32 $0xFFFFFC00  }
0x16: {  	_ =	swait.ge [sflag:s13], $0x4000  }
0x17: {  	[sflag:s13] =	ssyncset.done $0x0  }
0x18: {  	s20 =	sand.u32 $0x70, s2;
	s21 =	sand.u32 $0x1C00, s2;
	[sflag:s13] =	ssyncadd.s32 $0xFFFFC000  }
0x19: {  	s20 =	sor.u32 s20, s21;
	v9 =	vld [tilespmem:s19+$0x0]  }
0x1a: {  	v4 =	vld [tilespmem:s20+$0x0]  }
0x1b: {  	v5 =	vld [tilespmem:s20+$0x80]  }
0x1c: {  	v8 =	vld [tilespmem:s20+$0x100]  }
0x1d: {  	v10 =	vld [tilespmem:s20+$0x180]  }
0x1e: {  	v12 =	vld [tilespmem:s20+$0x200]  }
0x1f: {  	vm14 =	vmmov vm13;
	vm13 =	vmmov vm12;
	vm12 =	vmmov vm11;
	v13 =	vld [tilespmem:s20+$0x280]  }
0x20: {  	vm11 =	vmmov vm10;
	vm10 =	vmmov vm9;
	vm9 =	vmmov vm8;
	v14 =	vld [tilespmem:s20+$0x300]  }
0x21: {  	vm8 =	vmmov vm7;
	v3 =	vimm.f32 $-Inf;
	v2 =	vimm.s32 $0x0;
	s21 =	simm.s32 $0x10;
	v15 =	vld [tilespmem:s20+$0x380];
	s19 =	simm.s32 $0x80  }
0x22: {  	v25 =	vimm.s32 $0x0;
	v26 =	vimm.s32 $0x0;
	v23 =	vimm.s32 $0x0;
	s22 =	sand.u32 $0x70, s21;
	s23 =	sand.u32 $0x1C00, s19  }
0x23: {  	v27 =	vimm.s32 $0x0;
	v28 =	vimm.s32 $0x0;
	v24 =	vimm.s32 $0x0;
	s22 =	sor.u32 s22, s23  }
0x24: {  	v17 =	vld [tilespmem:s22+$0x0];
	vm6 =	vgt.f32 v4, v3;
	vm7 =	vgt.f32 v5, v3;
	vm15 =	vgt.f32 v8, v3  }
0x25: {  	v18 =	vld [tilespmem:s22+$0x80];
	vm1 =	vgt.f32 v10, v3;
	vm2 =	vgt.f32 v12, v3;
	vm0 =	vgt.f32 v13, v3  }
0x26: {  	v20 =	vld [tilespmem:s22+$0x100];
	vm4 =	vgt.f32 v14, v3;
	vm5 =	vgt.f32 v15, v3;
	vm3 =	vgt.f32 v9, v3  }
0x27: {  	v19 =	vld [tilespmem:s22+$0x180];
	v6 =	vsel vm6, v4, v3;
	v7 =	vsel vm7, v5, v3;
	v5 =	vsel vm15, v8, v3  }
0x28: {  	v21 =	vld [tilespmem:s22+$0x200];
	v11 =	vsel vm1, v10, v3;
	v12 =	vsel vm2, v12, v3;
	v8 =	vsel vm0, v13, v3  }
0x29: {  	s20 =	simm.s32 $0xC010;
	v22 =	vld [tilespmem:s22+$0x280];
	v13 =	vsel vm4, v14, v3;
	v14 =	vsel vm5, v15, v3;
	v9 =	vsel vm3, v9, v3  }
0x2a: {  	s24 =	simm.s32 $0x20;
	s23 =	simm.s32 $0x0;
	v4 =	vld [tilespmem:s20+$0x0];
	v15 =	vsel vm6, s2, v2;
	v16 =	vsel vm7, s2, v2;
	v10 =	vsel vm15, s2, v2  }
.LBB2_2:
0x2b: {  	p0 =	sne.s32 s24, $0x3F0;
	v29 =	vld [tilespmem:s22+$0x300];
	s19 =	sadd.s32 $0x80, s19;
	v25 =	vsel vm1, s23, v25;
	v26 =	vsel vm2, s23, v26;
	v23 =	vsel vm0, s23, v23  }
0x2c: {  	s25 =	sand.u32 $0x70, s24;
	s20 =	sadd.s32 $0x10, s20;
	v27 =	vsel vm4, s23, v27;
	v28 =	vsel vm5, s23, v28;
	v24 =	vsel vm3, s23, v24;
	s26 =	sand.u32 $0x1C00, s19;
	v30 =	vld [tilespmem:s22+$0x380]  }
0x2d: {  	vm15 =	vgt.f32 v17, v6;
	vm6 =	vgt.f32 v18, v7;
	s23 =	smov.u32 s21;
	s21 =	smov.u32 s24;
	vm7 =	vgt.f32 v20, v5;
	s22 =	sor.u32 s25, s26;
	v31 =	vld [tilespmem:s20+$0x0]  }
0x2e: {  	v6 =	vsel vm15, v17, v6;
	v7 =	vsel vm6, v18, v7;
	v5 =	vsel vm7, v20, v5;
	v17 =	vld [tilespmem:s22+$0x0]  }
.Ltmp0:
0x2f: {  	vm1 =	vgt.f32 v19, v11;
	vm2 =	vgt.f32 v21, v12;
	v18 =	vld [tilespmem:s22+$0x80];
	vm0 =	vgt.f32 v22, v8;
	(pc) =	sbr.rel @p0 .LBB2_2-.Ltmp0, $4  }
0x30: {  	v11 =	vsel vm1, v19, v11;
	v12 =	vsel vm2, v21, v12;
	v20 =	vld [tilespmem:s22+$0x100];
	v8 =	vsel vm0, v22, v8  }
0x31: {  	vm3 =	vgt.f32 v4, v9;
	vm4 =	vgt.f32 v29, v13;
	v19 =	vld [tilespmem:s22+$0x180];
	vm5 =	vgt.f32 v30, v14  }
0x32: {  	v9 =	vsel vm3, v4, v9;
	v13 =	vsel vm4, v29, v13;
	v21 =	vld [tilespmem:s22+$0x200];
	v14 =	vsel vm5, v30, v14;
	v4 =	vmovc v31  }
0x33: {  	s24 =	sadd.s32 $0x10, s24;
	v15 =	vsel vm15, s23, v15;
	v16 =	vsel vm6, s23, v16;
	v10 =	vsel vm7, s23, v10;
	v22 =	vld [tilespmem:s22+$0x280]  }
0x34: {  	v32 =	vsel vm1, s23, v25;
	v26 =	vsel vm2, s23, v26  }
0x35: {  	s19 =	simm.s32 $0x0;
	v35 =	vsel vm0, s23, v23;
	v27 =	vsel vm4, s23, v27;
	v37 =	vsel vm5, s23, v28  }
0x36: {  	v29 =	vld [tilespmem:s22+$0x300];
	v24 =	vsel vm3, s23, v24;
	vm0 =	vgt.f32 v17, v6;
	vm1 =	vgt.f32 v18, v7;
	s20 =	sand.u32 $0x70, s19;
	s28 =	sand.u32 $0x1C00, s19  }
0x37: {  	v36 =	vld [tilespmem:s22+$0x380];
	vm15 =	vgt.f32 v4, v9;
	vm2 =	vgt.f32 v20, v5;
	v23 =	vsel vm0, v17, v6;
	s22 =	sor.u32 s20, s28  }
0x38: {  	v30 =	vsel vm1, v18, v7;
	v17 =	vsel vm15, v4, v9;
	v41 =	vsel vm0, s21, v15;
	v6 =	vld [tilespmem:s22+$0x2000]  }
0x39: {  	v40 =	vsel vm1, s21, v16;
	v24 =	vsel vm15, s21, v24;
	v33 =	vsel vm2, v20, v5;
	v5 =	vld [tilespmem:s22+$0x2080]  }
0x3a: {  	v15 =	vimm.s32 $0x0;
	vm3 =	vgt.f32 v19, v11;
	v39 =	vsel vm2, s21, v10;
	v7 =	vld [tilespmem:s22+$0x2100]  }
0x3b: {  	v20 =	vimm.s32 $0x0;
	vm4 =	vgt.f32 v21, v12;
	v34 =	vsel vm3, v19, v11;
	v11 =	vld [tilespmem:s22+$0x2200]  }
0x3c: {  	v4 =	vld [tilespmem:s22+$0x2280];
	v38 =	vsel vm3, s21, v32;
	vm5 =	vgt.f32 v22, v8;
	v31 =	vsel vm4, v21, v12  }
0x3d: {  	v10 =	vld [tilespmem:s22+$0x2300];
	v28 =	vsel vm5, v22, v8;
	vm6 =	vgt.f32 v29, v13;
	vm7 =	vgt.f32 v36, v14  }
0x3e: {  	s29 =	simm.s32 $0x80;
	s20 =	simm.s32 $0x10;
	v12 =	vld [tilespmem:s22+$0x2380];
	v35 =	vsel vm5, s21, v35;
	v25 =	vsel vm6, v29, v13;
	v19 =	vsel vm7, v36, v14  }
0x3f: {  	s31 =	sand.u32 $0x1C00, s29;
	s30 =	sand.u32 $0x70, s20;
	v36 =	vsel vm4, s21, v26;
	v32 =	vsel vm6, s21, v27;
	v29 =	vsel vm7, s21, v37  }
0x40: {  	v8 =	vld [tilespmem:s22+$0x2180];
	s21 =	sor.u32 s30, s31;
	vm0 =	vgt.f32 v6, v3;
	vm4 =	vgt.f32 v5, v3;
	vm5 =	vgt.f32 v7, v3  }
0x41: {  	v37 =	vld [tilespmem:s21+$0x2000];
	vm2 =	vgt.f32 v11, v3;
	vm1 =	vgt.f32 v4, v3;
	v27 =	vsel vm0, v6, v3  }
0x42: {  	v21 =	vld [tilespmem:s21+$0x2080];
	v22 =	vsel vm0, s19, v2;
	v18 =	vsel vm4, v5, v3;
	v16 =	vsel vm5, v7, v3  }
0x43: {  	v26 =	vld [tilespmem:s21+$0x2100];
	v9 =	vsel vm2, v11, v3;
	vm0 =	vgt.f32 v10, v3;
	vm15 =	vgt.f32 v12, v3  }
0x44: {  	v14 =	vld [tilespmem:s21+$0x2180];
	v7 =	vsel vm1, v4, v3;
	v11 =	vimm.s32 $0x0;
	v6 =	vimm.s32 $0x0  }
0x45: {  	v4 =	vimm.s32 $0x0;
	vm3 =	vgt.f32 v8, v3;
	v5 =	vsel vm0, v10, v3;
	v10 =	vld [tilespmem:s21+$0x2280]  }
0x46: {  	s23 =	simm.s32 $0x20;
	s22 =	simm.s32 $0x100;
	v13 =	vsel vm3, v8, v3;
	v3 =	vsel vm15, v12, v3;
	v12 =	vld [tilespmem:s21+$0x2200];
	v8 =	vimm.s32 $0x0  }
.LBB2_4:
0x47: {  	s24 =	sand.u32 $0x70, s23;
	s25 =	sand.u32 $0x1C00, s22;
	p0 =	sne.s32 s23, $0x3F0;
	v42 =	vld [tilespmem:s21+$0x2300];
	v2 =	vsel vm4, s19, v2;
	v20 =	vsel vm5, s19, v20;
	v15 =	vsel vm3, s19, v15  }
0x48: {  	v11 =	vsel vm2, s19, v11;
	v8 =	vsel vm1, s19, v8;
	v6 =	vsel vm0, s19, v6;
	v43 =	vld [tilespmem:s21+$0x2380];
	s21 =	sor.u32 s24, s25;
	v44 =	vmovc v26  }
0x49: {  	vm0 =	vgt.f32 v37, v27;
	vm4 =	vgt.f32 v21, v18;
	v4 =	vsel vm15, s19, v4;
	s19 =	smov.u32 s20;
	s20 =	smov.u32 s23;
	v45 =	vld [tilespmem:s21+$0x2000]  }
.Ltmp1:
0x4a: {  	v27 =	vsel vm0, v37, v27;
	v22 =	vsel vm0, s19, v22;
	v18 =	vsel vm4, v21, v18;
	v21 =	vld [tilespmem:s21+$0x2080];
	(pc) =	sbr.rel @p0 .LBB2_4-.Ltmp1, $4  }
0x4b: {  	vm5 =	vgt.f32 v44, v16;
	vm3 =	vgt.f32 v14, v13;
	vm2 =	vgt.f32 v12, v9;
	v26 =	vld [tilespmem:s21+$0x2100]  }
0x4c: {  	v16 =	vsel vm5, v44, v16;
	v13 =	vsel vm3, v14, v13;
	v9 =	vsel vm2, v12, v9;
	v14 =	vld [tilespmem:s21+$0x2180]  }
0x4d: {  	vm1 =	vgt.f32 v10, v7;
	vm0 =	vgt.f32 v42, v5;
	v12 =	vld [tilespmem:s21+$0x2200];
	vm15 =	vgt.f32 v43, v3  }
0x4e: {  	s22 =	sadd.s32 $0x80, s22;
	s23 =	sadd.s32 $0x10, s23;
	v7 =	vsel vm1, v10, v7;
	v5 =	vsel vm0, v42, v5;
	v10 =	vld [tilespmem:s21+$0x2280];
	v3 =	vsel vm15, v43, v3;
	v37 =	vmovc v45  }
0x4f: {  	(xrf0) =	vmax.scan.msk.f32 $0xffff, v23;
	_ =	sdelay $0x5  }
0x50: {  	v42, _, _ =	vpop (xrf0)  }
0x51: {  	v42 =	vbroadcast v42, $0xF  }
0x52: {  	v41 =	vadd.s32 v0, v41  }
0x53: {  	vm6 =	veq.f32 v23, v42;
	v23 =	vxor.u32 $0x80000000, v41  }
0x54: {  	v23 =	vnsel vm6, $0xC0000000, v23  }
0x55: {  	(xrf0) =	vmin.scan.msk.u32 $0xffff, v23  }
0x56: {  	(xrf0) =	vmax.scan.msk.f32 $0xffff, v30;
	_ =	sdelay $0x4  }
0x57: {  	v23, _, _ =	vpop (xrf0)  }
0x58: {  	v51, _, _ =	vpop (xrf0)  }
0x59: {  	v41 =	vbroadcast v51, $0xF  }
0x5a: {  	v40 =	vadd.s32 v0, v40  }
0x5b: {  	v52 =	vxor.u32 $0x80000000, v40;
	vm6 =	veq.f32 v30, v41  }
0x5c: {  	v30 =	vnsel vm6, $0xC0000000, v52  }
0x5d: {  	(xrf0) =	vmin.scan.msk.u32 $0xffff, v30  }
0x5e: {  	(xrf0) =	vmax.scan.msk.f32 $0xffff, v33;
	_ =	sdelay $0x4  }
0x5f: {  	v30, _, _ =	vpop (xrf0)  }
0x60: {  	v53, _, _ =	vpop (xrf0)  }
0x61: {  	v40 =	vbroadcast v53, $0xF  }
0x62: {  	v39 =	vadd.s32 v0, v39  }
0x63: {  	v54 =	vxor.u32 $0x80000000, v39;
	vm6 =	veq.f32 v33, v40  }
0x64: {  	v33 =	vnsel vm6, $0xC0000000, v54  }
0x65: {  	(xrf0) =	vmin.scan.msk.u32 $0xffff, v33  }
0x66: {  	(xrf0) =	vmax.scan.msk.f32 $0xffff, v34;
	_ =	sdelay $0x4  }
0x67: {  	v33, _, _ =	vpop (xrf0)  }
0x68: {  	v55, _, _ =	vpop (xrf0)  }
0x69: {  	v39 =	vbroadcast v55, $0xF  }
0x6a: {  	v38 =	vadd.s32 v0, v38  }
0x6b: {  	v56 =	vxor.u32 $0x80000000, v38;
	vm6 =	veq.f32 v34, v39  }
0x6c: {  	v34 =	vnsel vm6, $0xC0000000, v56  }
0x6d: {  	(xrf0) =	vmin.scan.msk.u32 $0xffff, v34  }
0x6e: {  	(xrf0) =	vmax.scan.msk.f32 $0xffff, v31;
	_ =	sdelay $0x4  }
0x6f: {  	v34, _, _ =	vpop (xrf0)  }
0x70: {  	v57, _, _ =	vpop (xrf0)  }
0x71: {  	v38 =	vbroadcast v57, $0xF  }
0x72: {  	v36 =	vadd.s32 v0, v36  }
0x73: {  	v58 =	vxor.u32 $0x80000000, v36;
	vm6 =	veq.f32 v31, v38  }
0x74: {  	v31 =	vnsel vm6, $0xC0000000, v58  }
0x75: {  	(xrf0) =	vmin.scan.msk.u32 $0xffff, v31  }
0x76: {  	(xrf0) =	vmax.scan.msk.f32 $0xffff, v28;
	_ =	sdelay $0x4  }
0x77: {  	v31, _, _ =	vpop (xrf0)  }
0x78: {  	v59, _, _ =	vpop (xrf0)  }
0x79: {  	v36 =	vbroadcast v59, $0xF  }
0x7a: {  	v35 =	vadd.s32 v0, v35  }
0x7b: {  	v60 =	vxor.u32 $0x80000000, v35;
	vm6 =	veq.f32 v28, v36  }
0x7c: {  	v28 =	vnsel vm6, $0xC0000000, v60  }
0x7d: {  	(xrf0) =	vmin.scan.msk.u32 $0xffff, v28  }
0x7e: {  	(xrf0) =	vmax.scan.msk.f32 $0xffff, v25;
	_ =	sdelay $0x4  }
0x7f: {  	v28, _, _ =	vpop (xrf0)  }
0x80: {  	v61, _, _ =	vpop (xrf0)  }
0x81: {  	v35 =	vbroadcast v61, $0xF  }
0x82: {  	v32 =	vadd.s32 v0, v32  }
0x83: {  	vm6 =	veq.f32 v25, v35;
	v25 =	vxor.u32 $0x80000000, v32  }
0x84: {  	v25 =	vnsel vm6, $0xC0000000, v25  }
0x85: {  	(xrf0) =	vmin.scan.msk.u32 $0xffff, v25  }
0x86: {  	(xrf0) =	vmax.scan.msk.f32 $0xffff, v19;
	_ =	sdelay $0x4  }
0x87: {  	v25, _, _ =	vpop (xrf0)  }
0x88: {  	v62, _, _ =	vpop (xrf0)  }
0x89: {  	v32 =	vbroadcast v62, $0xF  }
0x8a: {  	v29 =	vadd.s32 v0, v29  }
0x8b: {  	vm6 =	veq.f32 v19, v32;
	v19 =	vxor.u32 $0x80000000, v29  }
0x8c: {  	v19 =	vnsel vm6, $0xC0000000, v19  }
0x8d: {  	(xrf0) =	vmin.scan.msk.u32 $0xffff, v19  }
0x8e: {  	(xrf0) =	vmax.scan.msk.f32 $0xffff, v17;
	_ =	sdelay $0x4  }
0x8f: {  	v19, _, _ =	vpop (xrf0)  }
0x90: {  	v63, _, _ =	vpop (xrf0)  }
0x91: {  	v29 =	vbroadcast v63, $0xF  }
0x92: {  	v24 =	vadd.s32 v0, v24  }
0x93: {  	vm6 =	veq.f32 v17, v29;
	v17 =	vxor.u32 $0x80000000, v24  }
0x94: {  	v17 =	vnsel vm6, $0xC0000000, v17;
	vm6 =	vgt.f32 v37, v27  }
0x95: {  	v24 =	vsel vm6, v37, v27;
	(xrf0) =	vmin.scan.msk.u32 $0xffff, v17  }
0x96: {  	(xrf0) =	vmax.scan.msk.f32 $0xffff, v24;
	_ =	sdelay $0x4  }
0x97: {  	v17, _, _ =	vpop (xrf0)  }
0x98: {  	v27, _, _ =	vpop (xrf0)  }
0x99: {  	v22 =	vsel vm6, s20, v22;
	v27 =	vbroadcast v27, $0xF  }
0x9a: {  	v22 =	vadd.s32 v0, v22  }
0x9b: {  	v22 =	vxor.u32 $0x80000000, v22;
	vm6 =	veq.f32 v24, v27  }
0x9c: {  	v22 =	vnsel vm6, $0xC0000000, v22;
	vm6 =	vgt.f32 v21, v18  }
0x9d: {  	v18 =	vsel vm6, v21, v18;
	(xrf0) =	vmin.scan.msk.u32 $0xffff, v22  }
0x9e: {  	(xrf0) =	vmax.scan.msk.f32 $0xffff, v18;
	_ =	sdelay $0x4  }
0x9f: {  	v21, _, _ =	vpop (xrf0)  }
0xa0: {  	v2 =	vsel vm4, s19, v2;
	v22, _, _ =	vpop (xrf0)  }
0xa1: {  	v2 =	vsel vm6, s20, v2;
	v22 =	vbroadcast v22, $0xF  }
0xa2: {  	v2 =	vadd.s32 v0, v2  }
0xa3: {  	v2 =	vxor.u32 $0x80000000, v2;
	vm4 =	veq.f32 v18, v22  }
0xa4: {  	v2 =	vnsel vm4, $0xC0000000, v2;
	vm4 =	vgt.f32 v26, v16  }
0xa5: {  	v16 =	vsel vm4, v26, v16;
	(xrf0) =	vmin.scan.msk.u32 $0xffff, v2  }
0xa6: {  	(xrf0) =	vmax.scan.msk.f32 $0xffff, v16;
	_ =	sdelay $0x4  }
0xa7: {  	v2, _, _ =	vpop (xrf0)  }
0xa8: {  	v18 =	vsel vm5, s19, v20;
	v20, _, _ =	vpop (xrf0)  }
0xa9: {  	v18 =	vsel vm4, s20, v18;
	v20 =	vbroadcast v20, $0xF  }
0xaa: {  	v18 =	vadd.s32 v0, v18  }
0xab: {  	vm4 =	veq.f32 v16, v20;
	v16 =	vxor.u32 $0x80000000, v18  }
0xac: {  	v16 =	vnsel vm4, $0xC0000000, v16;
	vm4 =	vgt.f32 v14, v13  }
0xad: {  	v13 =	vsel vm4, v14, v13;
	(xrf0) =	vmin.scan.msk.u32 $0xffff, v16  }
0xae: {  	(xrf0) =	vmax.scan.msk.f32 $0xffff, v13;
	_ =	sdelay $0x4  }
0xaf: {  	v14, _, _ =	vpop (xrf0)  }
0xb0: {  	v15 =	vsel vm3, s19, v15;
	v16, _, _ =	vpop (xrf0)  }
0xb1: {  	v15 =	vsel vm4, s20, v15;
	v16 =	vbroadcast v16, $0xF  }
0xb2: {  	v15 =	vadd.s32 v0, v15  }
0xb3: {  	vm3 =	veq.f32 v13, v16;
	v13 =	vxor.u32 $0x80000000, v15  }
0xb4: {  	v13 =	vnsel vm3, $0xC0000000, v13;
	vm3 =	vgt.f32 v12, v9  }
0xb5: {  	v9 =	vsel vm3, v12, v9;
	(xrf0) =	vmin.scan.msk.u32 $0xffff, v13  }
0xb6: {  	(xrf0) =	vmax.scan.msk.f32 $0xffff, v9;
	_ =	sdelay $0x4  }
0xb7: {  	v12, _, _ =	vpop (xrf0)  }
0xb8: {  	v11 =	vsel vm2, s19, v11;
	v13, _, _ =	vpop (xrf0)  }
0xb9: {  	v11 =	vsel vm3, s20, v11;
	v13 =	vbroadcast v13, $0xF  }
0xba: {  	v11 =	vadd.s32 v0, v11  }
0xbb: {  	vm2 =	veq.f32 v9, v13;
	v9 =	vxor.u32 $0x80000000, v11  }
0xbc: {  	v9 =	vnsel vm2, $0xC0000000, v9;
	vm2 =	vgt.f32 v10, v7  }
0xbd: {  	v7 =	vsel vm2, v10, v7;
	(xrf0) =	vmin.scan.msk.u32 $0xffff, v9  }
0xbe: {  	(xrf0) =	vmax.scan.msk.f32 $0xffff, v7;
	_ =	sdelay $0x4  }
0xbf: {  	v9 =	vld [tilespmem:s21+$0x2300];
	v10, _, _ =	vpop (xrf0)  }
0xc0: {  	v8 =	vsel vm1, s19, v8;
	v11, _, _ =	vpop (xrf0)  }
0xc1: {  	v8 =	vsel vm2, s20, v8;
	v11 =	vbroadcast v11, $0xF  }
0xc2: {  	v8 =	vadd.s32 v0, v8  }
0xc3: {  	vm1 =	veq.f32 v7, v11;
	v7 =	vxor.u32 $0x80000000, v8  }
0xc4: {  	v7 =	vnsel vm1, $0xC0000000, v7;
	vm1 =	vgt.f32 v9, v5  }
0xc5: {  	v5 =	vsel vm1, v9, v5;
	(xrf0) =	vmin.scan.msk.u32 $0xffff, v7  }
0xc6: {  	(xrf0) =	vmax.scan.msk.f32 $0xffff, v5;
	_ =	sdelay $0x4  }
0xc7: {  	v7 =	vld [tilespmem:s21+$0x2380];
	v8, _, _ =	vpop (xrf0)  }
0xc8: {  	v6 =	vsel vm0, s19, v6;
	v9, _, _ =	vpop (xrf0)  }
0xc9: {  	v6 =	vsel vm1, s20, v6;
	v9 =	vbroadcast v9, $0xF  }
0xca: {  	v6 =	vadd.s32 v0, v6  }
0xcb: {  	vm0 =	veq.f32 v5, v9;
	v5 =	vxor.u32 $0x80000000, v6  }
0xcc: {  	v5 =	vnsel vm0, $0xC0000000, v5;
	vm0 =	vgt.f32 v7, v3  }
0xcd: {  	v3 =	vsel vm0, v7, v3;
	(xrf0) =	vmin.scan.msk.u32 $0xffff, v5  }
0xce: {  	(xrf0) =	vmax.scan.msk.f32 $0xffff, v3;
	_ =	sdelay $0x1  }
0xcf: {  	(v2sf) =	vpush v23, $0xF  }
0xd0: {  	(v2sf) =	vpush v30, $0xF  }
0xd1: {  	(v2sf) =	vpush v33, $0xF  }
0xd2: {  	(v2sf) =	vpush v34, $0xF;
	v5, _, _ =	vpop (xrf0)  }
0xd3: {  	v4 =	vsel vm15, s19, v4;
	(v2sf) =	vpush v31, $0xF;
	v6, _, _ =	vpop (xrf0)  }
0xd4: {  	(v2sf) =	vpush v28, $0xF;
	v4 =	vsel vm0, s20, v4;
	v6 =	vbroadcast v6, $0xF  }
0xd5: {  	(v2sf) =	vpush v25, $0xF;
	v4 =	vadd.s32 v0, v4  }
0xd6: {  	(v2sf) =	vpush v19, $0xF;
	vm0 =	veq.f32 v3, v6;
	v3 =	vxor.u32 $0x80000000, v4  }
0xd7: {  	(v2sf) =	vpush v17, $0xF;
	v3 =	vnsel vm0, $0xC0000000, v3  }
0xd8: {  	(v2sf) =	vpush v21, $0xF;
	(xrf0) =	vmin.scan.msk.u32 $0xffff, v3  }
0xd9: {  	(v2sf) =	vpush v2, $0xF  }
0xda: {  	(v2sf) =	vpush v14, $0xF  }
0xdb: {  	(v2sf) =	vpush v12, $0xF  }
0xdc: {  	(v2sf) =	vpush v10, $0xF  }
0xdd: {  	(v2sf) =	vpush v8, $0xF  }
0xde: {  	s20 =	spop (v2sf);
	(v2sf) =	vpush v5, $0xF;
	v2, _, _ =	vpop (xrf0)  }
0xdf: {  	s21 =	spop (v2sf);
	(v2sf) =	vpush v2, $0xF  }
0xe0: {  	s22 =	spop (v2sf)  }
0xe1: {  	s23 =	spop (v2sf)  }
0xe2: {  	s24 =	spop (v2sf)  }
0xe3: {  	s25 =	spop (v2sf)  }
0xe4: {  	s26 =	spop (v2sf)  }
0xe5: {  	s28 =	spop (v2sf)  }
0xe6: {  	s29 =	spop (v2sf)  }
0xe7: {  	s30 =	spop (v2sf)  }
0xe8: {  	s31 =	spop (v2sf)  }
0xe9: {  	s1 =	spop (v2sf)  }
0xea: {  	s0 =	spop (v2sf)  }
0xeb: {  	s9 =	spop (v2sf)  }
0xec: {  	s10 =	spop (v2sf)  }
0xed: {  	s11 =	spop (v2sf)  }
0xee: {  	s19 =	spop (v2sf)  }
0xef: {  	s19 =	sxor.u32 $0x80000000, s19  }
0xf0: {  	s20 =	sxor.u32 $0x80000000, s20;
	v2 =	vmov s19  }
0xf1: {  	s21 =	sxor.u32 $0x80000000, s21;
	v2 =	vsel vm8, s20, v2  }
0xf2: {  	s22 =	sxor.u32 $0x80000000, s22;
	v2 =	vsel vm9, s21, v2  }
0xf3: {  	s23 =	sxor.u32 $0x80000000, s23;
	v2 =	vsel vm10, s22, v2  }
0xf4: {  	vm7 =	vmmov vm8;
	s24 =	sxor.u32 $0x80000000, s24;
	vm8 =	vmmov vm9;
	v2 =	vsel vm11, s23, v2  }
0xf5: {  	vm9 =	vmmov vm10;
	vm10 =	vmmov vm11;
	s22 =	sxor.u32 $0x80000000, s25;
	v2 =	vsel vm12, s24, v2  }
0xf6: {  	vm11 =	vmmov vm12;
	s23 =	sxor.u32 $0x80000000, s26;
	vm12 =	vmmov vm13;
	v2 =	vsel vm13, s22, v2  }
0xf7: {  	s24 =	sxor.u32 $0x80000000, s28;
	vm13 =	vmmov vm14;
	v2 =	vsel vm14, s23, v2;
	vm14 =	vcmask $0x1F1C  }
0xf8: {  	vm0 =	vcmask $0x2320;
	s25 =	sxor.u32 $0x80000000, s30;
	v2 =	vsel vm14, s24, v2  }
0xf9: {  	s26 =	sxor.u32 $0x80000000, s31;
	v2 =	vsel vm0, s25, v2;
	vm0 =	vcmask $0x2724  }
0xfa: {  	s1 =	sxor.u32 $0x80000000, s1;
	v2 =	vsel vm0, s26, v2;
	vm0 =	vcmask $0x2B28  }
0xfb: {  	s0 =	sxor.u32 $0x80000000, s0;
	v2 =	vsel vm0, s1, v2;
	vm0 =	vcmask $0x2F2C  }
0xfc: {  	s9 =	sxor.u32 $0x80000000, s9;
	v2 =	vsel vm0, s0, v2;
	vm0 =	vcmask $0x3330  }
0xfd: {  	s10 =	sxor.u32 $0x80000000, s10;
	v2 =	vsel vm0, s9, v2;
	vm0 =	vcmask $0x3734  }
0xfe: {  	s20 =	sxor.u32 $0x80000000, s11;
	v2 =	vsel vm0, s10, v2;
	vm0 =	vcmask $0x3B38  }
0xff: {  	v2 =	vsel vm0, s20, v2  }
0x100: {  	v3 =	vperm.xlane v2, v1  }
0x101: {  	s21 =	sxor.u32 $0x80000000, s29;
	vm0 =	veq.s32 v0, $0x0  }
0x102: {  	v3 =	vsel vm0, s21, v3  }
0x103: {  	vm1 =	vne.s32 v2, $0x0;
	vm0 =	vne.s32 v2, v3  }
0x104: {  	vm0 =	vmand vm1, vm0  }
0x105: {  	v2 =	vnsel vm0, $0xFFFFFFFF, v2  }
0x106: {  	[tilespmem:$0xC400] =	vst v2  }
0x107: {  	s20 =	simm.s32 $0x0;
	_ =	swait.ge [sflag:s14], $0x4000  }
0x108: {  	s22 =	sand.u32 $0x70, s20;
	s23 =	sand.u32 $0x1C00, s20;
	[sflag:s14] =	ssyncset.done $0x0  }
0x109: {  	s22 =	sor.u32 s22, s23;
	[sflag:s14] =	ssyncadd.s32 $0xFFFFC000  }
0x10a: {  	v4 =	vld [tilespmem:s22+$0x4080]  }
0x10b: {  	v16 =	vld [tilespmem:s22+$0x4000]  }
0x10c: {  	v5 =	vld [tilespmem:s22+$0x4100]  }
0x10d: {  	v6 =	vld [tilespmem:s22+$0x4180]  }
0x10e: {  	v3 =	vimm.f32 $-Inf;
	v7 =	vld [tilespmem:s22+$0x4200]  }
0x10f: {  	v25 =	vimm.s32 $0x0;
	s25 =	simm.s32 $0x80;
	s24 =	sor.u32 s20, s20;
	s21 =	simm.s32 $0x10;
	v2 =	vimm.s32 $0x0;
	v8 =	vld [tilespmem:s22+$0x4280];
	vm1 =	vgt.f32 v4, v3  }
0x110: {  	s0 =	sor.u32 $0x380, s24;
	s24 =	sand.u32 $0x1C00, s25;
	s23 =	sand.u32 $0x70, s21;
	v9 =	vld [tilespmem:s22+$0x4300];
	vm0 =	vgt.f32 v16, v3;
	v10 =	vsel vm1, v4, v3;
	v4 =	vsel vm1, s20, v2  }
0x111: {  	s26 =	sor.u32 s23, s24;
	v17 =	vld [tilespmem:s0+$0x4000];
	vm1 =	vgt.f32 v5, v3;
	v21 =	vsel vm0, v16, v3;
	vm0 =	vmmov vm0  }
0x112: {  	v24 =	vld [tilespmem:s26+$0x4000];
	v11 =	vsel vm1, v5, v3;
	v5 =	vsel vm1, s20, v2;
	vm1 =	vgt.f32 v6, v3  }
0x113: {  	v20 =	vld [tilespmem:s26+$0x4080];
	v12 =	vsel vm1, v6, v3;
	v6 =	vsel vm1, s20, v2;
	vm1 =	vgt.f32 v7, v3  }
0x114: {  	v18 =	vld [tilespmem:s26+$0x4100];
	v13 =	vsel vm1, v7, v3;
	v7 =	vsel vm1, s20, v2;
	vm1 =	vgt.f32 v8, v3  }
0x115: {  	v19 =	vld [tilespmem:s26+$0x4180];
	v14 =	vsel vm1, v8, v3;
	v8 =	vsel vm1, s20, v2;
	vm1 =	vgt.f32 v9, v3  }
0x116: {  	s29 =	simm.s32 $0x0;
	s30 =	simm.s32 $0x100;
	v22 =	vld [tilespmem:s26+$0x4200];
	v15 =	vsel vm1, v9, v3;
	v9 =	vsel vm1, s20, v2;
	vm1 =	vgt.f32 v17, v3  }
0x117: {  	s28 =	simm.s32 $0x20;
	s31 =	sor.u32 s25, s21;
	s25 =	simm.s32 $0x10;
	v23 =	vld [tilespmem:s26+$0x4280];
	v16 =	vsel vm1, v17, v3;
	v17 =	vsel vm1, s20, v2;
	vm1 =	vgt.f32 v24, v21  }
.LBB2_6:
0x118: {  	s0 =	sand.u32 $0x70, s28;
	s1 =	sand.u32 $0x1C00, s30;
	v21 =	vsel vm1, v24, v21  }
0x119: {  	vm2 =	vgt.f32 v20, v10;
	v26 =	vld [tilespmem:s26+$0x4300];
	s9 =	sor.u32 $0x380, s31;
	v25 =	vsel vm0, s29, v25;
	vm0 =	vmmov vm1;
	s29 =	smov.u32 s25;
	s25 =	smov.u32 s28  }
0x11a: {  	p0 =	sne.s32 s28, $0x3F0;
	s28 =	sadd.s32 $0x10, s28;
	s26 =	sor.u32 s0, s1;
	v10 =	vsel vm2, v20, v10;
	v4 =	vsel vm2, s29, v4;
	vm1 =	vgt.f32 v18, v11;
	v27 =	vld [tilespmem:s9+$0x4000]  }
0x11b: {  	v24 =	vld [tilespmem:s26+$0x4000];
	v11 =	vsel vm1, v18, v11;
	v5 =	vsel vm1, s29, v5;
	vm1 =	vgt.f32 v19, v12  }
.Ltmp2:
0x11c: {  	v20 =	vld [tilespmem:s26+$0x4080];
	v12 =	vsel vm1, v19, v12;
	v6 =	vsel vm1, s29, v6;
	vm1 =	vgt.f32 v22, v13;
	(pc) =	sbr.rel @p0 .LBB2_6-.Ltmp2, $4  }
0x11d: {  	v18 =	vld [tilespmem:s26+$0x4100];
	v13 =	vsel vm1, v22, v13;
	v7 =	vsel vm1, s29, v7;
	vm1 =	vgt.f32 v23, v14  }
0x11e: {  	v19 =	vld [tilespmem:s26+$0x4180];
	v14 =	vsel vm1, v23, v14;
	v8 =	vsel vm1, s29, v8;
	vm1 =	vgt.f32 v26, v15  }
0x11f: {  	v22 =	vld [tilespmem:s26+$0x4200];
	v15 =	vsel vm1, v26, v15;
	v9 =	vsel vm1, s29, v9;
	vm2 =	vgt.f32 v27, v16  }
0x120: {  	s31 =	sor.u32 s30, s25;
	s30 =	sadd.s32 $0x80, s30;
	vm1 =	vgt.f32 v24, v21;
	v23 =	vld [tilespmem:s26+$0x4280];
	v16 =	vsel vm2, v27, v16;
	v17 =	vsel vm2, s29, v17  }
0x121: {  	v26 =	vld [tilespmem:s26+$0x4300]  }
0x122: {  	s0 =	sor.u32 $0x380, s31;
	v21 =	vsel vm1, v24, v21;
	vm2 =	vgt.f32 v20, v10;
	v24 =	vsel vm0, s29, v25;
	v25 =	vld [tilespmem:s22+$0x6000]  }
0x123: {  	vm0 =	vmmov vm1;
	v37 =	vld [tilespmem:s0+$0x4000];
	v27 =	vsel vm2, v20, v10;
	vm1 =	vgt.f32 v18, v11  }
0x124: {  	v10 =	vld [tilespmem:s22+$0x6080];
	v38 =	vsel vm2, s25, v4;
	v39 =	vsel vm0, s25, v24;
	v31 =	vsel vm1, v18, v11  }
0x125: {  	v4 =	vld [tilespmem:s22+$0x6100];
	vm2 =	vgt.f32 v19, v12;
	v36 =	vsel vm1, s25, v5;
	v18 =	vimm.s32 $0x0  }
0x126: {  	v5 =	vld [tilespmem:s22+$0x6180];
	v34 =	vsel vm2, v19, v12;
	vm1 =	vgt.f32 v22, v13;
	v35 =	vsel vm2, s25, v6  }
0x127: {  	v11 =	vld [tilespmem:s22+$0x6380];
	v32 =	vsel vm1, v22, v13;
	vm2 =	vgt.f32 v23, v14;
	v33 =	vsel vm1, s25, v7  }
0x128: {  	v6 =	vld [tilespmem:s22+$0x6200];
	v29 =	vsel vm2, v23, v14;
	vm1 =	vgt.f32 v26, v15;
	v30 =	vsel vm2, s25, v8  }
0x129: {  	v7 =	vld [tilespmem:s22+$0x6280];
	vm0 =	vgt.f32 v25, v3;
	v26 =	vsel vm1, v26, v15;
	vm2 =	vgt.f32 v37, v16  }
0x12a: {  	v8 =	vld [tilespmem:s22+$0x6300];
	v28 =	vsel vm1, s25, v9;
	vm4 =	vgt.f32 v10, v3;
	v25 =	vsel vm0, v25, v3  }
0x12b: {  	s22 =	sor.u32 s23, s24;
	v20 =	vsel vm0, s20, v2;
	vm5 =	vgt.f32 v4, v3;
	v15 =	vimm.s32 $0x0  }
0x12c: {  	v19 =	vld [tilespmem:s22+$0x6080];
	v22 =	vsel vm2, v37, v16;
	v23 =	vsel vm2, s25, v17;
	v17 =	vsel vm4, v10, v3  }
0x12d: {  	v24 =	vld [tilespmem:s22+$0x6100];
	vm3 =	vgt.f32 v5, v3;
	v16 =	vsel vm5, v4, v3;
	vm15 =	vgt.f32 v11, v3  }
0x12e: {  	v14 =	vld [tilespmem:s22+$0x6180];
	v4 =	vimm.s32 $0x0;
	vm2 =	vgt.f32 v6, v3;
	v13 =	vsel vm3, v5, v3  }
0x12f: {  	v37 =	vld [tilespmem:s22+$0x6000];
	v9 =	vsel vm2, v6, v3;
	vm1 =	vgt.f32 v7, v3;
	vm0 =	vgt.f32 v8, v3  }
0x130: {  	v12 =	vld [tilespmem:s22+$0x6200];
	v6 =	vimm.s32 $0x0;
	v7 =	vsel vm1, v7, v3;
	v5 =	vsel vm0, v8, v3  }
0x131: {  	s23 =	simm.s32 $0x100;
	s24 =	simm.s32 $0x20;
	v10 =	vld [tilespmem:s22+$0x6280];
	v3 =	vsel vm15, v11, v3;
	v11 =	vimm.s32 $0x0;
	v8 =	vimm.s32 $0x0  }
.LBB2_8:
0x132: {  	s0 =	sand.u32 $0x70, s24;
	s1 =	sand.u32 $0x1C00, s23;
	p0 =	sne.s32 s24, $0x3F0;
	v40 =	vld [tilespmem:s22+$0x6300];
	v2 =	vsel vm4, s20, v2;
	v18 =	vsel vm5, s20, v18;
	v15 =	vsel vm3, s20, v15  }
0x133: {  	v11 =	vsel vm2, s20, v11;
	v8 =	vsel vm1, s20, v8;
	v6 =	vsel vm0, s20, v6;
	v41 =	vld [tilespmem:s22+$0x6380];
	s22 =	sor.u32 s0, s1;
	v42 =	vmovc v24  }
0x134: {  	vm0 =	vgt.f32 v37, v25;
	vm4 =	vgt.f32 v19, v17;
	v4 =	vsel vm15, s20, v4;
	s20 =	smov.u32 s21;
	s21 =	smov.u32 s24;
	v43 =	vld [tilespmem:s22+$0x6000]  }
.Ltmp3:
0x135: {  	v25 =	vsel vm0, v37, v25;
	v20 =	vsel vm0, s20, v20;
	v17 =	vsel vm4, v19, v17;
	v19 =	vld [tilespmem:s22+$0x6080];
	(pc) =	sbr.rel @p0 .LBB2_8-.Ltmp3, $4  }
0x136: {  	vm5 =	vgt.f32 v42, v16;
	vm3 =	vgt.f32 v14, v13;
	vm2 =	vgt.f32 v12, v9;
	v24 =	vld [tilespmem:s22+$0x6100]  }
0x137: {  	v16 =	vsel vm5, v42, v16;
	v13 =	vsel vm3, v14, v13;
	v9 =	vsel vm2, v12, v9;
	v14 =	vld [tilespmem:s22+$0x6180]  }
0x138: {  	vm1 =	vgt.f32 v10, v7;
	vm0 =	vgt.f32 v40, v5;
	v12 =	vld [tilespmem:s22+$0x6200];
	vm15 =	vgt.f32 v41, v3  }
0x139: {  	s23 =	sadd.s32 $0x80, s23;
	s24 =	sadd.s32 $0x10, s24;
	v7 =	vsel vm1, v10, v7;
	v5 =	vsel vm0, v40, v5;
	v10 =	vld [tilespmem:s22+$0x6280];
	v3 =	vsel vm15, v41, v3;
	v37 =	vmovc v43  }
0x13a: {  	(xrf0) =	vmax.scan.msk.f32 $0xffff, v21;
	_ =	sdelay $0x5  }
0x13b: {  	v40, _, _ =	vpop (xrf0)  }
0x13c: {  	v40 =	vbroadcast v40, $0xF  }
0x13d: {  	v39 =	vadd.s32 v0, v39  }
0x13e: {  	vm6 =	veq.f32 v21, v40;
	v21 =	vxor.u32 $0x80000000, v39  }
0x13f: {  	v21 =	vnsel vm6, $0xC0000000, v21  }
0x140: {  	(xrf0) =	vmin.scan.msk.u32 $0xffff, v21  }
0x141: {  	(xrf0) =	vmax.scan.msk.f32 $0xffff, v27;
	_ =	sdelay $0x4  }
0x142: {  	v21, _, _ =	vpop (xrf0)  }
0x143: {  	v53, _, _ =	vpop (xrf0)  }
0x144: {  	v39 =	vbroadcast v53, $0xF  }
0x145: {  	v38 =	vadd.s32 v0, v38  }
0x146: {  	vm6 =	veq.f32 v27, v39;
	v27 =	vxor.u32 $0x80000000, v38  }
0x147: {  	v27 =	vnsel vm6, $0xC0000000, v27  }
0x148: {  	(xrf0) =	vmin.scan.msk.u32 $0xffff, v27  }
0x149: {  	(xrf0) =	vmax.scan.msk.f32 $0xffff, v31;
	_ =	sdelay $0x4  }
0x14a: {  	v27, _, _ =	vpop (xrf0)  }
0x14b: {  	v54, _, _ =	vpop (xrf0)  }
0x14c: {  	v38 =	vbroadcast v54, $0xF  }
0x14d: {  	v36 =	vadd.s32 v0, v36  }
0x14e: {  	v55 =	vxor.u32 $0x80000000, v36;
	vm6 =	veq.f32 v31, v38  }
0x14f: {  	v31 =	vnsel vm6, $0xC0000000, v55  }
0x150: {  	(xrf0) =	vmin.scan.msk.u32 $0xffff, v31  }
0x151: {  	(xrf0) =	vmax.scan.msk.f32 $0xffff, v34;
	_ =	sdelay $0x4  }
0x152: {  	v31, _, _ =	vpop (xrf0)  }
0x153: {  	v56, _, _ =	vpop (xrf0)  }
0x154: {  	v36 =	vbroadcast v56, $0xF  }
0x155: {  	v35 =	vadd.s32 v0, v35  }
0x156: {  	v57 =	vxor.u32 $0x80000000, v35;
	vm6 =	veq.f32 v34, v36  }
0x157: {  	v34 =	vnsel vm6, $0xC0000000, v57  }
0x158: {  	(xrf0) =	vmin.scan.msk.u32 $0xffff, v34  }
0x159: {  	(xrf0) =	vmax.scan.msk.f32 $0xffff, v32;
	_ =	sdelay $0x4  }
0x15a: {  	v34, _, _ =	vpop (xrf0)  }
0x15b: {  	v58, _, _ =	vpop (xrf0)  }
0x15c: {  	v35 =	vbroadcast v58, $0xF  }
0x15d: {  	v33 =	vadd.s32 v0, v33  }
0x15e: {  	v59 =	vxor.u32 $0x80000000, v33;
	vm6 =	veq.f32 v32, v35  }
0x15f: {  	v32 =	vnsel vm6, $0xC0000000, v59  }
0x160: {  	(xrf0) =	vmin.scan.msk.u32 $0xffff, v32  }
0x161: {  	(xrf0) =	vmax.scan.msk.f32 $0xffff, v29;
	_ =	sdelay $0x4  }
0x162: {  	v32, _, _ =	vpop (xrf0)  }
0x163: {  	v60, _, _ =	vpop (xrf0)  }
0x164: {  	v33 =	vbroadcast v60, $0xF  }
0x165: {  	v30 =	vadd.s32 v0, v30  }
0x166: {  	v61 =	vxor.u32 $0x80000000, v30;
	vm6 =	veq.f32 v29, v33  }
0x167: {  	v29 =	vnsel vm6, $0xC0000000, v61  }
0x168: {  	(xrf0) =	vmin.scan.msk.u32 $0xffff, v29  }
0x169: {  	(xrf0) =	vmax.scan.msk.f32 $0xffff, v26;
	_ =	sdelay $0x4  }
0x16a: {  	v29, _, _ =	vpop (xrf0)  }
0x16b: {  	v62, _, _ =	vpop (xrf0)  }
0x16c: {  	v30 =	vbroadcast v62, $0xF  }
0x16d: {  	v28 =	vadd.s32 v0, v28  }
0x16e: {  	vm6 =	veq.f32 v26, v30;
	v26 =	vxor.u32 $0x80000000, v28  }
0x16f: {  	v26 =	vnsel vm6, $0xC0000000, v26  }
0x170: {  	(xrf0) =	vmin.scan.msk.u32 $0xffff, v26  }
0x171: {  	(xrf0) =	vmax.scan.msk.f32 $0xffff, v22;
	_ =	sdelay $0x4  }
0x172: {  	v26, _, _ =	vpop (xrf0)  }
0x173: {  	v63, _, _ =	vpop (xrf0)  }
0x174: {  	v28 =	vbroadcast v63, $0xF  }
0x175: {  	v23 =	vadd.s32 v0, v23  }
0x176: {  	vm6 =	veq.f32 v22, v28;
	v22 =	vxor.u32 $0x80000000, v23  }
0x177: {  	v22 =	vnsel vm6, $0xC0000000, v22;
	vm6 =	vgt.f32 v37, v25  }
0x178: {  	v23 =	vsel vm6, v37, v25;
	(xrf0) =	vmin.scan.msk.u32 $0xffff, v22  }
0x179: {  	(xrf0) =	vmax.scan.msk.f32 $0xffff, v23;
	_ =	sdelay $0x4  }
0x17a: {  	v22, _, _ =	vpop (xrf0)  }
0x17b: {  	v25, _, _ =	vpop (xrf0)  }
0x17c: {  	v20 =	vsel vm6, s21, v20;
	v25 =	vbroadcast v25, $0xF  }
0x17d: {  	v20 =	vadd.s32 v0, v20  }
0x17e: {  	v20 =	vxor.u32 $0x80000000, v20;
	vm6 =	veq.f32 v23, v25  }
0x17f: {  	v20 =	vnsel vm6, $0xC0000000, v20;
	vm6 =	vgt.f32 v19, v17  }
0x180: {  	v17 =	vsel vm6, v19, v17;
	(xrf0) =	vmin.scan.msk.u32 $0xffff, v20  }
0x181: {  	(xrf0) =	vmax.scan.msk.f32 $0xffff, v17;
	_ =	sdelay $0x4  }
0x182: {  	v19, _, _ =	vpop (xrf0)  }
0x183: {  	v2 =	vsel vm4, s20, v2;
	v20, _, _ =	vpop (xrf0)  }
0x184: {  	v2 =	vsel vm6, s21, v2;
	v20 =	vbroadcast v20, $0xF  }
0x185: {  	v2 =	vadd.s32 v0, v2  }
0x186: {  	v2 =	vxor.u32 $0x80000000, v2;
	vm4 =	veq.f32 v17, v20  }
0x187: {  	v2 =	vnsel vm4, $0xC0000000, v2;
	vm4 =	vgt.f32 v24, v16  }
0x188: {  	v16 =	vsel vm4, v24, v16;
	(xrf0) =	vmin.scan.msk.u32 $0xffff, v2  }
0x189: {  	(xrf0) =	vmax.scan.msk.f32 $0xffff, v16;
	_ =	sdelay $0x4  }
0x18a: {  	v2, _, _ =	vpop (xrf0)  }
0x18b: {  	v17 =	vsel vm5, s20, v18;
	v18, _, _ =	vpop (xrf0)  }
0x18c: {  	v17 =	vsel vm4, s21, v17;
	v18 =	vbroadcast v18, $0xF  }
0x18d: {  	v17 =	vadd.s32 v0, v17  }
0x18e: {  	vm4 =	veq.f32 v16, v18;
	v16 =	vxor.u32 $0x80000000, v17  }
0x18f: {  	v16 =	vnsel vm4, $0xC0000000, v16;
	vm4 =	vgt.f32 v14, v13  }
0x190: {  	v13 =	vsel vm4, v14, v13;
	(xrf0) =	vmin.scan.msk.u32 $0xffff, v16  }
0x191: {  	(xrf0) =	vmax.scan.msk.f32 $0xffff, v13;
	_ =	sdelay $0x4  }
0x192: {  	v14, _, _ =	vpop (xrf0)  }
0x193: {  	v15 =	vsel vm3, s20, v15;
	v16, _, _ =	vpop (xrf0)  }
0x194: {  	v15 =	vsel vm4, s21, v15;
	v16 =	vbroadcast v16, $0xF  }
0x195: {  	v15 =	vadd.s32 v0, v15  }
0x196: {  	vm3 =	veq.f32 v13, v16;
	v13 =	vxor.u32 $0x80000000, v15  }
0x197: {  	v13 =	vnsel vm3, $0xC0000000, v13;
	vm3 =	vgt.f32 v12, v9  }
0x198: {  	v9 =	vsel vm3, v12, v9;
	(xrf0) =	vmin.scan.msk.u32 $0xffff, v13  }
0x199: {  	(xrf0) =	vmax.scan.msk.f32 $0xffff, v9;
	_ =	sdelay $0x4  }
0x19a: {  	v12, _, _ =	vpop (xrf0)  }
0x19b: {  	v11 =	vsel vm2, s20, v11;
	v13, _, _ =	vpop (xrf0)  }
0x19c: {  	v11 =	vsel vm3, s21, v11;
	v13 =	vbroadcast v13, $0xF  }
0x19d: {  	v11 =	vadd.s32 v0, v11  }
0x19e: {  	vm2 =	veq.f32 v9, v13;
	v9 =	vxor.u32 $0x80000000, v11  }
0x19f: {  	v9 =	vnsel vm2, $0xC0000000, v9;
	vm2 =	vgt.f32 v10, v7  }
0x1a0: {  	v7 =	vsel vm2, v10, v7;
	(xrf0) =	vmin.scan.msk.u32 $0xffff, v9  }
0x1a1: {  	(xrf0) =	vmax.scan.msk.f32 $0xffff, v7;
	_ =	sdelay $0x4  }
0x1a2: {  	v9 =	vld [tilespmem:s22+$0x6300];
	v10, _, _ =	vpop (xrf0)  }
0x1a3: {  	v8 =	vsel vm1, s20, v8;
	v11, _, _ =	vpop (xrf0)  }
0x1a4: {  	v8 =	vsel vm2, s21, v8;
	v11 =	vbroadcast v11, $0xF  }
0x1a5: {  	v8 =	vadd.s32 v0, v8  }
0x1a6: {  	vm1 =	veq.f32 v7, v11;
	v7 =	vxor.u32 $0x80000000, v8  }
0x1a7: {  	v7 =	vnsel vm1, $0xC0000000, v7;
	vm1 =	vgt.f32 v9, v5  }
0x1a8: {  	v5 =	vsel vm1, v9, v5;
	(xrf0) =	vmin.scan.msk.u32 $0xffff, v7  }
0x1a9: {  	(xrf0) =	vmax.scan.msk.f32 $0xffff, v5;
	_ =	sdelay $0x4  }
0x1aa: {  	v7 =	vld [tilespmem:s22+$0x6380];
	v8, _, _ =	vpop (xrf0)  }
0x1ab: {  	v6 =	vsel vm0, s20, v6;
	v9, _, _ =	vpop (xrf0)  }
0x1ac: {  	v6 =	vsel vm1, s21, v6;
	v9 =	vbroadcast v9, $0xF  }
0x1ad: {  	v6 =	vadd.s32 v0, v6  }
0x1ae: {  	vm0 =	veq.f32 v5, v9;
	v5 =	vxor.u32 $0x80000000, v6  }
0x1af: {  	v5 =	vnsel vm0, $0xC0000000, v5;
	vm0 =	vgt.f32 v7, v3  }
0x1b0: {  	v3 =	vsel vm0, v7, v3;
	(xrf0) =	vmin.scan.msk.u32 $0xffff, v5  }
0x1b1: {  	(xrf0) =	vmax.scan.msk.f32 $0xffff, v3;
	_ =	sdelay $0x2  }
0x1b2: {  	(v2sf) =	vpush v21, $0xF  }
0x1b3: {  	(v2sf) =	vpush v27, $0xF  }
0x1b4: {  	(v2sf) =	vpush v31, $0xF;
	v5, _, _ =	vpop (xrf0)  }
0x1b5: {  	v4 =	vsel vm15, s20, v4;
	(v2sf) =	vpush v34, $0xF;
	v6, _, _ =	vpop (xrf0)  }
0x1b6: {  	(v2sf) =	vpush v32, $0xF;
	v4 =	vsel vm0, s21, v4;
	v6 =	vbroadcast v6, $0xF  }
0x1b7: {  	(v2sf) =	vpush v29, $0xF;
	v4 =	vadd.s32 v0, v4  }
0x1b8: {  	(v2sf) =	vpush v26, $0xF;
	vm0 =	veq.f32 v3, v6;
	v3 =	vxor.u32 $0x80000000, v4  }
0x1b9: {  	(v2sf) =	vpush v22, $0xF;
	v3 =	vnsel vm0, $0xC0000000, v3  }
0x1ba: {  	(v2sf) =	vpush v19, $0xF;
	(xrf0) =	vmin.scan.msk.u32 $0xffff, v3  }
0x1bb: {  	(v2sf) =	vpush v2, $0xF  }
0x1bc: {  	(v2sf) =	vpush v14, $0xF  }
0x1bd: {  	(v2sf) =	vpush v12, $0xF  }
0x1be: {  	(v2sf) =	vpush v10, $0xF  }
0x1bf: {  	(v2sf) =	vpush v8, $0xF  }
0x1c0: {  	(v2sf) =	vpush v5, $0xF;
	v2, _, _ =	vpop (xrf0)  }
0x1c1: {  	s0 =	spop (v2sf);
	(v2sf) =	vpush v2, $0xF  }
0x1c2: {  	s1 =	spop (v2sf)  }
0x1c3: {  	s9 =	spop (v2sf)  }
0x1c4: {  	s10 =	spop (v2sf)  }
0x1c5: {  	s11 =	spop (v2sf)  }
0x1c6: {  	s21 =	spop (v2sf)  }
0x1c7: {  	s22 =	spop (v2sf)  }
0x1c8: {  	s23 =	spop (v2sf)  }
0x1c9: {  	s24 =	spop (v2sf)  }
0x1ca: {  	s25 =	spop (v2sf)  }
0x1cb: {  	s26 =	spop (v2sf)  }
0x1cc: {  	s28 =	spop (v2sf)  }
0x1cd: {  	s29 =	spop (v2sf)  }
0x1ce: {  	s30 =	spop (v2sf)  }
0x1cf: {  	s31 =	spop (v2sf)  }
0x1d0: {  	s20 =	spop (v2sf)  }
0x1d1: {  	s20 =	sxor.u32 $0x80000000, s20  }
0x1d2: {  	s0 =	sxor.u32 $0x80000000, s0;
	v2 =	vmov s20  }
0x1d3: {  	s1 =	sxor.u32 $0x80000000, s1;
	v2 =	vsel vm7, s0, v2  }
0x1d4: {  	s9 =	sxor.u32 $0x80000000, s9;
	v2 =	vsel vm8, s1, v2  }
0x1d5: {  	s10 =	sxor.u32 $0x80000000, s10;
	v2 =	vsel vm9, s9, v2  }
0x1d6: {  	s11 =	sxor.u32 $0x80000000, s11;
	v2 =	vsel vm10, s10, v2  }
0x1d7: {  	s21 =	sxor.u32 $0x80000000, s21;
	v2 =	vsel vm11, s11, v2  }
0x1d8: {  	s22 =	sxor.u32 $0x80000000, s22;
	v2 =	vsel vm12, s21, v2  }
0x1d9: {  	s23 =	sxor.u32 $0x80000000, s23;
	v2 =	vsel vm13, s22, v2  }
0x1da: {  	s24 =	sxor.u32 $0x80000000, s24;
	vm0 =	vcmask $0x2320;
	v2 =	vsel vm14, s23, v2  }
0x1db: {  	s25 =	sxor.u32 $0x80000000, s25;
	v2 =	vsel vm0, s24, v2;
	vm0 =	vcmask $0x2724  }
0x1dc: {  	s26 =	sxor.u32 $0x80000000, s26;
	v2 =	vsel vm0, s25, v2;
	vm0 =	vcmask $0x2B28  }
0x1dd: {  	s9 =	sxor.u32 $0x80000000, s28;
	v2 =	vsel vm0, s26, v2;
	vm0 =	vcmask $0x2F2C  }
0x1de: {  	s10 =	sxor.u32 $0x80000000, s29;
	v2 =	vsel vm0, s9, v2;
	vm0 =	vcmask $0x3330  }
0x1df: {  	s11 =	sxor.u32 $0x80000000, s30;
	v2 =	vsel vm0, s10, v2;
	vm0 =	vcmask $0x3734  }
0x1e0: {  	s21 =	sxor.u32 $0x80000000, s31;
	v2 =	vsel vm0, s11, v2;
	vm0 =	vcmask $0x3B38  }
0x1e1: {  	v2 =	vsel vm0, s21, v2  }
0x1e2: {  	v3 =	vperm.xlane v2, v1  }
0x1e3: {  	vm0 =	veq.s32 v0, $0x0  }
0x1e4: {  	v3 =	vsel vm0, s19, v3  }
0x1e5: {  	vm1 =	vne.s32 v2, $0x0;
	vm0 =	vne.s32 v2, v3  }
0x1e6: {  	vm0 =	vmand vm1, vm0  }
0x1e7: {  	v2 =	vnsel vm0, $0xFFFFFFFF, v2  }
0x1e8: {  	[tilespmem:$0xC410] =	vst v2  }
0x1e9: {  	s19 =	simm.s32 $0x0;
	_ =	swait.ge [sflag:s15], $0x4000  }
0x1ea: {  	s22 =	sand.u32 $0x70, s19;
	s23 =	sand.u32 $0x1C00, s19;
	[sflag:s15] =	ssyncset.done $0x0  }
0x1eb: {  	s22 =	sor.u32 s22, s23;
	[sflag:s15] =	ssyncadd.s32 $0xFFFFC000  }
0x1ec: {  	v4 =	vld [tilespmem:s22+$0x8080]  }
0x1ed: {  	v16 =	vld [tilespmem:s22+$0x8000]  }
0x1ee: {  	v5 =	vld [tilespmem:s22+$0x8100]  }
0x1ef: {  	v6 =	vld [tilespmem:s22+$0x8180]  }
0x1f0: {  	v3 =	vimm.f32 $-Inf;
	v7 =	vld [tilespmem:s22+$0x8200]  }
0x1f1: {  	v25 =	vimm.s32 $0x0;
	s25 =	simm.s32 $0x80;
	s21 =	simm.s32 $0x10;
	s24 =	sor.u32 s19, s19;
	v2 =	vimm.s32 $0x0;
	v8 =	vld [tilespmem:s22+$0x8280];
	vm1 =	vgt.f32 v4, v3  }
0x1f2: {  	s0 =	sor.u32 $0x380, s24;
	s23 =	sand.u32 $0x70, s21;
	s24 =	sand.u32 $0x1C00, s25;
	v9 =	vld [tilespmem:s22+$0x8300];
	vm0 =	vgt.f32 v16, v3;
	v10 =	vsel vm1, v4, v3;
	v4 =	vsel vm1, s19, v2  }
0x1f3: {  	s26 =	sor.u32 s23, s24;
	v17 =	vld [tilespmem:s0+$0x8000];
	vm1 =	vgt.f32 v5, v3;
	v21 =	vsel vm0, v16, v3;
	vm0 =	vmmov vm0  }
0x1f4: {  	v24 =	vld [tilespmem:s26+$0x8000];
	v11 =	vsel vm1, v5, v3;
	v5 =	vsel vm1, s19, v2;
	vm1 =	vgt.f32 v6, v3  }
0x1f5: {  	v20 =	vld [tilespmem:s26+$0x8080];
	v12 =	vsel vm1, v6, v3;
	v6 =	vsel vm1, s19, v2;
	vm1 =	vgt.f32 v7, v3  }
0x1f6: {  	v18 =	vld [tilespmem:s26+$0x8100];
	v13 =	vsel vm1, v7, v3;
	v7 =	vsel vm1, s19, v2;
	vm1 =	vgt.f32 v8, v3  }
0x1f7: {  	v19 =	vld [tilespmem:s26+$0x8180];
	v14 =	vsel vm1, v8, v3;
	v8 =	vsel vm1, s19, v2;
	vm1 =	vgt.f32 v9, v3  }
0x1f8: {  	s28 =	simm.s32 $0x20;
	s29 =	simm.s32 $0x0;
	v22 =	vld [tilespmem:s26+$0x8200];
	v15 =	vsel vm1, v9, v3;
	v9 =	vsel vm1, s19, v2;
	vm1 =	vgt.f32 v17, v3  }
0x1f9: {  	s30 =	simm.s32 $0x100;
	s31 =	sor.u32 s25, s21;
	s25 =	simm.s32 $0x10;
	v23 =	vld [tilespmem:s26+$0x8280];
	v16 =	vsel vm1, v17, v3;
	v17 =	vsel vm1, s19, v2;
	vm1 =	vgt.f32 v24, v21  }
.LBB2_10:
0x1fa: {  	s0 =	sand.u32 $0x70, s28;
	s1 =	sand.u32 $0x1C00, s30;
	v21 =	vsel vm1, v24, v21  }
0x1fb: {  	vm2 =	vgt.f32 v20, v10;
	v26 =	vld [tilespmem:s26+$0x8300];
	s9 =	sor.u32 $0x380, s31;
	v25 =	vsel vm0, s29, v25;
	vm0 =	vmmov vm1;
	s29 =	smov.u32 s25;
	s25 =	smov.u32 s28  }
0x1fc: {  	p0 =	sne.s32 s28, $0x3F0;
	s28 =	sadd.s32 $0x10, s28;
	s26 =	sor.u32 s0, s1;
	v10 =	vsel vm2, v20, v10;
	v4 =	vsel vm2, s29, v4;
	vm1 =	vgt.f32 v18, v11;
	v27 =	vld [tilespmem:s9+$0x8000]  }
0x1fd: {  	v24 =	vld [tilespmem:s26+$0x8000];
	v11 =	vsel vm1, v18, v11;
	v5 =	vsel vm1, s29, v5;
	vm1 =	vgt.f32 v19, v12  }
.Ltmp4:
0x1fe: {  	v20 =	vld [tilespmem:s26+$0x8080];
	v12 =	vsel vm1, v19, v12;
	v6 =	vsel vm1, s29, v6;
	vm1 =	vgt.f32 v22, v13;
	(pc) =	sbr.rel @p0 .LBB2_10-.Ltmp4, $4  }
0x1ff: {  	v18 =	vld [tilespmem:s26+$0x8100];
	v13 =	vsel vm1, v22, v13;
	v7 =	vsel vm1, s29, v7;
	vm1 =	vgt.f32 v23, v14  }
0x200: {  	v19 =	vld [tilespmem:s26+$0x8180];
	v14 =	vsel vm1, v23, v14;
	v8 =	vsel vm1, s29, v8;
	vm1 =	vgt.f32 v26, v15  }
0x201: {  	v22 =	vld [tilespmem:s26+$0x8200];
	v15 =	vsel vm1, v26, v15;
	v9 =	vsel vm1, s29, v9;
	vm2 =	vgt.f32 v27, v16  }
0x202: {  	s31 =	sor.u32 s30, s25;
	s30 =	sadd.s32 $0x80, s30;
	vm1 =	vgt.f32 v24, v21;
	v23 =	vld [tilespmem:s26+$0x8280];
	v16 =	vsel vm2, v27, v16;
	v17 =	vsel vm2, s29, v17  }
0x203: {  	v26 =	vld [tilespmem:s26+$0x8300]  }
0x204: {  	s0 =	sor.u32 $0x380, s31;
	v21 =	vsel vm1, v24, v21;
	vm2 =	vgt.f32 v20, v10;
	v24 =	vsel vm0, s29, v25;
	v25 =	vld [tilespmem:s22+$0xA000]  }
0x205: {  	vm0 =	vmmov vm1;
	v37 =	vld [tilespmem:s0+$0x8000];
	v27 =	vsel vm2, v20, v10;
	vm1 =	vgt.f32 v18, v11  }
0x206: {  	v10 =	vld [tilespmem:s22+$0xA080];
	v38 =	vsel vm2, s25, v4;
	v39 =	vsel vm0, s25, v24;
	v31 =	vsel vm1, v18, v11  }
0x207: {  	v4 =	vld [tilespmem:s22+$0xA100];
	vm2 =	vgt.f32 v19, v12;
	v36 =	vsel vm1, s25, v5;
	v18 =	vimm.s32 $0x0  }
0x208: {  	v5 =	vld [tilespmem:s22+$0xA180];
	v34 =	vsel vm2, v19, v12;
	vm1 =	vgt.f32 v22, v13;
	v35 =	vsel vm2, s25, v6  }
0x209: {  	v11 =	vld [tilespmem:s22+$0xA380];
	v32 =	vsel vm1, v22, v13;
	vm2 =	vgt.f32 v23, v14;
	v33 =	vsel vm1, s25, v7  }
0x20a: {  	v6 =	vld [tilespmem:s22+$0xA200];
	v29 =	vsel vm2, v23, v14;
	vm1 =	vgt.f32 v26, v15;
	v30 =	vsel vm2, s25, v8  }
0x20b: {  	v7 =	vld [tilespmem:s22+$0xA280];
	vm0 =	vgt.f32 v25, v3;
	v26 =	vsel vm1, v26, v15;
	vm2 =	vgt.f32 v37, v16  }
0x20c: {  	v8 =	vld [tilespmem:s22+$0xA300];
	v28 =	vsel vm1, s25, v9;
	vm4 =	vgt.f32 v10, v3;
	v25 =	vsel vm0, v25, v3  }
0x20d: {  	s22 =	sor.u32 s23, s24;
	v20 =	vsel vm0, s19, v2;
	vm5 =	vgt.f32 v4, v3;
	v15 =	vimm.s32 $0x0  }
0x20e: {  	v19 =	vld [tilespmem:s22+$0xA080];
	v22 =	vsel vm2, v37, v16;
	v23 =	vsel vm2, s25, v17;
	v17 =	vsel vm4, v10, v3  }
0x20f: {  	v24 =	vld [tilespmem:s22+$0xA100];
	vm3 =	vgt.f32 v5, v3;
	v16 =	vsel vm5, v4, v3;
	vm15 =	vgt.f32 v11, v3  }
0x210: {  	v14 =	vld [tilespmem:s22+$0xA180];
	v4 =	vimm.s32 $0x0;
	vm2 =	vgt.f32 v6, v3;
	v13 =	vsel vm3, v5, v3  }
0x211: {  	v37 =	vld [tilespmem:s22+$0xA000];
	v9 =	vsel vm2, v6, v3;
	vm1 =	vgt.f32 v7, v3;
	vm0 =	vgt.f32 v8, v3  }
0x212: {  	v12 =	vld [tilespmem:s22+$0xA200];
	v6 =	vimm.s32 $0x0;
	v7 =	vsel vm1, v7, v3;
	v5 =	vsel vm0, v8, v3  }
0x213: {  	s23 =	simm.s32 $0x100;
	s24 =	simm.s32 $0x20;
	v10 =	vld [tilespmem:s22+$0xA280];
	v3 =	vsel vm15, v11, v3;
	v11 =	vimm.s32 $0x0;
	v8 =	vimm.s32 $0x0  }
.LBB2_12:
0x214: {  	s0 =	sand.u32 $0x70, s24;
	s1 =	sand.u32 $0x1C00, s23;
	p0 =	sne.s32 s24, $0x3F0;
	v40 =	vld [tilespmem:s22+$0xA300];
	v2 =	vsel vm4, s19, v2;
	v18 =	vsel vm5, s19, v18;
	v15 =	vsel vm3, s19, v15  }
0x215: {  	v11 =	vsel vm2, s19, v11;
	v8 =	vsel vm1, s19, v8;
	v6 =	vsel vm0, s19, v6;
	v41 =	vld [tilespmem:s22+$0xA380];
	s22 =	sor.u32 s0, s1;
	v42 =	vmovc v24  }
0x216: {  	vm0 =	vgt.f32 v37, v25;
	vm4 =	vgt.f32 v19, v17;
	v4 =	vsel vm15, s19, v4;
	s19 =	smov.u32 s21;
	s21 =	smov.u32 s24;
	v43 =	vld [tilespmem:s22+$0xA000]  }
.Ltmp5:
0x217: {  	v25 =	vsel vm0, v37, v25;
	v20 =	vsel vm0, s19, v20;
	v17 =	vsel vm4, v19, v17;
	v19 =	vld [tilespmem:s22+$0xA080];
	(pc) =	sbr.rel @p0 .LBB2_12-.Ltmp5, $4  }
0x218: {  	vm5 =	vgt.f32 v42, v16;
	vm3 =	vgt.f32 v14, v13;
	vm2 =	vgt.f32 v12, v9;
	v24 =	vld [tilespmem:s22+$0xA100]  }
0x219: {  	v16 =	vsel vm5, v42, v16;
	v13 =	vsel vm3, v14, v13;
	v9 =	vsel vm2, v12, v9;
	v14 =	vld [tilespmem:s22+$0xA180]  }
0x21a: {  	vm1 =	vgt.f32 v10, v7;
	vm0 =	vgt.f32 v40, v5;
	v12 =	vld [tilespmem:s22+$0xA200];
	vm15 =	vgt.f32 v41, v3  }
0x21b: {  	s23 =	sadd.s32 $0x80, s23;
	s24 =	sadd.s32 $0x10, s24;
	v7 =	vsel vm1, v10, v7;
	v5 =	vsel vm0, v40, v5;
	v10 =	vld [tilespmem:s22+$0xA280];
	v3 =	vsel vm15, v41, v3;
	v37 =	vmovc v43  }
0x21c: {  	(xrf0) =	vmax.scan.msk.f32 $0xffff, v21;
	_ =	sdelay $0x5  }
0x21d: {  	v40, _, _ =	vpop (xrf0)  }
0x21e: {  	v40 =	vbroadcast v40, $0xF  }
0x21f: {  	v39 =	vadd.s32 v0, v39  }
0x220: {  	v54 =	vxor.u32 $0x80000000, v39;
	vm6 =	veq.f32 v21, v40  }
0x221: {  	v21 =	vnsel vm6, $0xC0000000, v54  }
0x222: {  	(xrf0) =	vmin.scan.msk.u32 $0xffff, v21  }
0x223: {  	(xrf0) =	vmax.scan.msk.f32 $0xffff, v27;
	_ =	sdelay $0x4  }
0x224: {  	v21, _, _ =	vpop (xrf0)  }
0x225: {  	v55, _, _ =	vpop (xrf0)  }
0x226: {  	v39 =	vbroadcast v55, $0xF  }
0x227: {  	v38 =	vadd.s32 v0, v38  }
0x228: {  	v56 =	vxor.u32 $0x80000000, v38;
	vm6 =	veq.f32 v27, v39  }
0x229: {  	v27 =	vnsel vm6, $0xC0000000, v56  }
0x22a: {  	(xrf0) =	vmin.scan.msk.u32 $0xffff, v27  }
0x22b: {  	(xrf0) =	vmax.scan.msk.f32 $0xffff, v31;
	_ =	sdelay $0x4  }
0x22c: {  	v27, _, _ =	vpop (xrf0)  }
0x22d: {  	v57, _, _ =	vpop (xrf0)  }
0x22e: {  	v38 =	vbroadcast v57, $0xF  }
0x22f: {  	v36 =	vadd.s32 v0, v36  }
0x230: {  	v58 =	vxor.u32 $0x80000000, v36;
	vm6 =	veq.f32 v31, v38  }
0x231: {  	v31 =	vnsel vm6, $0xC0000000, v58  }
0x232: {  	(xrf0) =	vmin.scan.msk.u32 $0xffff, v31  }
0x233: {  	(xrf0) =	vmax.scan.msk.f32 $0xffff, v34;
	_ =	sdelay $0x4  }
0x234: {  	v31, _, _ =	vpop (xrf0)  }
0x235: {  	v59, _, _ =	vpop (xrf0)  }
0x236: {  	v36 =	vbroadcast v59, $0xF  }
0x237: {  	v35 =	vadd.s32 v0, v35  }
0x238: {  	v60 =	vxor.u32 $0x80000000, v35;
	vm6 =	veq.f32 v34, v36  }
0x239: {  	v34 =	vnsel vm6, $0xC0000000, v60  }
0x23a: {  	(xrf0) =	vmin.scan.msk.u32 $0xffff, v34  }
0x23b: {  	(xrf0) =	vmax.scan.msk.f32 $0xffff, v32;
	_ =	sdelay $0x4  }
0x23c: {  	v34, _, _ =	vpop (xrf0)  }
0x23d: {  	v61, _, _ =	vpop (xrf0)  }
0x23e: {  	v35 =	vbroadcast v61, $0xF  }
0x23f: {  	v33 =	vadd.s32 v0, v33  }
0x240: {  	v62 =	vxor.u32 $0x80000000, v33;
	vm6 =	veq.f32 v32, v35  }
0x241: {  	v32 =	vnsel vm6, $0xC0000000, v62  }
0x242: {  	(xrf0) =	vmin.scan.msk.u32 $0xffff, v32  }
0x243: {  	(xrf0) =	vmax.scan.msk.f32 $0xffff, v29;
	_ =	sdelay $0x4  }
0x244: {  	v32, _, _ =	vpop (xrf0)  }
0x245: {  	v63, _, _ =	vpop (xrf0)  }
0x246: {  	v33 =	vbroadcast v63, $0xF  }
0x247: {  	v30 =	vadd.s32 v0, v30  }
0x248: {  	v36 =	vxor.u32 $0x80000000, v30;
	vm6 =	veq.f32 v29, v33  }
0x249: {  	v29 =	vnsel vm6, $0xC0000000, v36  }
0x24a: {  	(xrf0) =	vmin.scan.msk.u32 $0xffff, v29  }
0x24b: {  	(xrf0) =	vmax.scan.msk.f32 $0xffff, v26;
	_ =	sdelay $0x4  }
0x24c: {  	v29, _, _ =	vpop (xrf0)  }
0x24d: {  	v38, _, _ =	vpop (xrf0)  }
0x24e: {  	v30 =	vbroadcast v38, $0xF  }
0x24f: {  	v28 =	vadd.s32 v0, v28  }
0x250: {  	v39 =	vxor.u32 $0x80000000, v28;
	vm6 =	veq.f32 v26, v30  }
0x251: {  	v26 =	vnsel vm6, $0xC0000000, v39  }
0x252: {  	(xrf0) =	vmin.scan.msk.u32 $0xffff, v26  }
0x253: {  	(xrf0) =	vmax.scan.msk.f32 $0xffff, v22;
	_ =	sdelay $0x4  }
0x254: {  	v26, _, _ =	vpop (xrf0)  }
0x255: {  	v40, _, _ =	vpop (xrf0)  }
0x256: {  	v28 =	vbroadcast v40, $0xF  }
0x257: {  	v23 =	vadd.s32 v0, v23  }
0x258: {  	v41 =	vxor.u32 $0x80000000, v23;
	vm6 =	veq.f32 v22, v28  }
0x259: {  	v22 =	vnsel vm6, $0xC0000000, v41;
	vm6 =	vgt.f32 v37, v25  }
0x25a: {  	v42 =	vsel vm6, v37, v25;
	(xrf0) =	vmin.scan.msk.u32 $0xffff, v22  }
0x25b: {  	(xrf0) =	vmax.scan.msk.f32 $0xffff, v42;
	_ =	sdelay $0x4  }
0x25c: {  	v22, _, _ =	vpop (xrf0)  }
0x25d: {  	v43, _, _ =	vpop (xrf0)  }
0x25e: {  	v20 =	vsel vm6, s21, v20;
	v25 =	vbroadcast v43, $0xF  }
0x25f: {  	v20 =	vadd.s32 v0, v20  }
0x260: {  	v20 =	vxor.u32 $0x80000000, v20;
	vm6 =	veq.f32 v42, v25  }
0x261: {  	v20 =	vnsel vm6, $0xC0000000, v20;
	vm6 =	vgt.f32 v19, v17  }
0x262: {  	v17 =	vsel vm6, v19, v17;
	(xrf0) =	vmin.scan.msk.u32 $0xffff, v20  }
0x263: {  	(xrf0) =	vmax.scan.msk.f32 $0xffff, v17;
	_ =	sdelay $0x4  }
0x264: {  	v44, _, _ =	vpop (xrf0)  }
0x265: {  	v2 =	vsel vm4, s19, v2;
	v45, _, _ =	vpop (xrf0)  }
0x266: {  	v2 =	vsel vm6, s21, v2;
	v20 =	vbroadcast v45, $0xF  }
0x267: {  	v2 =	vadd.s32 v0, v2  }
0x268: {  	v2 =	vxor.u32 $0x80000000, v2;
	vm4 =	veq.f32 v17, v20  }
0x269: {  	v2 =	vnsel vm4, $0xC0000000, v2;
	vm4 =	vgt.f32 v24, v16  }
0x26a: {  	v16 =	vsel vm4, v24, v16;
	(xrf0) =	vmin.scan.msk.u32 $0xffff, v2  }
0x26b: {  	(xrf0) =	vmax.scan.msk.f32 $0xffff, v16;
	_ =	sdelay $0x4  }
0x26c: {  	v2, _, _ =	vpop (xrf0)  }
0x26d: {  	v46 =	vsel vm5, s19, v18;
	v47, _, _ =	vpop (xrf0)  }
0x26e: {  	v17 =	vsel vm4, s21, v46;
	v18 =	vbroadcast v47, $0xF  }
0x26f: {  	v17 =	vadd.s32 v0, v17  }
0x270: {  	v48 =	vxor.u32 $0x80000000, v17;
	vm4 =	veq.f32 v16, v18  }
0x271: {  	v16 =	vnsel vm4, $0xC0000000, v48;
	vm4 =	vgt.f32 v14, v13  }
0x272: {  	v13 =	vsel vm4, v14, v13;
	(xrf0) =	vmin.scan.msk.u32 $0xffff, v16  }
0x273: {  	(xrf0) =	vmax.scan.msk.f32 $0xffff, v13;
	_ =	sdelay $0x4  }
0x274: {  	v49, _, _ =	vpop (xrf0)  }
0x275: {  	v15 =	vsel vm3, s19, v15;
	v50, _, _ =	vpop (xrf0)  }
0x276: {  	v15 =	vsel vm4, s21, v15;
	v16 =	vbroadcast v50, $0xF  }
0x277: {  	v15 =	vadd.s32 v0, v15  }
0x278: {  	v51 =	vxor.u32 $0x80000000, v15;
	vm3 =	veq.f32 v13, v16  }
0x279: {  	v13 =	vnsel vm3, $0xC0000000, v51;
	vm3 =	vgt.f32 v12, v9  }
0x27a: {  	v9 =	vsel vm3, v12, v9;
	(xrf0) =	vmin.scan.msk.u32 $0xffff, v13  }
0x27b: {  	(xrf0) =	vmax.scan.msk.f32 $0xffff, v9;
	_ =	sdelay $0x4  }
0x27c: {  	v52, _, _ =	vpop (xrf0)  }
0x27d: {  	v11 =	vsel vm2, s19, v11;
	v53, _, _ =	vpop (xrf0)  }
0x27e: {  	v11 =	vsel vm3, s21, v11;
	v13 =	vbroadcast v53, $0xF  }
0x27f: {  	v11 =	vadd.s32 v0, v11  }
0x280: {  	v54 =	vxor.u32 $0x80000000, v11;
	vm2 =	veq.f32 v9, v13  }
0x281: {  	v9 =	vnsel vm2, $0xC0000000, v54;
	vm2 =	vgt.f32 v10, v7  }
0x282: {  	v7 =	vsel vm2, v10, v7;
	(xrf0) =	vmin.scan.msk.u32 $0xffff, v9  }
0x283: {  	(xrf0) =	vmax.scan.msk.f32 $0xffff, v7;
	_ =	sdelay $0x4  }
0x284: {  	v55 =	vld [tilespmem:s22+$0xA300];
	v56, _, _ =	vpop (xrf0)  }
0x285: {  	v8 =	vsel vm1, s19, v8;
	v57, _, _ =	vpop (xrf0)  }
0x286: {  	v8 =	vsel vm2, s21, v8;
	v11 =	vbroadcast v57, $0xF  }
0x287: {  	v8 =	vadd.s32 v0, v8  }
0x288: {  	v58 =	vxor.u32 $0x80000000, v8;
	vm1 =	veq.f32 v7, v11  }
0x289: {  	v7 =	vnsel vm1, $0xC0000000, v58;
	vm1 =	vgt.f32 v55, v5  }
0x28a: {  	v5 =	vsel vm1, v55, v5;
	(xrf0) =	vmin.scan.msk.u32 $0xffff, v7  }
0x28b: {  	(xrf0) =	vmax.scan.msk.f32 $0xffff, v5;
	_ =	sdelay $0x4  }
0x28c: {  	v59 =	vld [tilespmem:s22+$0xA380];
	v60, _, _ =	vpop (xrf0)  }
0x28d: {  	v6 =	vsel vm0, s19, v6;
	v61, _, _ =	vpop (xrf0)  }
0x28e: {  	v6 =	vsel vm1, s21, v6;
	v9 =	vbroadcast v61, $0xF  }
0x28f: {  	v6 =	vadd.s32 v0, v6  }
0x290: {  	v62 =	vxor.u32 $0x80000000, v6;
	vm0 =	veq.f32 v5, v9  }
0x291: {  	v5 =	vnsel vm0, $0xC0000000, v62;
	vm0 =	vgt.f32 v59, v3  }
0x292: {  	v3 =	vsel vm0, v59, v3;
	(xrf0) =	vmin.scan.msk.u32 $0xffff, v5  }
0x293: {  	(xrf0) =	vmax.scan.msk.f32 $0xffff, v3;
	_ =	sdelay $0x2  }
0x294: {  	(v2sf) =	vpush v21, $0xF  }
0x295: {  	(v2sf) =	vpush v27, $0xF  }
0x296: {  	(v2sf) =	vpush v31, $0xF;
	v5, _, _ =	vpop (xrf0)  }
0x297: {  	v4 =	vsel vm15, s19, v4;
	(v2sf) =	vpush v34, $0xF;
	v63, _, _ =	vpop (xrf0)  }
0x298: {  	(v2sf) =	vpush v32, $0xF;
	v4 =	vsel vm0, s21, v4;
	v6 =	vbroadcast v63, $0xF  }
0x299: {  	(v2sf) =	vpush v29, $0xF;
	v4 =	vadd.s32 v0, v4  }
0x29a: {  	(v2sf) =	vpush v26, $0xF;
	vm0 =	veq.f32 v3, v6;
	v3 =	vxor.u32 $0x80000000, v4  }
0x29b: {  	(v2sf) =	vpush v22, $0xF;
	v3 =	vnsel vm0, $0xC0000000, v3  }
0x29c: {  	(v2sf) =	vpush v44, $0xF;
	(xrf0) =	vmin.scan.msk.u32 $0xffff, v3  }
0x29d: {  	(v2sf) =	vpush v2, $0xF  }
0x29e: {  	(v2sf) =	vpush v49, $0xF  }
0x29f: {  	(v2sf) =	vpush v52, $0xF  }
0x2a0: {  	(v2sf) =	vpush v56, $0xF  }
0x2a1: {  	(v2sf) =	vpush v60, $0xF  }
0x2a2: {  	(v2sf) =	vpush v5, $0xF;
	v2, _, _ =	vpop (xrf0)  }
0x2a3: {  	s0 =	spop (v2sf);
	(v2sf) =	vpush v2, $0xF  }
0x2a4: {  	s1 =	spop (v2sf)  }
0x2a5: {  	s9 =	spop (v2sf)  }
0x2a6: {  	s10 =	spop (v2sf)  }
0x2a7: {  	s11 =	spop (v2sf)  }
0x2a8: {  	s19 =	spop (v2sf)  }
0x2a9: {  	s21 =	spop (v2sf)  }
0x2aa: {  	s22 =	spop (v2sf)  }
0x2ab: {  	s23 =	spop (v2sf)  }
0x2ac: {  	s24 =	spop (v2sf)  }
0x2ad: {  	s25 =	spop (v2sf)  }
0x2ae: {  	s26 =	spop (v2sf)  }
0x2af: {  	s28 =	spop (v2sf)  }
0x2b0: {  	s29 =	spop (v2sf)  }
0x2b1: {  	s30 =	spop (v2sf)  }
0x2b2: {  	s31 =	spop (v2sf)  }
0x2b3: {  	s31 =	sxor.u32 $0x80000000, s31  }
0x2b4: {  	s0 =	sxor.u32 $0x80000000, s0;
	v2 =	vmov s31  }
0x2b5: {  	s1 =	sxor.u32 $0x80000000, s1;
	v2 =	vsel vm7, s0, v2  }
0x2b6: {  	s9 =	sxor.u32 $0x80000000, s9;
	v2 =	vsel vm8, s1, v2  }
0x2b7: {  	s10 =	sxor.u32 $0x80000000, s10;
	v2 =	vsel vm9, s9, v2  }
0x2b8: {  	s11 =	sxor.u32 $0x80000000, s11;
	v2 =	vsel vm10, s10, v2  }
0x2b9: {  	s19 =	sxor.u32 $0x80000000, s19;
	v2 =	vsel vm11, s11, v2  }
0x2ba: {  	s21 =	sxor.u32 $0x80000000, s21;
	v2 =	vsel vm12, s19, v2  }
0x2bb: {  	s22 =	sxor.u32 $0x80000000, s22;
	v2 =	vsel vm13, s21, v2  }
0x2bc: {  	s23 =	sxor.u32 $0x80000000, s23;
	vm0 =	vcmask $0x2320;
	v2 =	vsel vm14, s22, v2  }
0x2bd: {  	s24 =	sxor.u32 $0x80000000, s24;
	v2 =	vsel vm0, s23, v2;
	vm0 =	vcmask $0x2724  }
0x2be: {  	s25 =	sxor.u32 $0x80000000, s25;
	v2 =	vsel vm0, s24, v2;
	vm0 =	vcmask $0x2B28  }
0x2bf: {  	s26 =	sxor.u32 $0x80000000, s26;
	v2 =	vsel vm0, s25, v2;
	vm0 =	vcmask $0x2F2C  }
0x2c0: {  	s28 =	sxor.u32 $0x80000000, s28;
	v2 =	vsel vm0, s26, v2;
	vm0 =	vcmask $0x3330  }
0x2c1: {  	s29 =	sxor.u32 $0x80000000, s29;
	v2 =	vsel vm0, s28, v2;
	vm0 =	vcmask $0x3734  }
0x2c2: {  	s31 =	sxor.u32 $0x80000000, s30;
	v2 =	vsel vm0, s29, v2;
	vm0 =	vcmask $0x3B38  }
0x2c3: {  	v2 =	vsel vm0, s31, v2  }
0x2c4: {  	v3 =	vperm.xlane v2, v1  }
0x2c5: {  	vm0 =	veq.s32 v0, $0x0  }
0x2c6: {  	v3 =	vsel vm0, s20, v3  }
0x2c7: {  	vm1 =	vne.s32 v2, $0x0;
	vm0 =	vne.s32 v2, v3  }
0x2c8: {  	s18 =	sadd.s32 $0x1, s18;
	vm0 =	vmand vm1, vm0  }
0x2c9: {  	p0 =	sne.s32 s18, s8;
	v2 =	vnsel vm0, $0xFFFFFFFF, v2  }
.Ltmp6:
0x2ca: {  	[tilespmem:$0xC420] =	vst v2;
	(pc) =	sbr.rel @p0 .LBB2_1-.Ltmp6, $4  }
0x2cb: {  	[hbm4b:s7+s2] =	stream.linear.scatter [tilespmem:s16], [sflag:$0x4], $0x30, $0x38;
	[tilespmem:$0xC480] =	vst v63  }
0x2cc: {  	_ =	swait.ge [sflag:s17], $0x30  }
0x2cd: {  	[sflag:s17] =	ssyncset.done $0x0  }
0x2ce: {  	[sflag:s17] =	ssyncadd.s32 $0xFFFFFFD0  }
0x2cf: {  	_ =	sfence.sel $0x180000  }
0x2d0: {  	[bflag:$0x0] =	sbarrier.arrive $0xFFFF  }
0x2d1: {  	_ =	strace $0x90000047  }
0x2d2: {  	s0 =	stileid.u32;
	[bflag:$0x2] =	sbarrier.arrive $0xFFFF  }
0x2d3: {  	p0 =	sne.s32 s0, $0x0;
	s0 =	rddreg [dreg:$0x2]  }
0x2d4: {  	s0 =	sadd.s32 @!p0 $0x100000, s0  }
0x2d5: {  	[sflag:s0] =	ssyncadd.tile.s32 @!p0 $0x1;
	_ =	shalt  }
.Lfunc_end2:
_tile_overlayer_lowered:
.L_overlay_start_2:
0x2d6: {  	(tag) =	ssettag $0x2  }
0x2d7: {  	s0 =	rddreg [dreg:$0x0];
	s2 =	stileid.u32  }
0x2d8: {  	s1 =	rddreg [dreg:$0x1];
	p0 =	sne.s32 s2, $0x0  }
0x2d9: {  	s3 =	rddreg [dreg:$0x2];
	[bflag:$0x3] =	sbarrier.arrive $0xFFFF;
	s2 =	simm.s32 @!p0 $0x1C04  }
0x2da: {  	[timem:s3], [sflag:s2] =	dma.local @!p0 [hbm:s0], s1  }
0x2db: {  	s0 =	simm.s32 @!p0 $0x4  }
0x2dc: {  	_ =	swait.ge @!p0 [sflag:s0], s1  }
0x2dd: {  	s1 =	ssub.s32 @!p0 $0x0, s1;
	[sflag:s0] =	ssyncset.done @!p0 $0x0  }
0x2de: {  	[sflag:s0] =	ssyncadd.s32 @!p0 s1  }
0x2df: {  	[bflag:$0x3] =	sbarrier.arrive $0xFFFF  }
0x2e0: {  	_ =	shalt  }

</sc_bundles>
